<compile_context>
chip_gen: v7x
topology: tpu7x:2x2x1
jax: 0.10.2.dev20260603
libtpu: 0.0.44.dev20260713+nightly
codegen_flags: <defaults>
</compile_context>

<pallas_src>
import functools

import jax
import jax.numpy as jnp
from jax import lax
from jax.experimental import pallas as pl
from jax.experimental.pallas import tpu as pltpu
from jax.experimental.pallas import tpu_sc as plsc

NUM_ITEMS = 100000
PAD_IDX = NUM_ITEMS
D = 128
B = 1024
L = 50

SEGS = (25, 25)
NUM_WORKERS = 32
NBUF = 4
AHEAD = 2


def _pick_chunk(rows_per_w):
    for c in (128, 120, 112, 96, 80, 64):
        if rows_per_w % c == 0:
            return c
    return 40


def _sc_gather_body(lseg, seq_hbm, table_hbm, out_hbm, idx_all, rows0, rows1,
                    rows2, rows3, gsem0, gsem1, gsem2, gsem3,
                    ssem0, ssem1, ssem2, ssem3):
    rows_per_w = lseg * B // NUM_WORKERS
    chunk = _pick_chunk(rows_per_w)
    nchunk = rows_per_w // chunk
    c = lax.axis_index("c")
    s = lax.axis_index("s")
    wid = s * 2 + c
    base = wid * rows_per_w
    pltpu.sync_copy(seq_hbm.at[pl.ds(base, rows_per_w)], idx_all)
    bufs = (rows0, rows1, rows2, rows3)
    gsems = (gsem0, gsem1, gsem2, gsem3)
    ssems = (ssem0, ssem1, ssem2, ssem3)

    def start_gather(ch):
        return pltpu.async_copy(
            table_hbm.at[idx_all.at[pl.ds(ch * chunk, chunk)]],
            bufs[ch % NBUF].at[pl.ds(0, chunk)], gsems[ch % NBUF])

    gcps = [None] * nchunk
    scps = [None] * nchunk
    for ch in range(min(AHEAD, nchunk)):
        gcps[ch] = start_gather(ch)
    for ch in range(nchunk):
        b = ch % NBUF
        gcps[ch].wait()
        scps[ch] = pltpu.async_copy(
            bufs[b].at[pl.ds(0, chunk)],
            out_hbm.at[pl.ds(base + ch * chunk, chunk)], ssems[b])
        nxt = ch + AHEAD
        if nxt < nchunk:
            if nxt - NBUF >= 0:
                scps[nxt - NBUF].wait()
            gcps[nxt] = start_gather(nxt)
    for ch in range(max(0, nchunk - NBUF), nchunk):
        if scps[ch] is not None:
            scps[ch].wait()


def _sc_gather(seq_flat_seg, table, lseg):
    rows_seg = lseg * B
    rows_per_w = rows_seg // NUM_WORKERS
    chunk = _pick_chunk(rows_per_w)
    mesh = plsc.VectorSubcoreMesh(core_axis_name="c", subcore_axis_name="s")
    return pl.kernel(
        functools.partial(_sc_gather_body, lseg),
        mesh=mesh,
        out_type=jax.ShapeDtypeStruct((rows_seg, D), jnp.float32),
        scratch_types=(
            [pltpu.VMEM((rows_per_w,), jnp.int32)]
            + [pltpu.VMEM((chunk, D), jnp.float32) for _ in range(NBUF)]
            + [pltpu.SemaphoreType.DMA for _ in range(2 * NBUF)]
        ),
    )(seq_flat_seg, table)


LC = 5


def _gru_body(emb_ref, h0_ref, wih_ref, whh_ref, brz_ref, bihn_ref, bhhn_ref,
              out_ref, h_ref):
    l = pl.program_id(0)

    @pl.when(l == 0)
    def _():
        h_ref[...] = h0_ref[...]

    h = h_ref[...]
    for t in range(LC):
        x_t = emb_ref[t].astype(jnp.bfloat16)
        gi = jnp.dot(x_t, wih_ref[...], preferred_element_type=jnp.float32)
        gh = jnp.dot(h.astype(jnp.bfloat16), whh_ref[...],
                     preferred_element_type=jnp.float32)
        s_rz = gi[:, :2 * D] + gh[:, :2 * D] + brz_ref[...]
        tr = jnp.tanh(s_rz[:, :D])
        tz = jnp.tanh(s_rz[:, D:])
        hn5 = gh[:, 2 * D:] + bhhn_ref[...]
        n = jnp.tanh(gi[:, 2 * D:] + bihn_ref[...] + hn5 + tr * hn5)
        e = 0.5 * (h - n)
        h = n + e + tz * e

    h_ref[...] = h
    out_ref[...] = h


def _gru(emb_lbd, h0, wih_t, whh_t, b_rz, b_ihn, b_hhn, lseg):
    return pl.pallas_call(
        _gru_body,
        grid=(lseg // LC,),
        in_specs=[
            pl.BlockSpec((LC, B, D), lambda l: (l, 0, 0)),
            pl.BlockSpec((B, D), lambda l: (0, 0)),
            pl.BlockSpec((D, 3 * D), lambda l: (0, 0)),
            pl.BlockSpec((D, 3 * D), lambda l: (0, 0)),
            pl.BlockSpec((1, 2 * D), lambda l: (0, 0)),
            pl.BlockSpec((1, D), lambda l: (0, 0)),
            pl.BlockSpec((1, D), lambda l: (0, 0)),
        ],
        out_specs=pl.BlockSpec((B, D), lambda l: (0, 0)),
        out_shape=jax.ShapeDtypeStruct((B, D), jnp.float32),
        scratch_shapes=[
            pltpu.VMEM((B, D), jnp.float32),
        ],
    )(emb_lbd, h0, wih_t, whh_t, b_rz, b_ihn, b_hhn)


@jax.jit
def kernel(item_seq, item_table, W_ih, W_hh, b_ih, b_hh):
    seq = jnp.where(item_seq == -1, PAD_IDX, item_seq).astype(jnp.int32)
    seq_t = seq.T.reshape(L * B)
    col_scale = jnp.concatenate(
        [jnp.full((2 * D,), 0.5, jnp.float32), jnp.ones((D,), jnp.float32)])
    wih_t = (W_ih.T * col_scale[None, :]).astype(jnp.bfloat16)
    whh_t = (W_hh.T * 0.5).astype(jnp.bfloat16)
    b_rz = (0.5 * (b_ih[:2 * D] + b_hh[:2 * D])).reshape(1, 2 * D)
    b_ihn = b_ih[2 * D:].reshape(1, D)
    b_hhn = (0.5 * b_hh[2 * D:]).reshape(1, D)
    h = jnp.zeros((B, D), jnp.float32)
    off = 0
    embs = []
    for lseg in SEGS:
        rows = lseg * B
        embs.append(
            _sc_gather(lax.slice(seq_t, (off,), (off + rows,)),
                       item_table, lseg))
        off += rows
    for lseg, emb in zip(SEGS, embs):
        h = _gru(emb.reshape(lseg, B, D), h, wih_t, whh_t,
                 b_rz, b_ihn, b_hhn, lseg)
    return h

# --- scband reference (transcript-rebuilt; emitter-appended) ---
"""Pipeline reference for scband-base-sequence-retriever-87840671137966 (READ-ONLY COPY).

The authoritative reference and input builder live on the scoring server;
editing this copy changes nothing except your own understanding.
"""

import jax, jax.numpy as jnp
import numpy as np

NUM_ITEMS = 100000
EMBED_DIM = 128
PAD_IDX = NUM_ITEMS
BATCH = 1024
SEQ_LEN = 50


def setup_inputs(seed: int = 0) -> dict:
    key = jax.random.key(seed)
    k1, k2, k3, k4, k5, k6 = jax.random.split(key, 6)
    d = EMBED_DIM
    item_seq = jax.random.randint(k1, (BATCH, SEQ_LEN), 0, NUM_ITEMS, dtype=jnp.int64 if jax.config.jax_enable_x64 else jnp.int32)
    item_table = jax.random.normal(k2, (NUM_ITEMS + 1, d), dtype=jnp.float32) * 0.02
    item_table = item_table.at[PAD_IDX].set(0.0)  # padding_idx row is zero, as in nn.Embedding
    s = 1.0 / np.sqrt(d)
    W_ih = jax.random.uniform(k3, (3 * d, d), minval=-s, maxval=s, dtype=jnp.float32)
    W_hh = jax.random.uniform(k4, (3 * d, d), minval=-s, maxval=s, dtype=jnp.float32)
    b_ih = jax.random.uniform(k5, (3 * d,), minval=-s, maxval=s, dtype=jnp.float32)
    b_hh = jax.random.uniform(k6, (3 * d,), minval=-s, maxval=s, dtype=jnp.float32)
    return {"item_seq": item_seq, "item_table": item_table, "W_ih": W_ih, "W_hh": W_hh, "b_ih": b_ih, "b_hh": b_hh}


def reference(item_seq, item_table, W_ih, W_hh, b_ih, b_hh):
    # replace_neg_one_with_padding
    seq = jnp.where(item_seq == -1, PAD_IDX, item_seq)
    # item embedding lookup (gather)
    emb = jnp.take(item_table, seq, axis=0)  # [B, L, d]
    d = item_table.shape[1]
    # pool_sequence with GRU (PyTorch GRU gate equations, gate order r, z, n)
    def step(h, x_t):
        gi = x_t @ W_ih.T + b_ih
        gh = h @ W_hh.T + b_hh
        i_r, i_z, i_n = jnp.split(gi, 3, axis=-1)
        h_r, h_z, h_n = jnp.split(gh, 3, axis=-1)
        r = jax.nn.sigmoid(i_r + h_r)
        z = jax.nn.sigmoid(i_z + h_z)
        n = jnp.tanh(i_n + r * h_n)
        h_new = (1.0 - z) * n + z * h
        return h_new, None

    h0 = jnp.zeros((emb.shape[0], d), dtype=emb.dtype)
    xs = jnp.swapaxes(emb, 0, 1)  # [L, B, d]
    h_last, _ = jax.lax.scan(step, h0, xs)
    # hidden_state.squeeze(0) -> [B, d]; dropout is identity in eval mode
    return h_last

if __name__ == "__main__":
    import jax
    _d = setup_inputs()
    print(jax.jit(kernel)(*tuple(_d.values())))

</pallas_src>

<mosaic_0001>
#map = affine_map<(d0, d1) -> (0)>
#map1 = affine_map<(d0, d1) -> (0, 0)>
module attributes {stable_mosaic.version = 14 : i64} {
  func.func @_sc_gather_body(%arg0: i32, %arg1: i32, %arg2: memref<25600xi32, #tpu.memory_space<hbm>>, %arg3: memref<100001x128xf32, #tpu.memory_space<hbm>>, %arg4: memref<25600x128xf32, #tpu.memory_space<hbm>>, %arg5: memref<800xi32, #tpu.memory_space<vmem>>, %arg6: memref<80x128xf32, #tpu.memory_space<vmem>>, %arg7: memref<80x128xf32, #tpu.memory_space<vmem>>, %arg8: memref<80x128xf32, #tpu.memory_space<vmem>>, %arg9: memref<80x128xf32, #tpu.memory_space<vmem>>, %arg10: memref<!tpu.dma_semaphore, #tpu.memory_space<semaphore_mem>>, %arg11: memref<!tpu.dma_semaphore, #tpu.memory_space<semaphore_mem>>, %arg12: memref<!tpu.dma_semaphore, #tpu.memory_space<semaphore_mem>>, %arg13: memref<!tpu.dma_semaphore, #tpu.memory_space<semaphore_mem>>, %arg14: memref<!tpu.dma_semaphore, #tpu.memory_space<semaphore_mem>>, %arg15: memref<!tpu.dma_semaphore, #tpu.memory_space<semaphore_mem>>, %arg16: memref<!tpu.dma_semaphore, #tpu.memory_space<semaphore_mem>>, %arg17: memref<!tpu.dma_semaphore, #tpu.memory_space<semaphore_mem>>) attributes {dimension_semantics = [#tpu.dimension_semantics<core_parallel>, #tpu.dimension_semantics<subcore_parallel>], iteration_bounds = array<i64: 2, 16>, scalar_prefetch = 0 : i64, scratch_operands = 13 : i64, tpu.core_type = #tpu.core_type<sc_vector_subcore>, window_params = [{transform_indices = #map}, {transform_indices = #map1}, {transform_indices = #map1}]} {
    %mul3A = arith.constant 2 : i32
    %mul3A_0 = arith.muli %arg1, %mul3A : i32
    %add3A = arith.addi %mul3A_0, %arg0 : i32
    %mul3A_1 = arith.constant 800 : i32
    %mul3A_2 = arith.muli %add3A, %mul3A_1 : i32
    "tpu.region"() ({
      %run_scoped3A = tpu.sem_alloc : memref<!tpu.dma_semaphore, #tpu.memory_space<semaphore_mem>>
      %dma_start3A_381 = tpu.memref_slice %arg2[%mul3A_2] : memref<25600xi32, #tpu.memory_space<hbm>> -> memref<800xi32, #tpu.memory_space<hbm>>
      %dma_start3A_382 = tpu.memref_slice %arg2[%mul3A_2] : memref<25600xi32, #tpu.memory_space<hbm>> -> memref<800xi32, #tpu.memory_space<hbm>>
      tpu.enqueue_dma source(%dma_start3A_382 : memref<800xi32, #tpu.memory_space<hbm>>) target(%arg5 : memref<800xi32, #tpu.memory_space<vmem>>) target_semaphore(%run_scoped3A : memref<!tpu.dma_semaphore, #tpu.memory_space<semaphore_mem>>)
      %dma_wait3A_383 = tpu.memref_slice %arg2[%mul3A_2] : memref<25600xi32, #tpu.memory_space<hbm>> -> memref<800xi32, #tpu.memory_space<hbm>>
      %dma_wait3A_384 = tpu.memref_slice %arg2[%mul3A_2] : memref<25600xi32, #tpu.memory_space<hbm>> -> memref<800xi32, #tpu.memory_space<hbm>>
      tpu.wait_dma2 semaphore(%run_scoped3A : memref<!tpu.dma_semaphore, #tpu.memory_space<semaphore_mem>>) src(%dma_wait3A_384 : memref<800xi32, #tpu.memory_space<hbm>>) dst(%arg5 : memref<800xi32, #tpu.memory_space<vmem>>)
      tpu.yield
    }) : () -> ()
    %dma_start3A = arith.constant 0 : i32
    %dma_start3A_3 = arith.constant 0 : i32
    %dma_start3A_4 = tpu.memref_slice %arg6[%dma_start3A, %dma_start3A_3] : memref<80x128xf32, #tpu.memory_space<vmem>> -> memref<80x128xf32, #tpu.memory_space<vmem>>
    %dma_start3A_5 = arith.constant 0 : i32
    %dma_start3A_6 = tpu.memref_slice %arg5[%dma_start3A_5] : memref<800xi32, #tpu.memory_space<vmem>> -> memref<80xi32, #tpu.memory_space<vmem>>
    %dma_start3A_7 = arith.constant 0 : i32
    %dma_start3A_8 = arith.constant 0 : i32
    %dma_start3A_9 = tpu.memref_slice %arg3[%dma_start3A_7, %dma_start3A_8] : memref<100001x128xf32, #tpu.memory_space<hbm>> -> memref<100001x128xf32, #tpu.memory_space<hbm>>
    tpu.enqueue_indirect_dma source(%dma_start3A_9 : memref<100001x128xf32, #tpu.memory_space<hbm>>) target(%dma_start3A_4 : memref<80x128xf32, #tpu.memory_space<vmem>>) offsets(%dma_start3A_6 : memref<80xi32, #tpu.memory_space<vmem>>) semaphore(%arg10 : memref<!tpu.dma_semaphore, #tpu.memory_space<semaphore_mem>>)
    %dma_start3A_10 = arith.constant 0 : i32
    %dma_start3A_11 = arith.constant 0 : i32
    %dma_start3A_12 = tpu.memref_slice %arg7[%dma_start3A_10, %dma_start3A_11] : memref<80x128xf32, #tpu.memory_space<vmem>> -> memref<80x128xf32, #tpu.memory_space<vmem>>
    %dma_start3A_13 = arith.constant 80 : i32
    %dma_start3A_14 = tpu.memref_slice %arg5[%dma_start3A_13] : memref<800xi32, #tpu.memory_space<vmem>> -> memref<80xi32, #tpu.memory_space<vmem>>
    %dma_start3A_15 = arith.constant 0 : i32
    %dma_start3A_16 = arith.constant 0 : i32
    %dma_start3A_17 = tpu.memref_slice %arg3[%dma_start3A_15, %dma_start3A_16] : memref<100001x128xf32, #tpu.memory_space<hbm>> -> memref<100001x128xf32, #tpu.memory_space<hbm>>
    tpu.enqueue_indirect_dma source(%dma_start3A_17 : memref<100001x128xf32, #tpu.memory_space<hbm>>) target(%dma_start3A_12 : memref<80x128xf32, #tpu.memory_space<vmem>>) offsets(%dma_start3A_14 : memref<80xi32, #tpu.memory_space<vmem>>) semaphore(%arg11 : memref<!tpu.dma_semaphore, #tpu.memory_space<semaphore_mem>>)
    %dma_wait3A = arith.constant 0 : i32
    %dma_wait3A_18 = arith.constant 0 : i32
    %dma_wait3A_19 = tpu.memref_slice %arg6[%dma_wait3A, %dma_wait3A_18] : memref<80x128xf32, #tpu.memory_space<vmem>> -> memref<80x128xf32, #tpu.memory_space<vmem>>
    %dma_wait3A_20 = arith.constant 0 : i32
    %dma_wait3A_21 = tpu.memref_slice %arg5[%dma_wait3A_20] : memref<800xi32, #tpu.memory_space<vmem>> -> memref<80xi32, #tpu.memory_space<vmem>>
    %dma_wait3A_22 = arith.constant 0 : i32
    %dma_wait3A_23 = arith.constant 0 : i32
    %dma_wait3A_24 = tpu.memref_slice %arg3[%dma_wait3A_22, %dma_wait3A_23] : memref<100001x128xf32, #tpu.memory_space<hbm>> -> memref<100001x128xf32, #tpu.memory_space<hbm>>
    tpu.wait_indirect_dma semaphore(%arg10 : memref<!tpu.dma_semaphore, #tpu.memory_space<semaphore_mem>>) src(%dma_wait3A_24 : memref<100001x128xf32, #tpu.memory_space<hbm>>) dst(%dma_wait3A_19 : memref<80x128xf32, #tpu.memory_space<vmem>>)
    %add3A_25 = arith.constant 0 : i32
    %add3A_26 = arith.addi %mul3A_2, %add3A_25 : i32
    %dma_start3A_27 = arith.constant 0 : i32
    %dma_start3A_28 = arith.constant 0 : i32
    %dma_start3A_29 = tpu.memref_slice %arg6[%dma_start3A_27, %dma_start3A_28] : memref<80x128xf32, #tpu.memory_space<vmem>> -> memref<80x128xf32, #tpu.memory_space<vmem>>
    %dma_start3A_30 = arith.constant 0 : i32
    %dma_start3A_31 = tpu.memref_slice %arg4[%add3A_26, %dma_start3A_30] : memref<25600x128xf32, #tpu.memory_space<hbm>> -> memref<80x128xf32, #tpu.memory_space<hbm>>
    %dma_start3A_32 = arith.constant 0 : i32
    %dma_start3A_33 = tpu.memref_slice %arg4[%add3A_26, %dma_start3A_32] : memref<25600x128xf32, #tpu.memory_space<hbm>> -> memref<80x128xf32, #tpu.memory_space<hbm>>
    %dma_start3A_34 = arith.constant 0 : i32
    %dma_start3A_35 = arith.constant 0 : i32
    %dma_start3A_36 = tpu.memref_slice %arg6[%dma_start3A_34, %dma_start3A_35] : memref<80x128xf32, #tpu.memory_space<vmem>> -> memref<80x128xf32, #tpu.memory_space<vmem>>
    tpu.enqueue_dma source(%dma_start3A_36 : memref<80x128xf32, #tpu.memory_space<vmem>>) target(%dma_start3A_33 : memref<80x128xf32, #tpu.memory_space<hbm>>) target_semaphore(%arg14 : memref<!tpu.dma_semaphore, #tpu.memory_space<semaphore_mem>>)
    %dma_start3A_37 = arith.constant 0 : i32
    %dma_start3A_38 = arith.constant 0 : i32
    %dma_start3A_39 = tpu.memref_slice %arg8[%dma_start3A_37, %dma_start3A_38] : memref<80x128xf32, #tpu.memory_space<vmem>> -> memref<80x128xf32, #tpu.memory_space<vmem>>
    %dma_start3A_40 = arith.constant 160 : i32
    %dma_start3A_41 = tpu.memref_slice %arg5[%dma_start3A_40] : memref<800xi32, #tpu.memory_space<vmem>> -> memref<80xi32, #tpu.memory_space<vmem>>
    %dma_start3A_42 = arith.constant 0 : i32
    %dma_start3A_43 = arith.constant 0 : i32
    %dma_start3A_44 = tpu.memref_slice %arg3[%dma_start3A_42, %dma_start3A_43] : memref<100001x128xf32, #tpu.memory_space<hbm>> -> memref<100001x128xf32, #tpu.memory_space<hbm>>
    tpu.enqueue_indirect_dma source(%dma_start3A_44 : memref<100001x128xf32, #tpu.memory_space<hbm>>) target(%dma_start3A_39 : memref<80x128xf32, #tpu.memory_space<vmem>>) offsets(%dma_start3A_41 : memref<80xi32, #tpu.memory_space<vmem>>) semaphore(%arg12 : memref<!tpu.dma_semaphore, #tpu.memory_space<semaphore_mem>>)
    %dma_wait3A_45 = arith.constant 0 : i32
    %dma_wait3A_46 = arith.constant 0 : i32
    %dma_wait3A_47 = tpu.memref_slice %arg7[%dma_wait3A_45, %dma_wait3A_46] : memref<80x128xf32, #tpu.memory_space<vmem>> -> memref<80x128xf32, #tpu.memory_space<vmem>>
    %dma_wait3A_48 = arith.constant 80 : i32
    %dma_wait3A_49 = tpu.memref_slice %arg5[%dma_wait3A_48] : memref<800xi32, #tpu.memory_space<vmem>> -> memref<80xi32, #tpu.memory_space<vmem>>
    %dma_wait3A_50 = arith.constant 0 : i32
    %dma_wait3A_51 = arith.constant 0 : i32
    %dma_wait3A_52 = tpu.memref_slice %arg3[%dma_wait3A_50, %dma_wait3A_51] : memref<100001x128xf32, #tpu.memory_space<hbm>> -> memref<100001x128xf32, #tpu.memory_space<hbm>>
    tpu.wait_indirect_dma semaphore(%arg11 : memref<!tpu.dma_semaphore, #tpu.memory_space<semaphore_mem>>) src(%dma_wait3A_52 : memref<100001x128xf32, #tpu.memory_space<hbm>>) dst(%dma_wait3A_47 : memref<80x128xf32, #tpu.memory_space<vmem>>)
    %add3A_53 = arith.constant 80 : i32
    %add3A_54 = arith.addi %mul3A_2, %add3A_53 : i32
    %dma_start3A_55 = arith.constant 0 : i32
    %dma_start3A_56 = arith.constant 0 : i32
    %dma_start3A_57 = tpu.memref_slice %arg7[%dma_start3A_55, %dma_start3A_56] : memref<80x128xf32, #tpu.memory_space<vmem>> -> memref<80x128xf32, #tpu.memory_space<vmem>>
    %dma_start3A_58 = arith.constant 0 : i32
    %dma_start3A_59 = tpu.memref_slice %arg4[%add3A_54, %dma_start3A_58] : memref<25600x128xf32, #tpu.memory_space<hbm>> -> memref<80x128xf32, #tpu.memory_space<hbm>>
    %dma_start3A_60 = arith.constant 0 : i32
    %dma_start3A_61 = tpu.memref_slice %arg4[%add3A_54, %dma_start3A_60] : memref<25600x128xf32, #tpu.memory_space<hbm>> -> memref<80x128xf32, #tpu.memory_space<hbm>>
    %dma_start3A_62 = arith.constant 0 : i32
    %dma_start3A_63 = arith.constant 0 : i32
    %dma_start3A_64 = tpu.memref_slice %arg7[%dma_start3A_62, %dma_start3A_63] : memref<80x128xf32, #tpu.memory_space<vmem>> -> memref<80x128xf32, #tpu.memory_space<vmem>>
    tpu.enqueue_dma source(%dma_start3A_64 : memref<80x128xf32, #tpu.memory_space<vmem>>) target(%dma_start3A_61 : memref<80x128xf32, #tpu.memory_space<hbm>>) target_semaphore(%arg15 : memref<!tpu.dma_semaphore, #tpu.memory_space<semaphore_mem>>)
    %dma_start3A_65 = arith.constant 0 : i32
    %dma_start3A_66 = arith.constant 0 : i32
    %dma_start3A_67 = tpu.memref_slice %arg9[%dma_start3A_65, %dma_start3A_66] : memref<80x128xf32, #tpu.memory_space<vmem>> -> memref<80x128xf32, #tpu.memory_space<vmem>>
    %dma_start3A_68 = arith.constant 240 : i32
    %dma_start3A_69 = tpu.memref_slice %arg5[%dma_start3A_68] : memref<800xi32, #tpu.memory_space<vmem>> -> memref<80xi32, #tpu.memory_space<vmem>>
    %dma_start3A_70 = arith.constant 0 : i32
    %dma_start3A_71 = arith.constant 0 : i32
    %dma_start3A_72 = tpu.memref_slice %arg3[%dma_start3A_70, %dma_start3A_71] : memref<100001x128xf32, #tpu.memory_space<hbm>> -> memref<100001x128xf32, #tpu.memory_space<hbm>>
    tpu.enqueue_indirect_dma source(%dma_start3A_72 : memref<100001x128xf32, #tpu.memory_space<hbm>>) target(%dma_start3A_67 : memref<80x128xf32, #tpu.memory_space<vmem>>) offsets(%dma_start3A_69 : memref<80xi32, #tpu.memory_space<vmem>>) semaphore(%arg13 : memref<!tpu.dma_semaphore, #tpu.memory_space<semaphore_mem>>)
    %dma_wait3A_73 = arith.constant 0 : i32
    %dma_wait3A_74 = arith.constant 0 : i32
    %dma_wait3A_75 = tpu.memref_slice %arg8[%dma_wait3A_73, %dma_wait3A_74] : memref<80x128xf32, #tpu.memory_space<vmem>> -> memref<80x128xf32, #tpu.memory_space<vmem>>
    %dma_wait3A_76 = arith.constant 160 : i32
    %dma_wait3A_77 = tpu.memref_slice %arg5[%dma_wait3A_76] : memref<800xi32, #tpu.memory_space<vmem>> -> memref<80xi32, #tpu.memory_space<vmem>>
    %dma_wait3A_78 = arith.constant 0 : i32
    %dma_wait3A_79 = arith.constant 0 : i32
    %dma_wait3A_80 = tpu.memref_slice %arg3[%dma_wait3A_78, %dma_wait3A_79] : memref<100001x128xf32, #tpu.memory_space<hbm>> -> memref<100001x128xf32, #tpu.memory_space<hbm>>
    tpu.wait_indirect_dma semaphore(%arg12 : memref<!tpu.dma_semaphore, #tpu.memory_space<semaphore_mem>>) src(%dma_wait3A_80 : memref<100001x128xf32, #tpu.memory_space<hbm>>) dst(%dma_wait3A_75 : memref<80x128xf32, #tpu.memory_space<vmem>>)
    %add3A_81 = arith.constant 160 : i32
    %add3A_82 = arith.addi %mul3A_2, %add3A_81 : i32
    %dma_start3A_83 = arith.constant 0 : i32
    %dma_start3A_84 = arith.constant 0 : i32
    %dma_start3A_85 = tpu.memref_slice %arg8[%dma_start3A_83, %dma_start3A_84] : memref<80x128xf32, #tpu.memory_space<vmem>> -> memref<80x128xf32, #tpu.memory_space<vmem>>
    %dma_start3A_86 = arith.constant 0 : i32
    %dma_start3A_87 = tpu.memref_slice %arg4[%add3A_82, %dma_start3A_86] : memref<25600x128xf32, #tpu.memory_space<hbm>> -> memref<80x128xf32, #tpu.memory_space<hbm>>
    %dma_start3A_88 = arith.constant 0 : i32
    %dma_start3A_89 = tpu.memref_slice %arg4[%add3A_82, %dma_start3A_88] : memref<25600x128xf32, #tpu.memory_space<hbm>> -> memref<80x128xf32, #tpu.memory_space<hbm>>
    %dma_start3A_90 = arith.constant 0 : i32
    %dma_start3A_91 = arith.constant 0 : i32
    %dma_start3A_92 = tpu.memref_slice %arg8[%dma_start3A_90, %dma_start3A_91] : memref<80x128xf32, #tpu.memory_space<vmem>> -> memref<80x128xf32, #tpu.memory_space<vmem>>
    tpu.enqueue_dma source(%dma_start3A_92 : memref<80x128xf32, #tpu.memory_space<vmem>>) target(%dma_start3A_89 : memref<80x128xf32, #tpu.memory_space<hbm>>) target_semaphore(%arg16 : memref<!tpu.dma_semaphore, #tpu.memory_space<semaphore_mem>>)
    %dma_wait3A_93 = arith.constant 0 : i32
    %dma_wait3A_94 = arith.constant 0 : i32
    %dma_wait3A_95 = tpu.memref_slice %arg6[%dma_wait3A_93, %dma_wait3A_94] : memref<80x128xf32, #tpu.memory_space<vmem>> -> memref<80x128xf32, #tpu.memory_space<vmem>>
    %dma_wait3A_96 = arith.constant 0 : i32
    %dma_wait3A_97 = tpu.memref_slice %arg4[%add3A_26, %dma_wait3A_96] : memref<25600x128xf32, #tpu.memory_space<hbm>> -> memref<80x128xf32, #tpu.memory_space<hbm>>
    %dma_wait3A_98 = arith.constant 0 : i32
    %dma_wait3A_99 = tpu.memref_slice %arg4[%add3A_26, %dma_wait3A_98] : memref<25600x128xf32, #tpu.memory_space<hbm>> -> memref<80x128xf32, #tpu.memory_space<hbm>>
    %dma_wait3A_100 = arith.constant 0 : i32
    %dma_wait3A_101 = arith.constant 0 : i32
    %dma_wait3A_102 = tpu.memref_slice %arg6[%dma_wait3A_100, %dma_wait3A_101] : memref<80x128xf32, #tpu.memory_space<vmem>> -> memref<80x128xf32, #tpu.memory_space<vmem>>
    tpu.wait_dma2 semaphore(%arg14 : memref<!tpu.dma_semaphore, #tpu.memory_space<semaphore_mem>>) src(%dma_wait3A_102 : memref<80x128xf32, #tpu.memory_space<vmem>>) dst(%dma_wait3A_99 : memref<80x128xf32, #tpu.memory_space<hbm>>)
    %dma_start3A_103 = arith.constant 0 : i32
    %dma_start3A_104 = arith.constant 0 : i32
    %dma_start3A_105 = tpu.memref_slice %arg6[%dma_start3A_103, %dma_start3A_104] : memref<80x128xf32, #tpu.memory_space<vmem>> -> memref<80x128xf32, #tpu.memory_space<vmem>>
    %dma_start3A_106 = arith.constant 320 : i32
    %dma_start3A_107 = tpu.memref_slice %arg5[%dma_start3A_106] : memref<800xi32, #tpu.memory_space<vmem>> -> memref<80xi32, #tpu.memory_space<vmem>>
    %dma_start3A_108 = arith.constant 0 : i32
    %dma_start3A_109 = arith.constant 0 : i32
    %dma_start3A_110 = tpu.memref_slice %arg3[%dma_start3A_108, %dma_start3A_109] : memref<100001x128xf32, #tpu.memory_space<hbm>> -> memref<100001x128xf32, #tpu.memory_space<hbm>>
    tpu.enqueue_indirect_dma source(%dma_start3A_110 : memref<100001x128xf32, #tpu.memory_space<hbm>>) target(%dma_start3A_105 : memref<80x128xf32, #tpu.memory_space<vmem>>) offsets(%dma_start3A_107 : memref<80xi32, #tpu.memory_space<vmem>>) semaphore(%arg10 : memref<!tpu.dma_semaphore, #tpu.memory_space<semaphore_mem>>)
    %dma_wait3A_111 = arith.constant 0 : i32
    %dma_wait3A_112 = arith.constant 0 : i32
    %dma_wait3A_113 = tpu.memref_slice %arg9[%dma_wait3A_111, %dma_wait3A_112] : memref<80x128xf32, #tpu.memory_space<vmem>> -> memref<80x128xf32, #tpu.memory_space<vmem>>
    %dma_wait3A_114 = arith.constant 240 : i32
    %dma_wait3A_115 = tpu.memref_slice %arg5[%dma_wait3A_114] : memref<800xi32, #tpu.memory_space<vmem>> -> memref<80xi32, #tpu.memory_space<vmem>>
    %dma_wait3A_116 = arith.constant 0 : i32
    %dma_wait3A_117 = arith.constant 0 : i32
    %dma_wait3A_118 = tpu.memref_slice %arg3[%dma_wait3A_116, %dma_wait3A_117] : memref<100001x128xf32, #tpu.memory_space<hbm>> -> memref<100001x128xf32, #tpu.memory_space<hbm>>
    tpu.wait_indirect_dma semaphore(%arg13 : memref<!tpu.dma_semaphore, #tpu.memory_space<semaphore_mem>>) src(%dma_wait3A_118 : memref<100001x128xf32, #tpu.memory_space<hbm>>) dst(%dma_wait3A_113 : memref<80x128xf32, #tpu.memory_space<vmem>>)
    %add3A_119 = arith.constant 240 : i32
    %add3A_120 = arith.addi %mul3A_2, %add3A_119 : i32
    %dma_start3A_121 = arith.constant 0 : i32
    %dma_start3A_122 = arith.constant 0 : i32
    %dma_start3A_123 = tpu.memref_slice %arg9[%dma_start3A_121, %dma_start3A_122] : memref<80x128xf32, #tpu.memory_space<vmem>> -> memref<80x128xf32, #tpu.memory_space<vmem>>
    %dma_start3A_124 = arith.constant 0 : i32
    %dma_start3A_125 = tpu.memref_slice %arg4[%add3A_120, %dma_start3A_124] : memref<25600x128xf32, #tpu.memory_space<hbm>> -> memref<80x128xf32, #tpu.memory_space<hbm>>
    %dma_start3A_126 = arith.constant 0 : i32
    %dma_start3A_127 = tpu.memref_slice %arg4[%add3A_120, %dma_start3A_126] : memref<25600x128xf32, #tpu.memory_space<hbm>> -> memref<80x128xf32, #tpu.memory_space<hbm>>
    %dma_start3A_128 = arith.constant 0 : i32
    %dma_start3A_129 = arith.constant 0 : i32
    %dma_start3A_130 = tpu.memref_slice %arg9[%dma_start3A_128, %dma_start3A_129] : memref<80x128xf32, #tpu.memory_space<vmem>> -> memref<80x128xf32, #tpu.memory_space<vmem>>
    tpu.enqueue_dma source(%dma_start3A_130 : memref<80x128xf32, #tpu.memory_space<vmem>>) target(%dma_start3A_127 : memref<80x128xf32, #tpu.memory_space<hbm>>) target_semaphore(%arg17 : memref<!tpu.dma_semaphore, #tpu.memory_space<semaphore_mem>>)
    %dma_wait3A_131 = arith.constant 0 : i32
    %dma_wait3A_132 = arith.constant 0 : i32
    %dma_wait3A_133 = tpu.memref_slice %arg7[%dma_wait3A_131, %dma_wait3A_132] : memref<80x128xf32, #tpu.memory_space<vmem>> -> memref<80x128xf32, #tpu.memory_space<vmem>>
    %dma_wait3A_134 = arith.constant 0 : i32
    %dma_wait3A_135 = tpu.memref_slice %arg4[%add3A_54, %dma_wait3A_134] : memref<25600x128xf32, #tpu.memory_space<hbm>> -> memref<80x128xf32, #tpu.memory_space<hbm>>
    %dma_wait3A_136 = arith.constant 0 : i32
    %dma_wait3A_137 = tpu.memref_slice %arg4[%add3A_54, %dma_wait3A_136] : memref<25600x128xf32, #tpu.memory_space<hbm>> -> memref<80x128xf32, #tpu.memory_space<hbm>>
    %dma_wait3A_138 = arith.constant 0 : i32
    %dma_wait3A_139 = arith.constant 0 : i32
    %dma_wait3A_140 = tpu.memref_slice %arg7[%dma_wait3A_138, %dma_wait3A_139] : memref<80x128xf32, #tpu.memory_space<vmem>> -> memref<80x128xf32, #tpu.memory_space<vmem>>
    tpu.wait_dma2 semaphore(%arg15 : memref<!tpu.dma_semaphore, #tpu.memory_space<semaphore_mem>>) src(%dma_wait3A_140 : memref<80x128xf32, #tpu.memory_space<vmem>>) dst(%dma_wait3A_137 : memref<80x128xf32, #tpu.memory_space<hbm>>)
    %dma_start3A_141 = arith.constant 0 : i32
    %dma_start3A_142 = arith.constant 0 : i32
    %dma_start3A_143 = tpu.memref_slice %arg7[%dma_start3A_141, %dma_start3A_142] : memref<80x128xf32, #tpu.memory_space<vmem>> -> memref<80x128xf32, #tpu.memory_space<vmem>>
    %dma_start3A_144 = arith.constant 400 : i32
    %dma_start3A_145 = tpu.memref_slice %arg5[%dma_start3A_144] : memref<800xi32, #tpu.memory_space<vmem>> -> memref<80xi32, #tpu.memory_space<vmem>>
    %dma_start3A_146 = arith.constant 0 : i32
    %dma_start3A_147 = arith.constant 0 : i32
    %dma_start3A_148 = tpu.memref_slice %arg3[%dma_start3A_146, %dma_start3A_147] : memref<100001x128xf32, #tpu.memory_space<hbm>> -> memref<100001x128xf32, #tpu.memory_space<hbm>>
    tpu.enqueue_indirect_dma source(%dma_start3A_148 : memref<100001x128xf32, #tpu.memory_space<hbm>>) target(%dma_start3A_143 : memref<80x128xf32, #tpu.memory_space<vmem>>) offsets(%dma_start3A_145 : memref<80xi32, #tpu.memory_space<vmem>>) semaphore(%arg11 : memref<!tpu.dma_semaphore, #tpu.memory_space<semaphore_mem>>)
    %dma_wait3A_149 = arith.constant 0 : i32
    %dma_wait3A_150 = arith.constant 0 : i32
    %dma_wait3A_151 = tpu.memref_slice %arg6[%dma_wait3A_149, %dma_wait3A_150] : memref<80x128xf32, #tpu.memory_space<vmem>> -> memref<80x128xf32, #tpu.memory_space<vmem>>
    %dma_wait3A_152 = arith.constant 320 : i32
    %dma_wait3A_153 = tpu.memref_slice %arg5[%dma_wait3A_152] : memref<800xi32, #tpu.memory_space<vmem>> -> memref<80xi32, #tpu.memory_space<vmem>>
    %dma_wait3A_154 = arith.constant 0 : i32
    %dma_wait3A_155 = arith.constant 0 : i32
    %dma_wait3A_156 = tpu.memref_slice %arg3[%dma_wait3A_154, %dma_wait3A_155] : memref<100001x128xf32, #tpu.memory_space<hbm>> -> memref<100001x128xf32, #tpu.memory_space<hbm>>
    tpu.wait_indirect_dma semaphore(%arg10 : memref<!tpu.dma_semaphore, #tpu.memory_space<semaphore_mem>>) src(%dma_wait3A_156 : memref<100001x128xf32, #tpu.memory_space<hbm>>) dst(%dma_wait3A_151 : memref<80x128xf32, #tpu.memory_space<vmem>>)
    %add3A_157 = arith.constant 320 : i32
    %add3A_158 = arith.addi %mul3A_2, %add3A_157 : i32
    %dma_start3A_159 = arith.constant 0 : i32
    %dma_start3A_160 = arith.constant 0 : i32
    %dma_start3A_161 = tpu.memref_slice %arg6[%dma_start3A_159, %dma_start3A_160] : memref<80x128xf32, #tpu.memory_space<vmem>> -> memref<80x128xf32, #tpu.memory_space<vmem>>
    %dma_start3A_162 = arith.constant 0 : i32
    %dma_start3A_163 = tpu.memref_slice %arg4[%add3A_158, %dma_start3A_162] : memref<25600x128xf32, #tpu.memory_space<hbm>> -> memref<80x128xf32, #tpu.memory_space<hbm>>
    %dma_start3A_164 = arith.constant 0 : i32
    %dma_start3A_165 = tpu.memref_slice %arg4[%add3A_158, %dma_start3A_164] : memref<25600x128xf32, #tpu.memory_space<hbm>> -> memref<80x128xf32, #tpu.memory_space<hbm>>
    %dma_start3A_166 = arith.constant 0 : i32
    %dma_start3A_167 = arith.constant 0 : i32
    %dma_start3A_168 = tpu.memref_slice %arg6[%dma_start3A_166, %dma_start3A_167] : memref<80x128xf32, #tpu.memory_space<vmem>> -> memref<80x128xf32, #tpu.memory_space<vmem>>
    tpu.enqueue_dma source(%dma_start3A_168 : memref<80x128xf32, #tpu.memory_space<vmem>>) target(%dma_start3A_165 : memref<80x128xf32, #tpu.memory_space<hbm>>) target_semaphore(%arg14 : memref<!tpu.dma_semaphore, #tpu.memory_space<semaphore_mem>>)
    %dma_wait3A_169 = arith.constant 0 : i32
    %dma_wait3A_170 = arith.constant 0 : i32
    %dma_wait3A_171 = tpu.memref_slice %arg8[%dma_wait3A_169, %dma_wait3A_170] : memref<80x128xf32, #tpu.memory_space<vmem>> -> memref<80x128xf32, #tpu.memory_space<vmem>>
    %dma_wait3A_172 = arith.constant 0 : i32
    %dma_wait3A_173 = tpu.memref_slice %arg4[%add3A_82, %dma_wait3A_172] : memref<25600x128xf32, #tpu.memory_space<hbm>> -> memref<80x128xf32, #tpu.memory_space<hbm>>
    %dma_wait3A_174 = arith.constant 0 : i32
    %dma_wait3A_175 = tpu.memref_slice %arg4[%add3A_82, %dma_wait3A_174] : memref<25600x128xf32, #tpu.memory_space<hbm>> -> memref<80x128xf32, #tpu.memory_space<hbm>>
    %dma_wait3A_176 = arith.constant 0 : i32
    %dma_wait3A_177 = arith.constant 0 : i32
    %dma_wait3A_178 = tpu.memref_slice %arg8[%dma_wait3A_176, %dma_wait3A_177] : memref<80x128xf32, #tpu.memory_space<vmem>> -> memref<80x128xf32, #tpu.memory_space<vmem>>
    tpu.wait_dma2 semaphore(%arg16 : memref<!tpu.dma_semaphore, #tpu.memory_space<semaphore_mem>>) src(%dma_wait3A_178 : memref<80x128xf32, #tpu.memory_space<vmem>>) dst(%dma_wait3A_175 : memref<80x128xf32, #tpu.memory_space<hbm>>)
    %dma_start3A_179 = arith.constant 0 : i32
    %dma_start3A_180 = arith.constant 0 : i32
    %dma_start3A_181 = tpu.memref_slice %arg8[%dma_start3A_179, %dma_start3A_180] : memref<80x128xf32, #tpu.memory_space<vmem>> -> memref<80x128xf32, #tpu.memory_space<vmem>>
    %dma_start3A_182 = arith.constant 480 : i32
    %dma_start3A_183 = tpu.memref_slice %arg5[%dma_start3A_182] : memref<800xi32, #tpu.memory_space<vmem>> -> memref<80xi32, #tpu.memory_space<vmem>>
    %dma_start3A_184 = arith.constant 0 : i32
    %dma_start3A_185 = arith.constant 0 : i32
    %dma_start3A_186 = tpu.memref_slice %arg3[%dma_start3A_184, %dma_start3A_185] : memref<100001x128xf32, #tpu.memory_space<hbm>> -> memref<100001x128xf32, #tpu.memory_space<hbm>>
    tpu.enqueue_indirect_dma source(%dma_start3A_186 : memref<100001x128xf32, #tpu.memory_space<hbm>>) target(%dma_start3A_181 : memref<80x128xf32, #tpu.memory_space<vmem>>) offsets(%dma_start3A_183 : memref<80xi32, #tpu.memory_space<vmem>>) semaphore(%arg12 : memref<!tpu.dma_semaphore, #tpu.memory_space<semaphore_mem>>)
    %dma_wait3A_187 = arith.constant 0 : i32
    %dma_wait3A_188 = arith.constant 0 : i32
    %dma_wait3A_189 = tpu.memref_slice %arg7[%dma_wait3A_187, %dma_wait3A_188] : memref<80x128xf32, #tpu.memory_space<vmem>> -> memref<80x128xf32, #tpu.memory_space<vmem>>
    %dma_wait3A_190 = arith.constant 400 : i32
    %dma_wait3A_191 = tpu.memref_slice %arg5[%dma_wait3A_190] : memref<800xi32, #tpu.memory_space<vmem>> -> memref<80xi32, #tpu.memory_space<vmem>>
    %dma_wait3A_192 = arith.constant 0 : i32
    %dma_wait3A_193 = arith.constant 0 : i32
    %dma_wait3A_194 = tpu.memref_slice %arg3[%dma_wait3A_192, %dma_wait3A_193] : memref<100001x128xf32, #tpu.memory_space<hbm>> -> memref<100001x128xf32, #tpu.memory_space<hbm>>
    tpu.wait_indirect_dma semaphore(%arg11 : memref<!tpu.dma_semaphore, #tpu.memory_space<semaphore_mem>>) src(%dma_wait3A_194 : memref<100001x128xf32, #tpu.memory_space<hbm>>) dst(%dma_wait3A_189 : memref<80x128xf32, #tpu.memory_space<vmem>>)
    %add3A_195 = arith.constant 400 : i32
    %add3A_196 = arith.addi %mul3A_2, %add3A_195 : i32
    %dma_start3A_197 = arith.constant 0 : i32
    %dma_start3A_198 = arith.constant 0 : i32
    %dma_start3A_199 = tpu.memref_slice %arg7[%dma_start3A_197, %dma_start3A_198] : memref<80x128xf32, #tpu.memory_space<vmem>> -> memref<80x128xf32, #tpu.memory_space<vmem>>
    %dma_start3A_200 = arith.constant 0 : i32
    %dma_start3A_201 = tpu.memref_slice %arg4[%add3A_196, %dma_start3A_200] : memref<25600x128xf32, #tpu.memory_space<hbm>> -> memref<80x128xf32, #tpu.memory_space<hbm>>
    %dma_start3A_202 = arith.constant 0 : i32
    %dma_start3A_203 = tpu.memref_slice %arg4[%add3A_196, %dma_start3A_202] : memref<25600x128xf32, #tpu.memory_space<hbm>> -> memref<80x128xf32, #tpu.memory_space<hbm>>
    %dma_start3A_204 = arith.constant 0 : i32
    %dma_start3A_205 = arith.constant 0 : i32
    %dma_start3A_206 = tpu.memref_slice %arg7[%dma_start3A_204, %dma_start3A_205] : memref<80x128xf32, #tpu.memory_space<vmem>> -> memref<80x128xf32, #tpu.memory_space<vmem>>
    tpu.enqueue_dma source(%dma_start3A_206 : memref<80x128xf32, #tpu.memory_space<vmem>>) target(%dma_start3A_203 : memref<80x128xf32, #tpu.memory_space<hbm>>) target_semaphore(%arg15 : memref<!tpu.dma_semaphore, #tpu.memory_space<semaphore_mem>>)
    %dma_wait3A_207 = arith.constant 0 : i32
    %dma_wait3A_208 = arith.constant 0 : i32
    %dma_wait3A_209 = tpu.memref_slice %arg9[%dma_wait3A_207, %dma_wait3A_208] : memref<80x128xf32, #tpu.memory_space<vmem>> -> memref<80x128xf32, #tpu.memory_space<vmem>>
    %dma_wait3A_210 = arith.constant 0 : i32
    %dma_wait3A_211 = tpu.memref_slice %arg4[%add3A_120, %dma_wait3A_210] : memref<25600x128xf32, #tpu.memory_space<hbm>> -> memref<80x128xf32, #tpu.memory_space<hbm>>
    %dma_wait3A_212 = arith.constant 0 : i32
    %dma_wait3A_213 = tpu.memref_slice %arg4[%add3A_120, %dma_wait3A_212] : memref<25600x128xf32, #tpu.memory_space<hbm>> -> memref<80x128xf32, #tpu.memory_space<hbm>>
    %dma_wait3A_214 = arith.constant 0 : i32
    %dma_wait3A_215 = arith.constant 0 : i32
    %dma_wait3A_216 = tpu.memref_slice %arg9[%dma_wait3A_214, %dma_wait3A_215] : memref<80x128xf32, #tpu.memory_space<vmem>> -> memref<80x128xf32, #tpu.memory_space<vmem>>
    tpu.wait_dma2 semaphore(%arg17 : memref<!tpu.dma_semaphore, #tpu.memory_space<semaphore_mem>>) src(%dma_wait3A_216 : memref<80x128xf32, #tpu.memory_space<vmem>>) dst(%dma_wait3A_213 : memref<80x128xf32, #tpu.memory_space<hbm>>)
    %dma_start3A_217 = arith.constant 0 : i32
    %dma_start3A_218 = arith.constant 0 : i32
    %dma_start3A_219 = tpu.memref_slice %arg9[%dma_start3A_217, %dma_start3A_218] : memref<80x128xf32, #tpu.memory_space<vmem>> -> memref<80x128xf32, #tpu.memory_space<vmem>>
    %dma_start3A_220 = arith.constant 560 : i32
    %dma_start3A_221 = tpu.memref_slice %arg5[%dma_start3A_220] : memref<800xi32, #tpu.memory_space<vmem>> -> memref<80xi32, #tpu.memory_space<vmem>>
    %dma_start3A_222 = arith.constant 0 : i32
    %dma_start3A_223 = arith.constant 0 : i32
    %dma_start3A_224 = tpu.memref_slice %arg3[%dma_start3A_222, %dma_start3A_223] : memref<100001x128xf32, #tpu.memory_space<hbm>> -> memref<100001x128xf32, #tpu.memory_space<hbm>>
    tpu.enqueue_indirect_dma source(%dma_start3A_224 : memref<100001x128xf32, #tpu.memory_space<hbm>>) target(%dma_start3A_219 : memref<80x128xf32, #tpu.memory_space<vmem>>) offsets(%dma_start3A_221 : memref<80xi32, #tpu.memory_space<vmem>>) semaphore(%arg13 : memref<!tpu.dma_semaphore, #tpu.memory_space<semaphore_mem>>)
    %dma_wait3A_225 = arith.constant 0 : i32
    %dma_wait3A_226 = arith.constant 0 : i32
    %dma_wait3A_227 = tpu.memref_slice %arg8[%dma_wait3A_225, %dma_wait3A_226] : memref<80x128xf32, #tpu.memory_space<vmem>> -> memref<80x128xf32, #tpu.memory_space<vmem>>
    %dma_wait3A_228 = arith.constant 480 : i32
    %dma_wait3A_229 = tpu.memref_slice %arg5[%dma_wait3A_228] : memref<800xi32, #tpu.memory_space<vmem>> -> memref<80xi32, #tpu.memory_space<vmem>>
    %dma_wait3A_230 = arith.constant 0 : i32
    %dma_wait3A_231 = arith.constant 0 : i32
    %dma_wait3A_232 = tpu.memref_slice %arg3[%dma_wait3A_230, %dma_wait3A_231] : memref<100001x128xf32, #tpu.memory_space<hbm>> -> memref<100001x128xf32, #tpu.memory_space<hbm>>
    tpu.wait_indirect_dma semaphore(%arg12 : memref<!tpu.dma_semaphore, #tpu.memory_space<semaphore_mem>>) src(%dma_wait3A_232 : memref<100001x128xf32, #tpu.memory_space<hbm>>) dst(%dma_wait3A_227 : memref<80x128xf32, #tpu.memory_space<vmem>>)
    %add3A_233 = arith.constant 480 : i32
    %add3A_234 = arith.addi %mul3A_2, %add3A_233 : i32
    %dma_start3A_235 = arith.constant 0 : i32
    %dma_start3A_236 = arith.constant 0 : i32
    %dma_start3A_237 = tpu.memref_slice %arg8[%dma_start3A_235, %dma_start3A_236] : memref<80x128xf32, #tpu.memory_space<vmem>> -> memref<80x128xf32, #tpu.memory_space<vmem>>
    %dma_start3A_238 = arith.constant 0 : i32
    %dma_start3A_239 = tpu.memref_slice %arg4[%add3A_234, %dma_start3A_238] : memref<25600x128xf32, #tpu.memory_space<hbm>> -> memref<80x128xf32, #tpu.memory_space<hbm>>
    %dma_start3A_240 = arith.constant 0 : i32
    %dma_start3A_241 = tpu.memref_slice %arg4[%add3A_234, %dma_start3A_240] : memref<25600x128xf32, #tpu.memory_space<hbm>> -> memref<80x128xf32, #tpu.memory_space<hbm>>
    %dma_start3A_242 = arith.constant 0 : i32
    %dma_start3A_243 = arith.constant 0 : i32
    %dma_start3A_244 = tpu.memref_slice %arg8[%dma_start3A_242, %dma_start3A_243] : memref<80x128xf32, #tpu.memory_space<vmem>> -> memref<80x128xf32, #tpu.memory_space<vmem>>
    tpu.enqueue_dma source(%dma_start3A_244 : memref<80x128xf32, #tpu.memory_space<vmem>>) target(%dma_start3A_241 : memref<80x128xf32, #tpu.memory_space<hbm>>) target_semaphore(%arg16 : memref<!tpu.dma_semaphore, #tpu.memory_space<semaphore_mem>>)
    %dma_wait3A_245 = arith.constant 0 : i32
    %dma_wait3A_246 = arith.constant 0 : i32
    %dma_wait3A_247 = tpu.memref_slice %arg6[%dma_wait3A_245, %dma_wait3A_246] : memref<80x128xf32, #tpu.memory_space<vmem>> -> memref<80x128xf32, #tpu.memory_space<vmem>>
    %dma_wait3A_248 = arith.constant 0 : i32
    %dma_wait3A_249 = tpu.memref_slice %arg4[%add3A_158, %dma_wait3A_248] : memref<25600x128xf32, #tpu.memory_space<hbm>> -> memref<80x128xf32, #tpu.memory_space<hbm>>
    %dma_wait3A_250 = arith.constant 0 : i32
    %dma_wait3A_251 = tpu.memref_slice %arg4[%add3A_158, %dma_wait3A_250] : memref<25600x128xf32, #tpu.memory_space<hbm>> -> memref<80x128xf32, #tpu.memory_space<hbm>>
    %dma_wait3A_252 = arith.constant 0 : i32
    %dma_wait3A_253 = arith.constant 0 : i32
    %dma_wait3A_254 = tpu.memref_slice %arg6[%dma_wait3A_252, %dma_wait3A_253] : memref<80x128xf32, #tpu.memory_space<vmem>> -> memref<80x128xf32, #tpu.memory_space<vmem>>
    tpu.wait_dma2 semaphore(%arg14 : memref<!tpu.dma_semaphore, #tpu.memory_space<semaphore_mem>>) src(%dma_wait3A_254 : memref<80x128xf32, #tpu.memory_space<vmem>>) dst(%dma_wait3A_251 : memref<80x128xf32, #tpu.memory_space<hbm>>)
    %dma_start3A_255 = arith.constant 0 : i32
    %dma_start3A_256 = arith.constant 0 : i32
    %dma_start3A_257 = tpu.memref_slice %arg6[%dma_start3A_255, %dma_start3A_256] : memref<80x128xf32, #tpu.memory_space<vmem>> -> memref<80x128xf32, #tpu.memory_space<vmem>>
    %dma_start3A_258 = arith.constant 640 : i32
    %dma_start3A_259 = tpu.memref_slice %arg5[%dma_start3A_258] : memref<800xi32, #tpu.memory_space<vmem>> -> memref<80xi32, #tpu.memory_space<vmem>>
    %dma_start3A_260 = arith.constant 0 : i32
    %dma_start3A_261 = arith.constant 0 : i32
    %dma_start3A_262 = tpu.memref_slice %arg3[%dma_start3A_260, %dma_start3A_261] : memref<100001x128xf32, #tpu.memory_space<hbm>> -> memref<100001x128xf32, #tpu.memory_space<hbm>>
    tpu.enqueue_indirect_dma source(%dma_start3A_262 : memref<100001x128xf32, #tpu.memory_space<hbm>>) target(%dma_start3A_257 : memref<80x128xf32, #tpu.memory_space<vmem>>) offsets(%dma_start3A_259 : memref<80xi32, #tpu.memory_space<vmem>>) semaphore(%arg10 : memref<!tpu.dma_semaphore, #tpu.memory_space<semaphore_mem>>)
    %dma_wait3A_263 = arith.constant 0 : i32
    %dma_wait3A_264 = arith.constant 0 : i32
    %dma_wait3A_265 = tpu.memref_slice %arg9[%dma_wait3A_263, %dma_wait3A_264] : memref<80x128xf32, #tpu.memory_space<vmem>> -> memref<80x128xf32, #tpu.memory_space<vmem>>
    %dma_wait3A_266 = arith.constant 560 : i32
    %dma_wait3A_267 = tpu.memref_slice %arg5[%dma_wait3A_266] : memref<800xi32, #tpu.memory_space<vmem>> -> memref<80xi32, #tpu.memory_space<vmem>>
    %dma_wait3A_268 = arith.constant 0 : i32
    %dma_wait3A_269 = arith.constant 0 : i32
    %dma_wait3A_270 = tpu.memref_slice %arg3[%dma_wait3A_268, %dma_wait3A_269] : memref<100001x128xf32, #tpu.memory_space<hbm>> -> memref<100001x128xf32, #tpu.memory_space<hbm>>
    tpu.wait_indirect_dma semaphore(%arg13 : memref<!tpu.dma_semaphore, #tpu.memory_space<semaphore_mem>>) src(%dma_wait3A_270 : memref<100001x128xf32, #tpu.memory_space<hbm>>) dst(%dma_wait3A_265 : memref<80x128xf32, #tpu.memory_space<vmem>>)
    %add3A_271 = arith.constant 560 : i32
    %add3A_272 = arith.addi %mul3A_2, %add3A_271 : i32
    %dma_start3A_273 = arith.constant 0 : i32
    %dma_start3A_274 = arith.constant 0 : i32
    %dma_start3A_275 = tpu.memref_slice %arg9[%dma_start3A_273, %dma_start3A_274] : memref<80x128xf32, #tpu.memory_space<vmem>> -> memref<80x128xf32, #tpu.memory_space<vmem>>
    %dma_start3A_276 = arith.constant 0 : i32
    %dma_start3A_277 = tpu.memref_slice %arg4[%add3A_272, %dma_start3A_276] : memref<25600x128xf32, #tpu.memory_space<hbm>> -> memref<80x128xf32, #tpu.memory_space<hbm>>
    %dma_start3A_278 = arith.constant 0 : i32
    %dma_start3A_279 = tpu.memref_slice %arg4[%add3A_272, %dma_start3A_278] : memref<25600x128xf32, #tpu.memory_space<hbm>> -> memref<80x128xf32, #tpu.memory_space<hbm>>
    %dma_start3A_280 = arith.constant 0 : i32
    %dma_start3A_281 = arith.constant 0 : i32
    %dma_start3A_282 = tpu.memref_slice %arg9[%dma_start3A_280, %dma_start3A_281] : memref<80x128xf32, #tpu.memory_space<vmem>> -> memref<80x128xf32, #tpu.memory_space<vmem>>
    tpu.enqueue_dma source(%dma_start3A_282 : memref<80x128xf32, #tpu.memory_space<vmem>>) target(%dma_start3A_279 : memref<80x128xf32, #tpu.memory_space<hbm>>) target_semaphore(%arg17 : memref<!tpu.dma_semaphore, #tpu.memory_space<semaphore_mem>>)
    %dma_wait3A_283 = arith.constant 0 : i32
    %dma_wait3A_284 = arith.constant 0 : i32
    %dma_wait3A_285 = tpu.memref_slice %arg7[%dma_wait3A_283, %dma_wait3A_284] : memref<80x128xf32, #tpu.memory_space<vmem>> -> memref<80x128xf32, #tpu.memory_space<vmem>>
    %dma_wait3A_286 = arith.constant 0 : i32
    %dma_wait3A_287 = tpu.memref_slice %arg4[%add3A_196, %dma_wait3A_286] : memref<25600x128xf32, #tpu.memory_space<hbm>> -> memref<80x128xf32, #tpu.memory_space<hbm>>
    %dma_wait3A_288 = arith.constant 0 : i32
    %dma_wait3A_289 = tpu.memref_slice %arg4[%add3A_196, %dma_wait3A_288] : memref<25600x128xf32, #tpu.memory_space<hbm>> -> memref<80x128xf32, #tpu.memory_space<hbm>>
    %dma_wait3A_290 = arith.constant 0 : i32
    %dma_wait3A_291 = arith.constant 0 : i32
    %dma_wait3A_292 = tpu.memref_slice %arg7[%dma_wait3A_290, %dma_wait3A_291] : memref<80x128xf32, #tpu.memory_space<vmem>> -> memref<80x128xf32, #tpu.memory_space<vmem>>
    tpu.wait_dma2 semaphore(%arg15 : memref<!tpu.dma_semaphore, #tpu.memory_space<semaphore_mem>>) src(%dma_wait3A_292 : memref<80x128xf32, #tpu.memory_space<vmem>>) dst(%dma_wait3A_289 : memref<80x128xf32, #tpu.memory_space<hbm>>)
    %dma_start3A_293 = arith.constant 0 : i32
    %dma_start3A_294 = arith.constant 0 : i32
    %dma_start3A_295 = tpu.memref_slice %arg7[%dma_start3A_293, %dma_start3A_294] : memref<80x128xf32, #tpu.memory_space<vmem>> -> memref<80x128xf32, #tpu.memory_space<vmem>>
    %dma_start3A_296 = arith.constant 720 : i32
    %dma_start3A_297 = tpu.memref_slice %arg5[%dma_start3A_296] : memref<800xi32, #tpu.memory_space<vmem>> -> memref<80xi32, #tpu.memory_space<vmem>>
    %dma_start3A_298 = arith.constant 0 : i32
    %dma_start3A_299 = arith.constant 0 : i32
    %dma_start3A_300 = tpu.memref_slice %arg3[%dma_start3A_298, %dma_start3A_299] : memref<100001x128xf32, #tpu.memory_space<hbm>> -> memref<100001x128xf32, #tpu.memory_space<hbm>>
    tpu.enqueue_indirect_dma source(%dma_start3A_300 : memref<100001x128xf32, #tpu.memory_space<hbm>>) target(%dma_start3A_295 : memref<80x128xf32, #tpu.memory_space<vmem>>) offsets(%dma_start3A_297 : memref<80xi32, #tpu.memory_space<vmem>>) semaphore(%arg11 : memref<!tpu.dma_semaphore, #tpu.memory_space<semaphore_mem>>)
    %dma_wait3A_301 = arith.constant 0 : i32
    %dma_wait3A_302 = arith.constant 0 : i32
    %dma_wait3A_303 = tpu.memref_slice %arg6[%dma_wait3A_301, %dma_wait3A_302] : memref<80x128xf32, #tpu.memory_space<vmem>> -> memref<80x128xf32, #tpu.memory_space<vmem>>
    %dma_wait3A_304 = arith.constant 640 : i32
    %dma_wait3A_305 = tpu.memref_slice %arg5[%dma_wait3A_304] : memref<800xi32, #tpu.memory_space<vmem>> -> memref<80xi32, #tpu.memory_space<vmem>>
    %dma_wait3A_306 = arith.constant 0 : i32
    %dma_wait3A_307 = arith.constant 0 : i32
    %dma_wait3A_308 = tpu.memref_slice %arg3[%dma_wait3A_306, %dma_wait3A_307] : memref<100001x128xf32, #tpu.memory_space<hbm>> -> memref<100001x128xf32, #tpu.memory_space<hbm>>
    tpu.wait_indirect_dma semaphore(%arg10 : memref<!tpu.dma_semaphore, #tpu.memory_space<semaphore_mem>>) src(%dma_wait3A_308 : memref<100001x128xf32, #tpu.memory_space<hbm>>) dst(%dma_wait3A_303 : memref<80x128xf32, #tpu.memory_space<vmem>>)
    %add3A_309 = arith.constant 640 : i32
    %add3A_310 = arith.addi %mul3A_2, %add3A_309 : i32
    %dma_start3A_311 = arith.constant 0 : i32
    %dma_start3A_312 = arith.constant 0 : i32
    %dma_start3A_313 = tpu.memref_slice %arg6[%dma_start3A_311, %dma_start3A_312] : memref<80x128xf32, #tpu.memory_space<vmem>> -> memref<80x128xf32, #tpu.memory_space<vmem>>
    %dma_start3A_314 = arith.constant 0 : i32
    %dma_start3A_315 = tpu.memref_slice %arg4[%add3A_310, %dma_start3A_314] : memref<25600x128xf32, #tpu.memory_space<hbm>> -> memref<80x128xf32, #tpu.memory_space<hbm>>
    %dma_start3A_316 = arith.constant 0 : i32
    %dma_start3A_317 = tpu.memref_slice %arg4[%add3A_310, %dma_start3A_316] : memref<25600x128xf32, #tpu.memory_space<hbm>> -> memref<80x128xf32, #tpu.memory_space<hbm>>
    %dma_start3A_318 = arith.constant 0 : i32
    %dma_start3A_319 = arith.constant 0 : i32
    %dma_start3A_320 = tpu.memref_slice %arg6[%dma_start3A_318, %dma_start3A_319] : memref<80x128xf32, #tpu.memory_space<vmem>> -> memref<80x128xf32, #tpu.memory_space<vmem>>
    tpu.enqueue_dma source(%dma_start3A_320 : memref<80x128xf32, #tpu.memory_space<vmem>>) target(%dma_start3A_317 : memref<80x128xf32, #tpu.memory_space<hbm>>) target_semaphore(%arg14 : memref<!tpu.dma_semaphore, #tpu.memory_space<semaphore_mem>>)
    %dma_wait3A_321 = arith.constant 0 : i32
    %dma_wait3A_322 = arith.constant 0 : i32
    %dma_wait3A_323 = tpu.memref_slice %arg7[%dma_wait3A_321, %dma_wait3A_322] : memref<80x128xf32, #tpu.memory_space<vmem>> -> memref<80x128xf32, #tpu.memory_space<vmem>>
    %dma_wait3A_324 = arith.constant 720 : i32
    %dma_wait3A_325 = tpu.memref_slice %arg5[%dma_wait3A_324] : memref<800xi32, #tpu.memory_space<vmem>> -> memref<80xi32, #tpu.memory_space<vmem>>
    %dma_wait3A_326 = arith.constant 0 : i32
    %dma_wait3A_327 = arith.constant 0 : i32
    %dma_wait3A_328 = tpu.memref_slice %arg3[%dma_wait3A_326, %dma_wait3A_327] : memref<100001x128xf32, #tpu.memory_space<hbm>> -> memref<100001x128xf32, #tpu.memory_space<hbm>>
    tpu.wait_indirect_dma semaphore(%arg11 : memref<!tpu.dma_semaphore, #tpu.memory_space<semaphore_mem>>) src(%dma_wait3A_328 : memref<100001x128xf32, #tpu.memory_space<hbm>>) dst(%dma_wait3A_323 : memref<80x128xf32, #tpu.memory_space<vmem>>)
    %add3A_329 = arith.constant 720 : i32
    %add3A_330 = arith.addi %mul3A_2, %add3A_329 : i32
    %dma_start3A_331 = arith.constant 0 : i32
    %dma_start3A_332 = arith.constant 0 : i32
    %dma_start3A_333 = tpu.memref_slice %arg7[%dma_start3A_331, %dma_start3A_332] : memref<80x128xf32, #tpu.memory_space<vmem>> -> memref<80x128xf32, #tpu.memory_space<vmem>>
    %dma_start3A_334 = arith.constant 0 : i32
    %dma_start3A_335 = tpu.memref_slice %arg4[%add3A_330, %dma_start3A_334] : memref<25600x128xf32, #tpu.memory_space<hbm>> -> memref<80x128xf32, #tpu.memory_space<hbm>>
    %dma_start3A_336 = arith.constant 0 : i32
    %dma_start3A_337 = tpu.memref_slice %arg4[%add3A_330, %dma_start3A_336] : memref<25600x128xf32, #tpu.memory_space<hbm>> -> memref<80x128xf32, #tpu.memory_space<hbm>>
    %dma_start3A_338 = arith.constant 0 : i32
    %dma_start3A_339 = arith.constant 0 : i32
    %dma_start3A_340 = tpu.memref_slice %arg7[%dma_start3A_338, %dma_start3A_339] : memref<80x128xf32, #tpu.memory_space<vmem>> -> memref<80x128xf32, #tpu.memory_space<vmem>>
    tpu.enqueue_dma source(%dma_start3A_340 : memref<80x128xf32, #tpu.memory_space<vmem>>) target(%dma_start3A_337 : memref<80x128xf32, #tpu.memory_space<hbm>>) target_semaphore(%arg15 : memref<!tpu.dma_semaphore, #tpu.memory_space<semaphore_mem>>)
    %dma_wait3A_341 = arith.constant 0 : i32
    %dma_wait3A_342 = arith.constant 0 : i32
    %dma_wait3A_343 = tpu.memref_slice %arg8[%dma_wait3A_341, %dma_wait3A_342] : memref<80x128xf32, #tpu.memory_space<vmem>> -> memref<80x128xf32, #tpu.memory_space<vmem>>
    %dma_wait3A_344 = arith.constant 0 : i32
    %dma_wait3A_345 = tpu.memref_slice %arg4[%add3A_234, %dma_wait3A_344] : memref<25600x128xf32, #tpu.memory_space<hbm>> -> memref<80x128xf32, #tpu.memory_space<hbm>>
    %dma_wait3A_346 = arith.constant 0 : i32
    %dma_wait3A_347 = tpu.memref_slice %arg4[%add3A_234, %dma_wait3A_346] : memref<25600x128xf32, #tpu.memory_space<hbm>> -> memref<80x128xf32, #tpu.memory_space<hbm>>
    %dma_wait3A_348 = arith.constant 0 : i32
    %dma_wait3A_349 = arith.constant 0 : i32
    %dma_wait3A_350 = tpu.memref_slice %arg8[%dma_wait3A_348, %dma_wait3A_349] : memref<80x128xf32, #tpu.memory_space<vmem>> -> memref<80x128xf32, #tpu.memory_space<vmem>>
    tpu.wait_dma2 semaphore(%arg16 : memref<!tpu.dma_semaphore, #tpu.memory_space<semaphore_mem>>) src(%dma_wait3A_350 : memref<80x128xf32, #tpu.memory_space<vmem>>) dst(%dma_wait3A_347 : memref<80x128xf32, #tpu.memory_space<hbm>>)
    %dma_wait3A_351 = arith.constant 0 : i32
    %dma_wait3A_352 = arith.constant 0 : i32
    %dma_wait3A_353 = tpu.memref_slice %arg9[%dma_wait3A_351, %dma_wait3A_352] : memref<80x128xf32, #tpu.memory_space<vmem>> -> memref<80x128xf32, #tpu.memory_space<vmem>>
    %dma_wait3A_354 = arith.constant 0 : i32
    %dma_wait3A_355 = tpu.memref_slice %arg4[%add3A_272, %dma_wait3A_354] : memref<25600x128xf32, #tpu.memory_space<hbm>> -> memref<80x128xf32, #tpu.memory_space<hbm>>
    %dma_wait3A_356 = arith.constant 0 : i32
    %dma_wait3A_357 = tpu.memref_slice %arg4[%add3A_272, %dma_wait3A_356] : memref<25600x128xf32, #tpu.memory_space<hbm>> -> memref<80x128xf32, #tpu.memory_space<hbm>>
    %dma_wait3A_358 = arith.constant 0 : i32
    %dma_wait3A_359 = arith.constant 0 : i32
    %dma_wait3A_360 = tpu.memref_slice %arg9[%dma_wait3A_358, %dma_wait3A_359] : memref<80x128xf32, #tpu.memory_space<vmem>> -> memref<80x128xf32, #tpu.memory_space<vmem>>
    tpu.wait_dma2 semaphore(%arg17 : memref<!tpu.dma_semaphore, #tpu.memory_space<semaphore_mem>>) src(%dma_wait3A_360 : memref<80x128xf32, #tpu.memory_space<vmem>>) dst(%dma_wait3A_357 : memref<80x128xf32, #tpu.memory_space<hbm>>)
    %dma_wait3A_361 = arith.constant 0 : i32
    %dma_wait3A_362 = arith.constant 0 : i32
    %dma_wait3A_363 = tpu.memref_slice %arg6[%dma_wait3A_361, %dma_wait3A_362] : memref<80x128xf32, #tpu.memory_space<vmem>> -> memref<80x128xf32, #tpu.memory_space<vmem>>
    %dma_wait3A_364 = arith.constant 0 : i32
    %dma_wait3A_365 = tpu.memref_slice %arg4[%add3A_310, %dma_wait3A_364] : memref<25600x128xf32, #tpu.memory_space<hbm>> -> memref<80x128xf32, #tpu.memory_space<hbm>>
    %dma_wait3A_366 = arith.constant 0 : i32
    %dma_wait3A_367 = tpu.memref_slice %arg4[%add3A_310, %dma_wait3A_366] : memref<25600x128xf32, #tpu.memory_space<hbm>> -> memref<80x128xf32, #tpu.memory_space<hbm>>
    %dma_wait3A_368 = arith.constant 0 : i32
    %dma_wait3A_369 = arith.constant 0 : i32
    %dma_wait3A_370 = tpu.memref_slice %arg6[%dma_wait3A_368, %dma_wait3A_369] : memref<80x128xf32, #tpu.memory_space<vmem>> -> memref<80x128xf32, #tpu.memory_space<vmem>>
    tpu.wait_dma2 semaphore(%arg14 : memref<!tpu.dma_semaphore, #tpu.memory_space<semaphore_mem>>) src(%dma_wait3A_370 : memref<80x128xf32, #tpu.memory_space<vmem>>) dst(%dma_wait3A_367 : memref<80x128xf32, #tpu.memory_space<hbm>>)
    %dma_wait3A_371 = arith.constant 0 : i32
    %dma_wait3A_372 = arith.constant 0 : i32
    %dma_wait3A_373 = tpu.memref_slice %arg7[%dma_wait3A_371, %dma_wait3A_372] : memref<80x128xf32, #tpu.memory_space<vmem>> -> memref<80x128xf32, #tpu.memory_space<vmem>>
    %dma_wait3A_374 = arith.constant 0 : i32
    %dma_wait3A_375 = tpu.memref_slice %arg4[%add3A_330, %dma_wait3A_374] : memref<25600x128xf32, #tpu.memory_space<hbm>> -> memref<80x128xf32, #tpu.memory_space<hbm>>
    %dma_wait3A_376 = arith.constant 0 : i32
    %dma_wait3A_377 = tpu.memref_slice %arg4[%add3A_330, %dma_wait3A_376] : memref<25600x128xf32, #tpu.memory_space<hbm>> -> memref<80x128xf32, #tpu.memory_space<hbm>>
    %dma_wait3A_378 = arith.constant 0 : i32
    %dma_wait3A_379 = arith.constant 0 : i32
    %dma_wait3A_380 = tpu.memref_slice %arg7[%dma_wait3A_378, %dma_wait3A_379] : memref<80x128xf32, #tpu.memory_space<vmem>> -> memref<80x128xf32, #tpu.memory_space<vmem>>
    tpu.wait_dma2 semaphore(%arg15 : memref<!tpu.dma_semaphore, #tpu.memory_space<semaphore_mem>>) src(%dma_wait3A_380 : memref<80x128xf32, #tpu.memory_space<vmem>>) dst(%dma_wait3A_377 : memref<80x128xf32, #tpu.memory_space<hbm>>)
    return
  }
}

#map = affine_map<(d0, d1) -> (0)>
#map1 = affine_map<(d0, d1) -> (0, 0)>
module attributes {stable_mosaic.version = 14 : i64} {
  func.func @_sc_gather_body(%arg0: i32, %arg1: i32, %arg2: memref<25600xi32, #tpu.memory_space<hbm>>, %arg3: memref<100001x128xf32, #tpu.memory_space<hbm>>, %arg4: memref<25600x128xf32, #tpu.memory_space<hbm>>, %arg5: memref<800xi32, #tpu.memory_space<vmem>>, %arg6: memref<80x128xf32, #tpu.memory_space<vmem>>, %arg7: memref<80x128xf32, #tpu.memory_space<vmem>>, %arg8: memref<80x128xf32, #tpu.memory_space<vmem>>, %arg9: memref<80x128xf32, #tpu.memory_space<vmem>>, %arg10: memref<!tpu.dma_semaphore, #tpu.memory_space<semaphore_mem>>, %arg11: memref<!tpu.dma_semaphore, #tpu.memory_space<semaphore_mem>>, %arg12: memref<!tpu.dma_semaphore, #tpu.memory_space<semaphore_mem>>, %arg13: memref<!tpu.dma_semaphore, #tpu.memory_space<semaphore_mem>>, %arg14: memref<!tpu.dma_semaphore, #tpu.memory_space<semaphore_mem>>, %arg15: memref<!tpu.dma_semaphore, #tpu.memory_space<semaphore_mem>>, %arg16: memref<!tpu.dma_semaphore, #tpu.memory_space<semaphore_mem>>, %arg17: memref<!tpu.dma_semaphore, #tpu.memory_space<semaphore_mem>>) attributes {dimension_semantics = [#tpu.dimension_semantics<core_parallel>, #tpu.dimension_semantics<subcore_parallel>], iteration_bounds = array<i64: 2, 16>, scalar_prefetch = 0 : i64, scratch_operands = 13 : i64, tpu.core_type = #tpu.core_type<sc_vector_subcore>, window_params = [{transform_indices = #map}, {transform_indices = #map1}, {transform_indices = #map1}]} {
    %mul3A = arith.constant 2 : i32
    %mul3A_0 = arith.muli %arg1, %mul3A : i32
    %add3A = arith.addi %mul3A_0, %arg0 : i32
    %mul3A_1 = arith.constant 800 : i32
    %mul3A_2 = arith.muli %add3A, %mul3A_1 : i32
    "tpu.region"() ({
      %run_scoped3A = tpu.sem_alloc : memref<!tpu.dma_semaphore, #tpu.memory_space<semaphore_mem>>
      %dma_start3A_381 = tpu.memref_slice %arg2[%mul3A_2] : memref<25600xi32, #tpu.memory_space<hbm>> -> memref<800xi32, #tpu.memory_space<hbm>>
      %dma_start3A_382 = tpu.memref_slice %arg2[%mul3A_2] : memref<25600xi32, #tpu.memory_space<hbm>> -> memref<800xi32, #tpu.memory_space<hbm>>
      tpu.enqueue_dma source(%dma_start3A_382 : memref<800xi32, #tpu.memory_space<hbm>>) target(%arg5 : memref<800xi32, #tpu.memory_space<vmem>>) target_semaphore(%run_scoped3A : memref<!tpu.dma_semaphore, #tpu.memory_space<semaphore_mem>>)
      %dma_wait3A_383 = tpu.memref_slice %arg2[%mul3A_2] : memref<25600xi32, #tpu.memory_space<hbm>> -> memref<800xi32, #tpu.memory_space<hbm>>
      %dma_wait3A_384 = tpu.memref_slice %arg2[%mul3A_2] : memref<25600xi32, #tpu.memory_space<hbm>> -> memref<800xi32, #tpu.memory_space<hbm>>
      tpu.wait_dma2 semaphore(%run_scoped3A : memref<!tpu.dma_semaphore, #tpu.memory_space<semaphore_mem>>) src(%dma_wait3A_384 : memref<800xi32, #tpu.memory_space<hbm>>) dst(%arg5 : memref<800xi32, #tpu.memory_space<vmem>>)
      tpu.yield
    }) : () -> ()
    %dma_start3A = arith.constant 0 : i32
    %dma_start3A_3 = arith.constant 0 : i32
    %dma_start3A_4 = tpu.memref_slice %arg6[%dma_start3A, %dma_start3A_3] : memref<80x128xf32, #tpu.memory_space<vmem>> -> memref<80x128xf32, #tpu.memory_space<vmem>>
    %dma_start3A_5 = arith.constant 0 : i32
    %dma_start3A_6 = tpu.memref_slice %arg5[%dma_start3A_5] : memref<800xi32, #tpu.memory_space<vmem>> -> memref<80xi32, #tpu.memory_space<vmem>>
    %dma_start3A_7 = arith.constant 0 : i32
    %dma_start3A_8 = arith.constant 0 : i32
    %dma_start3A_9 = tpu.memref_slice %arg3[%dma_start3A_7, %dma_start3A_8] : memref<100001x128xf32, #tpu.memory_space<hbm>> -> memref<100001x128xf32, #tpu.memory_space<hbm>>
    tpu.enqueue_indirect_dma source(%dma_start3A_9 : memref<100001x128xf32, #tpu.memory_space<hbm>>) target(%dma_start3A_4 : memref<80x128xf32, #tpu.memory_space<vmem>>) offsets(%dma_start3A_6 : memref<80xi32, #tpu.memory_space<vmem>>) semaphore(%arg10 : memref<!tpu.dma_semaphore, #tpu.memory_space<semaphore_mem>>)
    %dma_start3A_10 = arith.constant 0 : i32
    %dma_start3A_11 = arith.constant 0 : i32
    %dma_start3A_12 = tpu.memref_slice %arg7[%dma_start3A_10, %dma_start3A_11] : memref<80x128xf32, #tpu.memory_space<vmem>> -> memref<80x128xf32, #tpu.memory_space<vmem>>
    %dma_start3A_13 = arith.constant 80 : i32
    %dma_start3A_14 = tpu.memref_slice %arg5[%dma_start3A_13] : memref<800xi32, #tpu.memory_space<vmem>> -> memref<80xi32, #tpu.memory_space<vmem>>
    %dma_start3A_15 = arith.constant 0 : i32
    %dma_start3A_16 = arith.constant 0 : i32
    %dma_start3A_17 = tpu.memref_slice %arg3[%dma_start3A_15, %dma_start3A_16] : memref<100001x128xf32, #tpu.memory_space<hbm>> -> memref<100001x128xf32, #tpu.memory_space<hbm>>
    tpu.enqueue_indirect_dma source(%dma_start3A_17 : memref<100001x128xf32, #tpu.memory_space<hbm>>) target(%dma_start3A_12 : memref<80x128xf32, #tpu.memory_space<vmem>>) offsets(%dma_start3A_14 : memref<80xi32, #tpu.memory_space<vmem>>) semaphore(%arg11 : memref<!tpu.dma_semaphore, #tpu.memory_space<semaphore_mem>>)
    %dma_wait3A = arith.constant 0 : i32
    %dma_wait3A_18 = arith.constant 0 : i32
    %dma_wait3A_19 = tpu.memref_slice %arg6[%dma_wait3A, %dma_wait3A_18] : memref<80x128xf32, #tpu.memory_space<vmem>> -> memref<80x128xf32, #tpu.memory_space<vmem>>
    %dma_wait3A_20 = arith.constant 0 : i32
    %dma_wait3A_21 = tpu.memref_slice %arg5[%dma_wait3A_20] : memref<800xi32, #tpu.memory_space<vmem>> -> memref<80xi32, #tpu.memory_space<vmem>>
    %dma_wait3A_22 = arith.constant 0 : i32
    %dma_wait3A_23 = arith.constant 0 : i32
    %dma_wait3A_24 = tpu.memref_slice %arg3[%dma_wait3A_22, %dma_wait3A_23] : memref<100001x128xf32, #tpu.memory_space<hbm>> -> memref<100001x128xf32, #tpu.memory_space<hbm>>
    tpu.wait_indirect_dma semaphore(%arg10 : memref<!tpu.dma_semaphore, #tpu.memory_space<semaphore_mem>>) src(%dma_wait3A_24 : memref<100001x128xf32, #tpu.memory_space<hbm>>) dst(%dma_wait3A_19 : memref<80x128xf32, #tpu.memory_space<vmem>>)
    %add3A_25 = arith.constant 0 : i32
    %add3A_26 = arith.addi %mul3A_2, %add3A_25 : i32
    %dma_start3A_27 = arith.constant 0 : i32
    %dma_start3A_28 = arith.constant 0 : i32
    %dma_start3A_29 = tpu.memref_slice %arg6[%dma_start3A_27, %dma_start3A_28] : memref<80x128xf32, #tpu.memory_space<vmem>> -> memref<80x128xf32, #tpu.memory_space<vmem>>
    %dma_start3A_30 = arith.constant 0 : i32
    %dma_start3A_31 = tpu.memref_slice %arg4[%add3A_26, %dma_start3A_30] : memref<25600x128xf32, #tpu.memory_space<hbm>> -> memref<80x128xf32, #tpu.memory_space<hbm>>
    %dma_start3A_32 = arith.constant 0 : i32
    %dma_start3A_33 = tpu.memref_slice %arg4[%add3A_26, %dma_start3A_32] : memref<25600x128xf32, #tpu.memory_space<hbm>> -> memref<80x128xf32, #tpu.memory_space<hbm>>
    %dma_start3A_34 = arith.constant 0 : i32
    %dma_start3A_35 = arith.constant 0 : i32
    %dma_start3A_36 = tpu.memref_slice %arg6[%dma_start3A_34, %dma_start3A_35] : memref<80x128xf32, #tpu.memory_space<vmem>> -> memref<80x128xf32, #tpu.memory_space<vmem>>
    tpu.enqueue_dma source(%dma_start3A_36 : memref<80x128xf32, #tpu.memory_space<vmem>>) target(%dma_start3A_33 : memref<80x128xf32, #tpu.memory_space<hbm>>) target_semaphore(%arg14 : memref<!tpu.dma_semaphore, #tpu.memory_space<semaphore_mem>>)
    %dma_start3A_37 = arith.constant 0 : i32
    %dma_start3A_38 = arith.constant 0 : i32
    %dma_start3A_39 = tpu.memref_slice %arg8[%dma_start3A_37, %dma_start3A_38] : memref<80x128xf32, #tpu.memory_space<vmem>> -> memref<80x128xf32, #tpu.memory_space<vmem>>
    %dma_start3A_40 = arith.constant 160 : i32
    %dma_start3A_41 = tpu.memref_slice %arg5[%dma_start3A_40] : memref<800xi32, #tpu.memory_space<vmem>> -> memref<80xi32, #tpu.memory_space<vmem>>
    %dma_start3A_42 = arith.constant 0 : i32
    %dma_start3A_43 = arith.constant 0 : i32
    %dma_start3A_44 = tpu.memref_slice %arg3[%dma_start3A_42, %dma_start3A_43] : memref<100001x128xf32, #tpu.memory_space<hbm>> -> memref<100001x128xf32, #tpu.memory_space<hbm>>
    tpu.enqueue_indirect_dma source(%dma_start3A_44 : memref<100001x128xf32, #tpu.memory_space<hbm>>) target(%dma_start3A_39 : memref<80x128xf32, #tpu.memory_space<vmem>>) offsets(%dma_start3A_41 : memref<80xi32, #tpu.memory_space<vmem>>) semaphore(%arg12 : memref<!tpu.dma_semaphore, #tpu.memory_space<semaphore_mem>>)
    %dma_wait3A_45 = arith.constant 0 : i32
    %dma_wait3A_46 = arith.constant 0 : i32
    %dma_wait3A_47 = tpu.memref_slice %arg7[%dma_wait3A_45, %dma_wait3A_46] : memref<80x128xf32, #tpu.memory_space<vmem>> -> memref<80x128xf32, #tpu.memory_space<vmem>>
    %dma_wait3A_48 = arith.constant 80 : i32
    %dma_wait3A_49 = tpu.memref_slice %arg5[%dma_wait3A_48] : memref<800xi32, #tpu.memory_space<vmem>> -> memref<80xi32, #tpu.memory_space<vmem>>
    %dma_wait3A_50 = arith.constant 0 : i32
    %dma_wait3A_51 = arith.constant 0 : i32
    %dma_wait3A_52 = tpu.memref_slice %arg3[%dma_wait3A_50, %dma_wait3A_51] : memref<100001x128xf32, #tpu.memory_space<hbm>> -> memref<100001x128xf32, #tpu.memory_space<hbm>>
    tpu.wait_indirect_dma semaphore(%arg11 : memref<!tpu.dma_semaphore, #tpu.memory_space<semaphore_mem>>) src(%dma_wait3A_52 : memref<100001x128xf32, #tpu.memory_space<hbm>>) dst(%dma_wait3A_47 : memref<80x128xf32, #tpu.memory_space<vmem>>)
    %add3A_53 = arith.constant 80 : i32
    %add3A_54 = arith.addi %mul3A_2, %add3A_53 : i32
    %dma_start3A_55 = arith.constant 0 : i32
    %dma_start3A_56 = arith.constant 0 : i32
    %dma_start3A_57 = tpu.memref_slice %arg7[%dma_start3A_55, %dma_start3A_56] : memref<80x128xf32, #tpu.memory_space<vmem>> -> memref<80x128xf32, #tpu.memory_space<vmem>>
    %dma_start3A_58 = arith.constant 0 : i32
    %dma_start3A_59 = tpu.memref_slice %arg4[%add3A_54, %dma_start3A_58] : memref<25600x128xf32, #tpu.memory_space<hbm>> -> memref<80x128xf32, #tpu.memory_space<hbm>>
    %dma_start3A_60 = arith.constant 0 : i32
    %dma_start3A_61 = tpu.memref_slice %arg4[%add3A_54, %dma_start3A_60] : memref<25600x128xf32, #tpu.memory_space<hbm>> -> memref<80x128xf32, #tpu.memory_space<hbm>>
    %dma_start3A_62 = arith.constant 0 : i32
    %dma_start3A_63 = arith.constant 0 : i32
    %dma_start3A_64 = tpu.memref_slice %arg7[%dma_start3A_62, %dma_start3A_63] : memref<80x128xf32, #tpu.memory_space<vmem>> -> memref<80x128xf32, #tpu.memory_space<vmem>>
    tpu.enqueue_dma source(%dma_start3A_64 : memref<80x128xf32, #tpu.memory_space<vmem>>) target(%dma_start3A_61 : memref<80x128xf32, #tpu.memory_space<hbm>>) target_semaphore(%arg15 : memref<!tpu.dma_semaphore, #tpu.memory_space<semaphore_mem>>)
    %dma_start3A_65 = arith.constant 0 : i32
    %dma_start3A_66 = arith.constant 0 : i32
    %dma_start3A_67 = tpu.memref_slice %arg9[%dma_start3A_65, %dma_start3A_66] : memref<80x128xf32, #tpu.memory_space<vmem>> -> memref<80x128xf32, #tpu.memory_space<vmem>>
    %dma_start3A_68 = arith.constant 240 : i32
    %dma_start3A_69 = tpu.memref_slice %arg5[%dma_start3A_68] : memref<800xi32, #tpu.memory_space<vmem>> -> memref<80xi32, #tpu.memory_space<vmem>>
    %dma_start3A_70 = arith.constant 0 : i32
    %dma_start3A_71 = arith.constant 0 : i32
    %dma_start3A_72 = tpu.memref_slice %arg3[%dma_start3A_70, %dma_start3A_71] : memref<100001x128xf32, #tpu.memory_space<hbm>> -> memref<100001x128xf32, #tpu.memory_space<hbm>>
    tpu.enqueue_indirect_dma source(%dma_start3A_72 : memref<100001x128xf32, #tpu.memory_space<hbm>>) target(%dma_start3A_67 : memref<80x128xf32, #tpu.memory_space<vmem>>) offsets(%dma_start3A_69 : memref<80xi32, #tpu.memory_space<vmem>>) semaphore(%arg13 : memref<!tpu.dma_semaphore, #tpu.memory_space<semaphore_mem>>)
    %dma_wait3A_73 = arith.constant 0 : i32
    %dma_wait3A_74 = arith.constant 0 : i32
    %dma_wait3A_75 = tpu.memref_slice %arg8[%dma_wait3A_73, %dma_wait3A_74] : memref<80x128xf32, #tpu.memory_space<vmem>> -> memref<80x128xf32, #tpu.memory_space<vmem>>
    %dma_wait3A_76 = arith.constant 160 : i32
    %dma_wait3A_77 = tpu.memref_slice %arg5[%dma_wait3A_76] : memref<800xi32, #tpu.memory_space<vmem>> -> memref<80xi32, #tpu.memory_space<vmem>>
    %dma_wait3A_78 = arith.constant 0 : i32
    %dma_wait3A_79 = arith.constant 0 : i32
    %dma_wait3A_80 = tpu.memref_slice %arg3[%dma_wait3A_78, %dma_wait3A_79] : memref<100001x128xf32, #tpu.memory_space<hbm>> -> memref<100001x128xf32, #tpu.memory_space<hbm>>
    tpu.wait_indirect_dma semaphore(%arg12 : memref<!tpu.dma_semaphore, #tpu.memory_space<semaphore_mem>>) src(%dma_wait3A_80 : memref<100001x128xf32, #tpu.memory_space<hbm>>) dst(%dma_wait3A_75 : memref<80x128xf32, #tpu.memory_space<vmem>>)
    %add3A_81 = arith.constant 160 : i32
    %add3A_82 = arith.addi %mul3A_2, %add3A_81 : i32
    %dma_start3A_83 = arith.constant 0 : i32
    %dma_start3A_84 = arith.constant 0 : i32
    %dma_start3A_85 = tpu.memref_slice %arg8[%dma_start3A_83, %dma_start3A_84] : memref<80x128xf32, #tpu.memory_space<vmem>> -> memref<80x128xf32, #tpu.memory_space<vmem>>
    %dma_start3A_86 = arith.constant 0 : i32
    %dma_start3A_87 = tpu.memref_slice %arg4[%add3A_82, %dma_start3A_86] : memref<25600x128xf32, #tpu.memory_space<hbm>> -> memref<80x128xf32, #tpu.memory_space<hbm>>
    %dma_start3A_88 = arith.constant 0 : i32
    %dma_start3A_89 = tpu.memref_slice %arg4[%add3A_82, %dma_start3A_88] : memref<25600x128xf32, #tpu.memory_space<hbm>> -> memref<80x128xf32, #tpu.memory_space<hbm>>
    %dma_start3A_90 = arith.constant 0 : i32
    %dma_start3A_91 = arith.constant 0 : i32
    %dma_start3A_92 = tpu.memref_slice %arg8[%dma_start3A_90, %dma_start3A_91] : memref<80x128xf32, #tpu.memory_space<vmem>> -> memref<80x128xf32, #tpu.memory_space<vmem>>
    tpu.enqueue_dma source(%dma_start3A_92 : memref<80x128xf32, #tpu.memory_space<vmem>>) target(%dma_start3A_89 : memref<80x128xf32, #tpu.memory_space<hbm>>) target_semaphore(%arg16 : memref<!tpu.dma_semaphore, #tpu.memory_space<semaphore_mem>>)
    %dma_wait3A_93 = arith.constant 0 : i32
    %dma_wait3A_94 = arith.constant 0 : i32
    %dma_wait3A_95 = tpu.memref_slice %arg6[%dma_wait3A_93, %dma_wait3A_94] : memref<80x128xf32, #tpu.memory_space<vmem>> -> memref<80x128xf32, #tpu.memory_space<vmem>>
    %dma_wait3A_96 = arith.constant 0 : i32
    %dma_wait3A_97 = tpu.memref_slice %arg4[%add3A_26, %dma_wait3A_96] : memref<25600x128xf32, #tpu.memory_space<hbm>> -> memref<80x128xf32, #tpu.memory_space<hbm>>
    %dma_wait3A_98 = arith.constant 0 : i32
    %dma_wait3A_99 = tpu.memref_slice %arg4[%add3A_26, %dma_wait3A_98] : memref<25600x128xf32, #tpu.memory_space<hbm>> -> memref<80x128xf32, #tpu.memory_space<hbm>>
    %dma_wait3A_100 = arith.constant 0 : i32
    %dma_wait3A_101 = arith.constant 0 : i32
    %dma_wait3A_102 = tpu.memref_slice %arg6[%dma_wait3A_100, %dma_wait3A_101] : memref<80x128xf32, #tpu.memory_space<vmem>> -> memref<80x128xf32, #tpu.memory_space<vmem>>
    tpu.wait_dma2 semaphore(%arg14 : memref<!tpu.dma_semaphore, #tpu.memory_space<semaphore_mem>>) src(%dma_wait3A_102 : memref<80x128xf32, #tpu.memory_space<vmem>>) dst(%dma_wait3A_99 : memref<80x128xf32, #tpu.memory_space<hbm>>)
    %dma_start3A_103 = arith.constant 0 : i32
    %dma_start3A_104 = arith.constant 0 : i32
    %dma_start3A_105 = tpu.memref_slice %arg6[%dma_start3A_103, %dma_start3A_104] : memref<80x128xf32, #tpu.memory_space<vmem>> -> memref<80x128xf32, #tpu.memory_space<vmem>>
    %dma_start3A_106 = arith.constant 320 : i32
    %dma_start3A_107 = tpu.memref_slice %arg5[%dma_start3A_106] : memref<800xi32, #tpu.memory_space<vmem>> -> memref<80xi32, #tpu.memory_space<vmem>>
    %dma_start3A_108 = arith.constant 0 : i32
    %dma_start3A_109 = arith.constant 0 : i32
    %dma_start3A_110 = tpu.memref_slice %arg3[%dma_start3A_108, %dma_start3A_109] : memref<100001x128xf32, #tpu.memory_space<hbm>> -> memref<100001x128xf32, #tpu.memory_space<hbm>>
    tpu.enqueue_indirect_dma source(%dma_start3A_110 : memref<100001x128xf32, #tpu.memory_space<hbm>>) target(%dma_start3A_105 : memref<80x128xf32, #tpu.memory_space<vmem>>) offsets(%dma_start3A_107 : memref<80xi32, #tpu.memory_space<vmem>>) semaphore(%arg10 : memref<!tpu.dma_semaphore, #tpu.memory_space<semaphore_mem>>)
    %dma_wait3A_111 = arith.constant 0 : i32
    %dma_wait3A_112 = arith.constant 0 : i32
    %dma_wait3A_113 = tpu.memref_slice %arg9[%dma_wait3A_111, %dma_wait3A_112] : memref<80x128xf32, #tpu.memory_space<vmem>> -> memref<80x128xf32, #tpu.memory_space<vmem>>
    %dma_wait3A_114 = arith.constant 240 : i32
    %dma_wait3A_115 = tpu.memref_slice %arg5[%dma_wait3A_114] : memref<800xi32, #tpu.memory_space<vmem>> -> memref<80xi32, #tpu.memory_space<vmem>>
    %dma_wait3A_116 = arith.constant 0 : i32
    %dma_wait3A_117 = arith.constant 0 : i32
    %dma_wait3A_118 = tpu.memref_slice %arg3[%dma_wait3A_116, %dma_wait3A_117] : memref<100001x128xf32, #tpu.memory_space<hbm>> -> memref<100001x128xf32, #tpu.memory_space<hbm>>
    tpu.wait_indirect_dma semaphore(%arg13 : memref<!tpu.dma_semaphore, #tpu.memory_space<semaphore_mem>>) src(%dma_wait3A_118 : memref<100001x128xf32, #tpu.memory_space<hbm>>) dst(%dma_wait3A_113 : memref<80x128xf32, #tpu.memory_space<vmem>>)
    %add3A_119 = arith.constant 240 : i32
    %add3A_120 = arith.addi %mul3A_2, %add3A_119 : i32
    %dma_start3A_121 = arith.constant 0 : i32
    %dma_start3A_122 = arith.constant 0 : i32
    %dma_start3A_123 = tpu.memref_slice %arg9[%dma_start3A_121, %dma_start3A_122] : memref<80x128xf32, #tpu.memory_space<vmem>> -> memref<80x128xf32, #tpu.memory_space<vmem>>
    %dma_start3A_124 = arith.constant 0 : i32
    %dma_start3A_125 = tpu.memref_slice %arg4[%add3A_120, %dma_start3A_124] : memref<25600x128xf32, #tpu.memory_space<hbm>> -> memref<80x128xf32, #tpu.memory_space<hbm>>
    %dma_start3A_126 = arith.constant 0 : i32
    %dma_start3A_127 = tpu.memref_slice %arg4[%add3A_120, %dma_start3A_126] : memref<25600x128xf32, #tpu.memory_space<hbm>> -> memref<80x128xf32, #tpu.memory_space<hbm>>
    %dma_start3A_128 = arith.constant 0 : i32
    %dma_start3A_129 = arith.constant 0 : i32
    %dma_start3A_130 = tpu.memref_slice %arg9[%dma_start3A_128, %dma_start3A_129] : memref<80x128xf32, #tpu.memory_space<vmem>> -> memref<80x128xf32, #tpu.memory_space<vmem>>
    tpu.enqueue_dma source(%dma_start3A_130 : memref<80x128xf32, #tpu.memory_space<vmem>>) target(%dma_start3A_127 : memref<80x128xf32, #tpu.memory_space<hbm>>) target_semaphore(%arg17 : memref<!tpu.dma_semaphore, #tpu.memory_space<semaphore_mem>>)
    %dma_wait3A_131 = arith.constant 0 : i32
    %dma_wait3A_132 = arith.constant 0 : i32
    %dma_wait3A_133 = tpu.memref_slice %arg7[%dma_wait3A_131, %dma_wait3A_132] : memref<80x128xf32, #tpu.memory_space<vmem>> -> memref<80x128xf32, #tpu.memory_space<vmem>>
    %dma_wait3A_134 = arith.constant 0 : i32
    %dma_wait3A_135 = tpu.memref_slice %arg4[%add3A_54, %dma_wait3A_134] : memref<25600x128xf32, #tpu.memory_space<hbm>> -> memref<80x128xf32, #tpu.memory_space<hbm>>
    %dma_wait3A_136 = arith.constant 0 : i32
    %dma_wait3A_137 = tpu.memref_slice %arg4[%add3A_54, %dma_wait3A_136] : memref<25600x128xf32, #tpu.memory_space<hbm>> -> memref<80x128xf32, #tpu.memory_space<hbm>>
    %dma_wait3A_138 = arith.constant 0 : i32
    %dma_wait3A_139 = arith.constant 0 : i32
    %dma_wait3A_140 = tpu.memref_slice %arg7[%dma_wait3A_138, %dma_wait3A_139] : memref<80x128xf32, #tpu.memory_space<vmem>> -> memref<80x128xf32, #tpu.memory_space<vmem>>
    tpu.wait_dma2 semaphore(%arg15 : memref<!tpu.dma_semaphore, #tpu.memory_space<semaphore_mem>>) src(%dma_wait3A_140 : memref<80x128xf32, #tpu.memory_space<vmem>>) dst(%dma_wait3A_137 : memref<80x128xf32, #tpu.memory_space<hbm>>)
    %dma_start3A_141 = arith.constant 0 : i32
    %dma_start3A_142 = arith.constant 0 : i32
    %dma_start3A_143 = tpu.memref_slice %arg7[%dma_start3A_141, %dma_start3A_142] : memref<80x128xf32, #tpu.memory_space<vmem>> -> memref<80x128xf32, #tpu.memory_space<vmem>>
    %dma_start3A_144 = arith.constant 400 : i32
    %dma_start3A_145 = tpu.memref_slice %arg5[%dma_start3A_144] : memref<800xi32, #tpu.memory_space<vmem>> -> memref<80xi32, #tpu.memory_space<vmem>>
    %dma_start3A_146 = arith.constant 0 : i32
    %dma_start3A_147 = arith.constant 0 : i32
    %dma_start3A_148 = tpu.memref_slice %arg3[%dma_start3A_146, %dma_start3A_147] : memref<100001x128xf32, #tpu.memory_space<hbm>> -> memref<100001x128xf32, #tpu.memory_space<hbm>>
    tpu.enqueue_indirect_dma source(%dma_start3A_148 : memref<100001x128xf32, #tpu.memory_space<hbm>>) target(%dma_start3A_143 : memref<80x128xf32, #tpu.memory_space<vmem>>) offsets(%dma_start3A_145 : memref<80xi32, #tpu.memory_space<vmem>>) semaphore(%arg11 : memref<!tpu.dma_semaphore, #tpu.memory_space<semaphore_mem>>)
    %dma_wait3A_149 = arith.constant 0 : i32
    %dma_wait3A_150 = arith.constant 0 : i32
    %dma_wait3A_151 = tpu.memref_slice %arg6[%dma_wait3A_149, %dma_wait3A_150] : memref<80x128xf32, #tpu.memory_space<vmem>> -> memref<80x128xf32, #tpu.memory_space<vmem>>
    %dma_wait3A_152 = arith.constant 320 : i32
    %dma_wait3A_153 = tpu.memref_slice %arg5[%dma_wait3A_152] : memref<800xi32, #tpu.memory_space<vmem>> -> memref<80xi32, #tpu.memory_space<vmem>>
    %dma_wait3A_154 = arith.constant 0 : i32
    %dma_wait3A_155 = arith.constant 0 : i32
    %dma_wait3A_156 = tpu.memref_slice %arg3[%dma_wait3A_154, %dma_wait3A_155] : memref<100001x128xf32, #tpu.memory_space<hbm>> -> memref<100001x128xf32, #tpu.memory_space<hbm>>
    tpu.wait_indirect_dma semaphore(%arg10 : memref<!tpu.dma_semaphore, #tpu.memory_space<semaphore_mem>>) src(%dma_wait3A_156 : memref<100001x128xf32, #tpu.memory_space<hbm>>) dst(%dma_wait3A_151 : memref<80x128xf32, #tpu.memory_space<vmem>>)
    %add3A_157 = arith.constant 320 : i32
    %add3A_158 = arith.addi %mul3A_2, %add3A_157 : i32
    %dma_start3A_159 = arith.constant 0 : i32
    %dma_start3A_160 = arith.constant 0 : i32
    %dma_start3A_161 = tpu.memref_slice %arg6[%dma_start3A_159, %dma_start3A_160] : memref<80x128xf32, #tpu.memory_space<vmem>> -> memref<80x128xf32, #tpu.memory_space<vmem>>
    %dma_start3A_162 = arith.constant 0 : i32
    %dma_start3A_163 = tpu.memref_slice %arg4[%add3A_158, %dma_start3A_162] : memref<25600x128xf32, #tpu.memory_space<hbm>> -> memref<80x128xf32, #tpu.memory_space<hbm>>
    %dma_start3A_164 = arith.constant 0 : i32
    %dma_start3A_165 = tpu.memref_slice %arg4[%add3A_158, %dma_start3A_164] : memref<25600x128xf32, #tpu.memory_space<hbm>> -> memref<80x128xf32, #tpu.memory_space<hbm>>
    %dma_start3A_166 = arith.constant 0 : i32
    %dma_start3A_167 = arith.constant 0 : i32
    %dma_start3A_168 = tpu.memref_slice %arg6[%dma_start3A_166, %dma_start3A_167] : memref<80x128xf32, #tpu.memory_space<vmem>> -> memref<80x128xf32, #tpu.memory_space<vmem>>
    tpu.enqueue_dma source(%dma_start3A_168 : memref<80x128xf32, #tpu.memory_space<vmem>>) target(%dma_start3A_165 : memref<80x128xf32, #tpu.memory_space<hbm>>) target_semaphore(%arg14 : memref<!tpu.dma_semaphore, #tpu.memory_space<semaphore_mem>>)
    %dma_wait3A_169 = arith.constant 0 : i32
    %dma_wait3A_170 = arith.constant 0 : i32
    %dma_wait3A_171 = tpu.memref_slice %arg8[%dma_wait3A_169, %dma_wait3A_170] : memref<80x128xf32, #tpu.memory_space<vmem>> -> memref<80x128xf32, #tpu.memory_space<vmem>>
    %dma_wait3A_172 = arith.constant 0 : i32
    %dma_wait3A_173 = tpu.memref_slice %arg4[%add3A_82, %dma_wait3A_172] : memref<25600x128xf32, #tpu.memory_space<hbm>> -> memref<80x128xf32, #tpu.memory_space<hbm>>
    %dma_wait3A_174 = arith.constant 0 : i32
    %dma_wait3A_175 = tpu.memref_slice %arg4[%add3A_82, %dma_wait3A_174] : memref<25600x128xf32, #tpu.memory_space<hbm>> -> memref<80x128xf32, #tpu.memory_space<hbm>>
    %dma_wait3A_176 = arith.constant 0 : i32
    %dma_wait3A_177 = arith.constant 0 : i32
    %dma_wait3A_178 = tpu.memref_slice %arg8[%dma_wait3A_176, %dma_wait3A_177] : memref<80x128xf32, #tpu.memory_space<vmem>> -> memref<80x128xf32, #tpu.memory_space<vmem>>
    tpu.wait_dma2 semaphore(%arg16 : memref<!tpu.dma_semaphore, #tpu.memory_space<semaphore_mem>>) src(%dma_wait3A_178 : memref<80x128xf32, #tpu.memory_space<vmem>>) dst(%dma_wait3A_175 : memref<80x128xf32, #tpu.memory_space<hbm>>)
    %dma_start3A_179 = arith.constant 0 : i32
    %dma_start3A_180 = arith.constant 0 : i32
    %dma_start3A_181 = tpu.memref_slice %arg8[%dma_start3A_179, %dma_start3A_180] : memref<80x128xf32, #tpu.memory_space<vmem>> -> memref<80x128xf32, #tpu.memory_space<vmem>>
    %dma_start3A_182 = arith.constant 480 : i32
    %dma_start3A_183 = tpu.memref_slice %arg5[%dma_start3A_182] : memref<800xi32, #tpu.memory_space<vmem>> -> memref<80xi32, #tpu.memory_space<vmem>>
    %dma_start3A_184 = arith.constant 0 : i32
    %dma_start3A_185 = arith.constant 0 : i32
    %dma_start3A_186 = tpu.memref_slice %arg3[%dma_start3A_184, %dma_start3A_185] : memref<100001x128xf32, #tpu.memory_space<hbm>> -> memref<100001x128xf32, #tpu.memory_space<hbm>>
    tpu.enqueue_indirect_dma source(%dma_start3A_186 : memref<100001x128xf32, #tpu.memory_space<hbm>>) target(%dma_start3A_181 : memref<80x128xf32, #tpu.memory_space<vmem>>) offsets(%dma_start3A_183 : memref<80xi32, #tpu.memory_space<vmem>>) semaphore(%arg12 : memref<!tpu.dma_semaphore, #tpu.memory_space<semaphore_mem>>)
    %dma_wait3A_187 = arith.constant 0 : i32
    %dma_wait3A_188 = arith.constant 0 : i32
    %dma_wait3A_189 = tpu.memref_slice %arg7[%dma_wait3A_187, %dma_wait3A_188] : memref<80x128xf32, #tpu.memory_space<vmem>> -> memref<80x128xf32, #tpu.memory_space<vmem>>
    %dma_wait3A_190 = arith.constant 400 : i32
    %dma_wait3A_191 = tpu.memref_slice %arg5[%dma_wait3A_190] : memref<800xi32, #tpu.memory_space<vmem>> -> memref<80xi32, #tpu.memory_space<vmem>>
    %dma_wait3A_192 = arith.constant 0 : i32
    %dma_wait3A_193 = arith.constant 0 : i32
    %dma_wait3A_194 = tpu.memref_slice %arg3[%dma_wait3A_192, %dma_wait3A_193] : memref<100001x128xf32, #tpu.memory_space<hbm>> -> memref<100001x128xf32, #tpu.memory_space<hbm>>
    tpu.wait_indirect_dma semaphore(%arg11 : memref<!tpu.dma_semaphore, #tpu.memory_space<semaphore_mem>>) src(%dma_wait3A_194 : memref<100001x128xf32, #tpu.memory_space<hbm>>) dst(%dma_wait3A_189 : memref<80x128xf32, #tpu.memory_space<vmem>>)
    %add3A_195 = arith.constant 400 : i32
    %add3A_196 = arith.addi %mul3A_2, %add3A_195 : i32
    %dma_start3A_197 = arith.constant 0 : i32
    %dma_start3A_198 = arith.constant 0 : i32
    %dma_start3A_199 = tpu.memref_slice %arg7[%dma_start3A_197, %dma_start3A_198] : memref<80x128xf32, #tpu.memory_space<vmem>> -> memref<80x128xf32, #tpu.memory_space<vmem>>
    %dma_start3A_200 = arith.constant 0 : i32
    %dma_start3A_201 = tpu.memref_slice %arg4[%add3A_196, %dma_start3A_200] : memref<25600x128xf32, #tpu.memory_space<hbm>> -> memref<80x128xf32, #tpu.memory_space<hbm>>
    %dma_start3A_202 = arith.constant 0 : i32
    %dma_start3A_203 = tpu.memref_slice %arg4[%add3A_196, %dma_start3A_202] : memref<25600x128xf32, #tpu.memory_space<hbm>> -> memref<80x128xf32, #tpu.memory_space<hbm>>
    %dma_start3A_204 = arith.constant 0 : i32
    %dma_start3A_205 = arith.constant 0 : i32
    %dma_start3A_206 = tpu.memref_slice %arg7[%dma_start3A_204, %dma_start3A_205] : memref<80x128xf32, #tpu.memory_space<vmem>> -> memref<80x128xf32, #tpu.memory_space<vmem>>
    tpu.enqueue_dma source(%dma_start3A_206 : memref<80x128xf32, #tpu.memory_space<vmem>>) target(%dma_start3A_203 : memref<80x128xf32, #tpu.memory_space<hbm>>) target_semaphore(%arg15 : memref<!tpu.dma_semaphore, #tpu.memory_space<semaphore_mem>>)
    %dma_wait3A_207 = arith.constant 0 : i32
    %dma_wait3A_208 = arith.constant 0 : i32
    %dma_wait3A_209 = tpu.memref_slice %arg9[%dma_wait3A_207, %dma_wait3A_208] : memref<80x128xf32, #tpu.memory_space<vmem>> -> memref<80x128xf32, #tpu.memory_space<vmem>>
    %dma_wait3A_210 = arith.constant 0 : i32
    %dma_wait3A_211 = tpu.memref_slice %arg4[%add3A_120, %dma_wait3A_210] : memref<25600x128xf32, #tpu.memory_space<hbm>> -> memref<80x128xf32, #tpu.memory_space<hbm>>
    %dma_wait3A_212 = arith.constant 0 : i32
    %dma_wait3A_213 = tpu.memref_slice %arg4[%add3A_120, %dma_wait3A_212] : memref<25600x128xf32, #tpu.memory_space<hbm>> -> memref<80x128xf32, #tpu.memory_space<hbm>>
    %dma_wait3A_214 = arith.constant 0 : i32
    %dma_wait3A_215 = arith.constant 0 : i32
    %dma_wait3A_216 = tpu.memref_slice %arg9[%dma_wait3A_214, %dma_wait3A_215] : memref<80x128xf32, #tpu.memory_space<vmem>> -> memref<80x128xf32, #tpu.memory_space<vmem>>
    tpu.wait_dma2 semaphore(%arg17 : memref<!tpu.dma_semaphore, #tpu.memory_space<semaphore_mem>>) src(%dma_wait3A_216 : memref<80x128xf32, #tpu.memory_space<vmem>>) dst(%dma_wait3A_213 : memref<80x128xf32, #tpu.memory_space<hbm>>)
    %dma_start3A_217 = arith.constant 0 : i32
    %dma_start3A_218 = arith.constant 0 : i32
    %dma_start3A_219 = tpu.memref_slice %arg9[%dma_start3A_217, %dma_start3A_218] : memref<80x128xf32, #tpu.memory_space<vmem>> -> memref<80x128xf32, #tpu.memory_space<vmem>>
    %dma_start3A_220 = arith.constant 560 : i32
    %dma_start3A_221 = tpu.memref_slice %arg5[%dma_start3A_220] : memref<800xi32, #tpu.memory_space<vmem>> -> memref<80xi32, #tpu.memory_space<vmem>>
    %dma_start3A_222 = arith.constant 0 : i32
    %dma_start3A_223 = arith.constant 0 : i32
    %dma_start3A_224 = tpu.memref_slice %arg3[%dma_start3A_222, %dma_start3A_223] : memref<100001x128xf32, #tpu.memory_space<hbm>> -> memref<100001x128xf32, #tpu.memory_space<hbm>>
    tpu.enqueue_indirect_dma source(%dma_start3A_224 : memref<100001x128xf32, #tpu.memory_space<hbm>>) target(%dma_start3A_219 : memref<80x128xf32, #tpu.memory_space<vmem>>) offsets(%dma_start3A_221 : memref<80xi32, #tpu.memory_space<vmem>>) semaphore(%arg13 : memref<!tpu.dma_semaphore, #tpu.memory_space<semaphore_mem>>)
    %dma_wait3A_225 = arith.constant 0 : i32
    %dma_wait3A_226 = arith.constant 0 : i32
    %dma_wait3A_227 = tpu.memref_slice %arg8[%dma_wait3A_225, %dma_wait3A_226] : memref<80x128xf32, #tpu.memory_space<vmem>> -> memref<80x128xf32, #tpu.memory_space<vmem>>
    %dma_wait3A_228 = arith.constant 480 : i32
    %dma_wait3A_229 = tpu.memref_slice %arg5[%dma_wait3A_228] : memref<800xi32, #tpu.memory_space<vmem>> -> memref<80xi32, #tpu.memory_space<vmem>>
    %dma_wait3A_230 = arith.constant 0 : i32
    %dma_wait3A_231 = arith.constant 0 : i32
    %dma_wait3A_232 = tpu.memref_slice %arg3[%dma_wait3A_230, %dma_wait3A_231] : memref<100001x128xf32, #tpu.memory_space<hbm>> -> memref<100001x128xf32, #tpu.memory_space<hbm>>
    tpu.wait_indirect_dma semaphore(%arg12 : memref<!tpu.dma_semaphore, #tpu.memory_space<semaphore_mem>>) src(%dma_wait3A_232 : memref<100001x128xf32, #tpu.memory_space<hbm>>) dst(%dma_wait3A_227 : memref<80x128xf32, #tpu.memory_space<vmem>>)
    %add3A_233 = arith.constant 480 : i32
    %add3A_234 = arith.addi %mul3A_2, %add3A_233 : i32
    %dma_start3A_235 = arith.constant 0 : i32
    %dma_start3A_236 = arith.constant 0 : i32
    %dma_start3A_237 = tpu.memref_slice %arg8[%dma_start3A_235, %dma_start3A_236] : memref<80x128xf32, #tpu.memory_space<vmem>> -> memref<80x128xf32, #tpu.memory_space<vmem>>
    %dma_start3A_238 = arith.constant 0 : i32
    %dma_start3A_239 = tpu.memref_slice %arg4[%add3A_234, %dma_start3A_238] : memref<25600x128xf32, #tpu.memory_space<hbm>> -> memref<80x128xf32, #tpu.memory_space<hbm>>
    %dma_start3A_240 = arith.constant 0 : i32
    %dma_start3A_241 = tpu.memref_slice %arg4[%add3A_234, %dma_start3A_240] : memref<25600x128xf32, #tpu.memory_space<hbm>> -> memref<80x128xf32, #tpu.memory_space<hbm>>
    %dma_start3A_242 = arith.constant 0 : i32
    %dma_start3A_243 = arith.constant 0 : i32
    %dma_start3A_244 = tpu.memref_slice %arg8[%dma_start3A_242, %dma_start3A_243] : memref<80x128xf32, #tpu.memory_space<vmem>> -> memref<80x128xf32, #tpu.memory_space<vmem>>
    tpu.enqueue_dma source(%dma_start3A_244 : memref<80x128xf32, #tpu.memory_space<vmem>>) target(%dma_start3A_241 : memref<80x128xf32, #tpu.memory_space<hbm>>) target_semaphore(%arg16 : memref<!tpu.dma_semaphore, #tpu.memory_space<semaphore_mem>>)
    %dma_wait3A_245 = arith.constant 0 : i32
    %dma_wait3A_246 = arith.constant 0 : i32
    %dma_wait3A_247 = tpu.memref_slice %arg6[%dma_wait3A_245, %dma_wait3A_246] : memref<80x128xf32, #tpu.memory_space<vmem>> -> memref<80x128xf32, #tpu.memory_space<vmem>>
    %dma_wait3A_248 = arith.constant 0 : i32
    %dma_wait3A_249 = tpu.memref_slice %arg4[%add3A_158, %dma_wait3A_248] : memref<25600x128xf32, #tpu.memory_space<hbm>> -> memref<80x128xf32, #tpu.memory_space<hbm>>
    %dma_wait3A_250 = arith.constant 0 : i32
    %dma_wait3A_251 = tpu.memref_slice %arg4[%add3A_158, %dma_wait3A_250] : memref<25600x128xf32, #tpu.memory_space<hbm>> -> memref<80x128xf32, #tpu.memory_space<hbm>>
    %dma_wait3A_252 = arith.constant 0 : i32
    %dma_wait3A_253 = arith.constant 0 : i32
    %dma_wait3A_254 = tpu.memref_slice %arg6[%dma_wait3A_252, %dma_wait3A_253] : memref<80x128xf32, #tpu.memory_space<vmem>> -> memref<80x128xf32, #tpu.memory_space<vmem>>
    tpu.wait_dma2 semaphore(%arg14 : memref<!tpu.dma_semaphore, #tpu.memory_space<semaphore_mem>>) src(%dma_wait3A_254 : memref<80x128xf32, #tpu.memory_space<vmem>>) dst(%dma_wait3A_251 : memref<80x128xf32, #tpu.memory_space<hbm>>)
    %dma_start3A_255 = arith.constant 0 : i32
    %dma_start3A_256 = arith.constant 0 : i32
    %dma_start3A_257 = tpu.memref_slice %arg6[%dma_start3A_255, %dma_start3A_256] : memref<80x128xf32, #tpu.memory_space<vmem>> -> memref<80x128xf32, #tpu.memory_space<vmem>>
    %dma_start3A_258 = arith.constant 640 : i32
    %dma_start3A_259 = tpu.memref_slice %arg5[%dma_start3A_258] : memref<800xi32, #tpu.memory_space<vmem>> -> memref<80xi32, #tpu.memory_space<vmem>>
    %dma_start3A_260 = arith.constant 0 : i32
    %dma_start3A_261 = arith.constant 0 : i32
    %dma_start3A_262 = tpu.memref_slice %arg3[%dma_start3A_260, %dma_start3A_261] : memref<100001x128xf32, #tpu.memory_space<hbm>> -> memref<100001x128xf32, #tpu.memory_space<hbm>>
    tpu.enqueue_indirect_dma source(%dma_start3A_262 : memref<100001x128xf32, #tpu.memory_space<hbm>>) target(%dma_start3A_257 : memref<80x128xf32, #tpu.memory_space<vmem>>) offsets(%dma_start3A_259 : memref<80xi32, #tpu.memory_space<vmem>>) semaphore(%arg10 : memref<!tpu.dma_semaphore, #tpu.memory_space<semaphore_mem>>)
    %dma_wait3A_263 = arith.constant 0 : i32
    %dma_wait3A_264 = arith.constant 0 : i32
    %dma_wait3A_265 = tpu.memref_slice %arg9[%dma_wait3A_263, %dma_wait3A_264] : memref<80x128xf32, #tpu.memory_space<vmem>> -> memref<80x128xf32, #tpu.memory_space<vmem>>
    %dma_wait3A_266 = arith.constant 560 : i32
    %dma_wait3A_267 = tpu.memref_slice %arg5[%dma_wait3A_266] : memref<800xi32, #tpu.memory_space<vmem>> -> memref<80xi32, #tpu.memory_space<vmem>>
    %dma_wait3A_268 = arith.constant 0 : i32
    %dma_wait3A_269 = arith.constant 0 : i32
    %dma_wait3A_270 = tpu.memref_slice %arg3[%dma_wait3A_268, %dma_wait3A_269] : memref<100001x128xf32, #tpu.memory_space<hbm>> -> memref<100001x128xf32, #tpu.memory_space<hbm>>
    tpu.wait_indirect_dma semaphore(%arg13 : memref<!tpu.dma_semaphore, #tpu.memory_space<semaphore_mem>>) src(%dma_wait3A_270 : memref<100001x128xf32, #tpu.memory_space<hbm>>) dst(%dma_wait3A_265 : memref<80x128xf32, #tpu.memory_space<vmem>>)
    %add3A_271 = arith.constant 560 : i32
    %add3A_272 = arith.addi %mul3A_2, %add3A_271 : i32
    %dma_start3A_273 = arith.constant 0 : i32
    %dma_start3A_274 = arith.constant 0 : i32
    %dma_start3A_275 = tpu.memref_slice %arg9[%dma_start3A_273, %dma_start3A_274] : memref<80x128xf32, #tpu.memory_space<vmem>> -> memref<80x128xf32, #tpu.memory_space<vmem>>
    %dma_start3A_276 = arith.constant 0 : i32
    %dma_start3A_277 = tpu.memref_slice %arg4[%add3A_272, %dma_start3A_276] : memref<25600x128xf32, #tpu.memory_space<hbm>> -> memref<80x128xf32, #tpu.memory_space<hbm>>
    %dma_start3A_278 = arith.constant 0 : i32
    %dma_start3A_279 = tpu.memref_slice %arg4[%add3A_272, %dma_start3A_278] : memref<25600x128xf32, #tpu.memory_space<hbm>> -> memref<80x128xf32, #tpu.memory_space<hbm>>
    %dma_start3A_280 = arith.constant 0 : i32
    %dma_start3A_281 = arith.constant 0 : i32
    %dma_start3A_282 = tpu.memref_slice %arg9[%dma_start3A_280, %dma_start3A_281] : memref<80x128xf32, #tpu.memory_space<vmem>> -> memref<80x128xf32, #tpu.memory_space<vmem>>
    tpu.enqueue_dma source(%dma_start3A_282 : memref<80x128xf32, #tpu.memory_space<vmem>>) target(%dma_start3A_279 : memref<80x128xf32, #tpu.memory_space<hbm>>) target_semaphore(%arg17 : memref<!tpu.dma_semaphore, #tpu.memory_space<semaphore_mem>>)
    %dma_wait3A_283 = arith.constant 0 : i32
    %dma_wait3A_284 = arith.constant 0 : i32
    %dma_wait3A_285 = tpu.memref_slice %arg7[%dma_wait3A_283, %dma_wait3A_284] : memref<80x128xf32, #tpu.memory_space<vmem>> -> memref<80x128xf32, #tpu.memory_space<vmem>>
    %dma_wait3A_286 = arith.constant 0 : i32
    %dma_wait3A_287 = tpu.memref_slice %arg4[%add3A_196, %dma_wait3A_286] : memref<25600x128xf32, #tpu.memory_space<hbm>> -> memref<80x128xf32, #tpu.memory_space<hbm>>
    %dma_wait3A_288 = arith.constant 0 : i32
    %dma_wait3A_289 = tpu.memref_slice %arg4[%add3A_196, %dma_wait3A_288] : memref<25600x128xf32, #tpu.memory_space<hbm>> -> memref<80x128xf32, #tpu.memory_space<hbm>>
    %dma_wait3A_290 = arith.constant 0 : i32
    %dma_wait3A_291 = arith.constant 0 : i32
    %dma_wait3A_292 = tpu.memref_slice %arg7[%dma_wait3A_290, %dma_wait3A_291] : memref<80x128xf32, #tpu.memory_space<vmem>> -> memref<80x128xf32, #tpu.memory_space<vmem>>
    tpu.wait_dma2 semaphore(%arg15 : memref<!tpu.dma_semaphore, #tpu.memory_space<semaphore_mem>>) src(%dma_wait3A_292 : memref<80x128xf32, #tpu.memory_space<vmem>>) dst(%dma_wait3A_289 : memref<80x128xf32, #tpu.memory_space<hbm>>)
    %dma_start3A_293 = arith.constant 0 : i32
    %dma_start3A_294 = arith.constant 0 : i32
    %dma_start3A_295 = tpu.memref_slice %arg7[%dma_start3A_293, %dma_start3A_294] : memref<80x128xf32, #tpu.memory_space<vmem>> -> memref<80x128xf32, #tpu.memory_space<vmem>>
    %dma_start3A_296 = arith.constant 720 : i32
    %dma_start3A_297 = tpu.memref_slice %arg5[%dma_start3A_296] : memref<800xi32, #tpu.memory_space<vmem>> -> memref<80xi32, #tpu.memory_space<vmem>>
    %dma_start3A_298 = arith.constant 0 : i32
    %dma_start3A_299 = arith.constant 0 : i32
    %dma_start3A_300 = tpu.memref_slice %arg3[%dma_start3A_298, %dma_start3A_299] : memref<100001x128xf32, #tpu.memory_space<hbm>> -> memref<100001x128xf32, #tpu.memory_space<hbm>>
    tpu.enqueue_indirect_dma source(%dma_start3A_300 : memref<100001x128xf32, #tpu.memory_space<hbm>>) target(%dma_start3A_295 : memref<80x128xf32, #tpu.memory_space<vmem>>) offsets(%dma_start3A_297 : memref<80xi32, #tpu.memory_space<vmem>>) semaphore(%arg11 : memref<!tpu.dma_semaphore, #tpu.memory_space<semaphore_mem>>)
    %dma_wait3A_301 = arith.constant 0 : i32
    %dma_wait3A_302 = arith.constant 0 : i32
    %dma_wait3A_303 = tpu.memref_slice %arg6[%dma_wait3A_301, %dma_wait3A_302] : memref<80x128xf32, #tpu.memory_space<vmem>> -> memref<80x128xf32, #tpu.memory_space<vmem>>
    %dma_wait3A_304 = arith.constant 640 : i32
    %dma_wait3A_305 = tpu.memref_slice %arg5[%dma_wait3A_304] : memref<800xi32, #tpu.memory_space<vmem>> -> memref<80xi32, #tpu.memory_space<vmem>>
    %dma_wait3A_306 = arith.constant 0 : i32
    %dma_wait3A_307 = arith.constant 0 : i32
    %dma_wait3A_308 = tpu.memref_slice %arg3[%dma_wait3A_306, %dma_wait3A_307] : memref<100001x128xf32, #tpu.memory_space<hbm>> -> memref<100001x128xf32, #tpu.memory_space<hbm>>
    tpu.wait_indirect_dma semaphore(%arg10 : memref<!tpu.dma_semaphore, #tpu.memory_space<semaphore_mem>>) src(%dma_wait3A_308 : memref<100001x128xf32, #tpu.memory_space<hbm>>) dst(%dma_wait3A_303 : memref<80x128xf32, #tpu.memory_space<vmem>>)
    %add3A_309 = arith.constant 640 : i32
    %add3A_310 = arith.addi %mul3A_2, %add3A_309 : i32
    %dma_start3A_311 = arith.constant 0 : i32
    %dma_start3A_312 = arith.constant 0 : i32
    %dma_start3A_313 = tpu.memref_slice %arg6[%dma_start3A_311, %dma_start3A_312] : memref<80x128xf32, #tpu.memory_space<vmem>> -> memref<80x128xf32, #tpu.memory_space<vmem>>
    %dma_start3A_314 = arith.constant 0 : i32
    %dma_start3A_315 = tpu.memref_slice %arg4[%add3A_310, %dma_start3A_314] : memref<25600x128xf32, #tpu.memory_space<hbm>> -> memref<80x128xf32, #tpu.memory_space<hbm>>
    %dma_start3A_316 = arith.constant 0 : i32
    %dma_start3A_317 = tpu.memref_slice %arg4[%add3A_310, %dma_start3A_316] : memref<25600x128xf32, #tpu.memory_space<hbm>> -> memref<80x128xf32, #tpu.memory_space<hbm>>
    %dma_start3A_318 = arith.constant 0 : i32
    %dma_start3A_319 = arith.constant 0 : i32
    %dma_start3A_320 = tpu.memref_slice %arg6[%dma_start3A_318, %dma_start3A_319] : memref<80x128xf32, #tpu.memory_space<vmem>> -> memref<80x128xf32, #tpu.memory_space<vmem>>
    tpu.enqueue_dma source(%dma_start3A_320 : memref<80x128xf32, #tpu.memory_space<vmem>>) target(%dma_start3A_317 : memref<80x128xf32, #tpu.memory_space<hbm>>) target_semaphore(%arg14 : memref<!tpu.dma_semaphore, #tpu.memory_space<semaphore_mem>>)
    %dma_wait3A_321 = arith.constant 0 : i32
    %dma_wait3A_322 = arith.constant 0 : i32
    %dma_wait3A_323 = tpu.memref_slice %arg7[%dma_wait3A_321, %dma_wait3A_322] : memref<80x128xf32, #tpu.memory_space<vmem>> -> memref<80x128xf32, #tpu.memory_space<vmem>>
    %dma_wait3A_324 = arith.constant 720 : i32
    %dma_wait3A_325 = tpu.memref_slice %arg5[%dma_wait3A_324] : memref<800xi32, #tpu.memory_space<vmem>> -> memref<80xi32, #tpu.memory_space<vmem>>
    %dma_wait3A_326 = arith.constant 0 : i32
    %dma_wait3A_327 = arith.constant 0 : i32
    %dma_wait3A_328 = tpu.memref_slice %arg3[%dma_wait3A_326, %dma_wait3A_327] : memref<100001x128xf32, #tpu.memory_space<hbm>> -> memref<100001x128xf32, #tpu.memory_space<hbm>>
    tpu.wait_indirect_dma semaphore(%arg11 : memref<!tpu.dma_semaphore, #tpu.memory_space<semaphore_mem>>) src(%dma_wait3A_328 : memref<100001x128xf32, #tpu.memory_space<hbm>>) dst(%dma_wait3A_323 : memref<80x128xf32, #tpu.memory_space<vmem>>)
    %add3A_329 = arith.constant 720 : i32
    %add3A_330 = arith.addi %mul3A_2, %add3A_329 : i32
    %dma_start3A_331 = arith.constant 0 : i32
    %dma_start3A_332 = arith.constant 0 : i32
    %dma_start3A_333 = tpu.memref_slice %arg7[%dma_start3A_331, %dma_start3A_332] : memref<80x128xf32, #tpu.memory_space<vmem>> -> memref<80x128xf32, #tpu.memory_space<vmem>>
    %dma_start3A_334 = arith.constant 0 : i32
    %dma_start3A_335 = tpu.memref_slice %arg4[%add3A_330, %dma_start3A_334] : memref<25600x128xf32, #tpu.memory_space<hbm>> -> memref<80x128xf32, #tpu.memory_space<hbm>>
    %dma_start3A_336 = arith.constant 0 : i32
    %dma_start3A_337 = tpu.memref_slice %arg4[%add3A_330, %dma_start3A_336] : memref<25600x128xf32, #tpu.memory_space<hbm>> -> memref<80x128xf32, #tpu.memory_space<hbm>>
    %dma_start3A_338 = arith.constant 0 : i32
    %dma_start3A_339 = arith.constant 0 : i32
    %dma_start3A_340 = tpu.memref_slice %arg7[%dma_start3A_338, %dma_start3A_339] : memref<80x128xf32, #tpu.memory_space<vmem>> -> memref<80x128xf32, #tpu.memory_space<vmem>>
    tpu.enqueue_dma source(%dma_start3A_340 : memref<80x128xf32, #tpu.memory_space<vmem>>) target(%dma_start3A_337 : memref<80x128xf32, #tpu.memory_space<hbm>>) target_semaphore(%arg15 : memref<!tpu.dma_semaphore, #tpu.memory_space<semaphore_mem>>)
    %dma_wait3A_341 = arith.constant 0 : i32
    %dma_wait3A_342 = arith.constant 0 : i32
    %dma_wait3A_343 = tpu.memref_slice %arg8[%dma_wait3A_341, %dma_wait3A_342] : memref<80x128xf32, #tpu.memory_space<vmem>> -> memref<80x128xf32, #tpu.memory_space<vmem>>
    %dma_wait3A_344 = arith.constant 0 : i32
    %dma_wait3A_345 = tpu.memref_slice %arg4[%add3A_234, %dma_wait3A_344] : memref<25600x128xf32, #tpu.memory_space<hbm>> -> memref<80x128xf32, #tpu.memory_space<hbm>>
    %dma_wait3A_346 = arith.constant 0 : i32
    %dma_wait3A_347 = tpu.memref_slice %arg4[%add3A_234, %dma_wait3A_346] : memref<25600x128xf32, #tpu.memory_space<hbm>> -> memref<80x128xf32, #tpu.memory_space<hbm>>
    %dma_wait3A_348 = arith.constant 0 : i32
    %dma_wait3A_349 = arith.constant 0 : i32
    %dma_wait3A_350 = tpu.memref_slice %arg8[%dma_wait3A_348, %dma_wait3A_349] : memref<80x128xf32, #tpu.memory_space<vmem>> -> memref<80x128xf32, #tpu.memory_space<vmem>>
    tpu.wait_dma2 semaphore(%arg16 : memref<!tpu.dma_semaphore, #tpu.memory_space<semaphore_mem>>) src(%dma_wait3A_350 : memref<80x128xf32, #tpu.memory_space<vmem>>) dst(%dma_wait3A_347 : memref<80x128xf32, #tpu.memory_space<hbm>>)
    %dma_wait3A_351 = arith.constant 0 : i32
    %dma_wait3A_352 = arith.constant 0 : i32
    %dma_wait3A_353 = tpu.memref_slice %arg9[%dma_wait3A_351, %dma_wait3A_352] : memref<80x128xf32, #tpu.memory_space<vmem>> -> memref<80x128xf32, #tpu.memory_space<vmem>>
    %dma_wait3A_354 = arith.constant 0 : i32
    %dma_wait3A_355 = tpu.memref_slice %arg4[%add3A_272, %dma_wait3A_354] : memref<25600x128xf32, #tpu.memory_space<hbm>> -> memref<80x128xf32, #tpu.memory_space<hbm>>
    %dma_wait3A_356 = arith.constant 0 : i32
    %dma_wait3A_357 = tpu.memref_slice %arg4[%add3A_272, %dma_wait3A_356] : memref<25600x128xf32, #tpu.memory_space<hbm>> -> memref<80x128xf32, #tpu.memory_space<hbm>>
    %dma_wait3A_358 = arith.constant 0 : i32
    %dma_wait3A_359 = arith.constant 0 : i32
    %dma_wait3A_360 = tpu.memref_slice %arg9[%dma_wait3A_358, %dma_wait3A_359] : memref<80x128xf32, #tpu.memory_space<vmem>> -> memref<80x128xf32, #tpu.memory_space<vmem>>
    tpu.wait_dma2 semaphore(%arg17 : memref<!tpu.dma_semaphore, #tpu.memory_space<semaphore_mem>>) src(%dma_wait3A_360 : memref<80x128xf32, #tpu.memory_space<vmem>>) dst(%dma_wait3A_357 : memref<80x128xf32, #tpu.memory_space<hbm>>)
    %dma_wait3A_361 = arith.constant 0 : i32
    %dma_wait3A_362 = arith.constant 0 : i32
    %dma_wait3A_363 = tpu.memref_slice %arg6[%dma_wait3A_361, %dma_wait3A_362] : memref<80x128xf32, #tpu.memory_space<vmem>> -> memref<80x128xf32, #tpu.memory_space<vmem>>
    %dma_wait3A_364 = arith.constant 0 : i32
    %dma_wait3A_365 = tpu.memref_slice %arg4[%add3A_310, %dma_wait3A_364] : memref<25600x128xf32, #tpu.memory_space<hbm>> -> memref<80x128xf32, #tpu.memory_space<hbm>>
    %dma_wait3A_366 = arith.constant 0 : i32
    %dma_wait3A_367 = tpu.memref_slice %arg4[%add3A_310, %dma_wait3A_366] : memref<25600x128xf32, #tpu.memory_space<hbm>> -> memref<80x128xf32, #tpu.memory_space<hbm>>
    %dma_wait3A_368 = arith.constant 0 : i32
    %dma_wait3A_369 = arith.constant 0 : i32
    %dma_wait3A_370 = tpu.memref_slice %arg6[%dma_wait3A_368, %dma_wait3A_369] : memref<80x128xf32, #tpu.memory_space<vmem>> -> memref<80x128xf32, #tpu.memory_space<vmem>>
    tpu.wait_dma2 semaphore(%arg14 : memref<!tpu.dma_semaphore, #tpu.memory_space<semaphore_mem>>) src(%dma_wait3A_370 : memref<80x128xf32, #tpu.memory_space<vmem>>) dst(%dma_wait3A_367 : memref<80x128xf32, #tpu.memory_space<hbm>>)
    %dma_wait3A_371 = arith.constant 0 : i32
    %dma_wait3A_372 = arith.constant 0 : i32
    %dma_wait3A_373 = tpu.memref_slice %arg7[%dma_wait3A_371, %dma_wait3A_372] : memref<80x128xf32, #tpu.memory_space<vmem>> -> memref<80x128xf32, #tpu.memory_space<vmem>>
    %dma_wait3A_374 = arith.constant 0 : i32
    %dma_wait3A_375 = tpu.memref_slice %arg4[%add3A_330, %dma_wait3A_374] : memref<25600x128xf32, #tpu.memory_space<hbm>> -> memref<80x128xf32, #tpu.memory_space<hbm>>
    %dma_wait3A_376 = arith.constant 0 : i32
    %dma_wait3A_377 = tpu.memref_slice %arg4[%add3A_330, %dma_wait3A_376] : memref<25600x128xf32, #tpu.memory_space<hbm>> -> memref<80x128xf32, #tpu.memory_space<hbm>>
    %dma_wait3A_378 = arith.constant 0 : i32
    %dma_wait3A_379 = arith.constant 0 : i32
    %dma_wait3A_380 = tpu.memref_slice %arg7[%dma_wait3A_378, %dma_wait3A_379] : memref<80x128xf32, #tpu.memory_space<vmem>> -> memref<80x128xf32, #tpu.memory_space<vmem>>
    tpu.wait_dma2 semaphore(%arg15 : memref<!tpu.dma_semaphore, #tpu.memory_space<semaphore_mem>>) src(%dma_wait3A_380 : memref<80x128xf32, #tpu.memory_space<vmem>>) dst(%dma_wait3A_377 : memref<80x128xf32, #tpu.memory_space<hbm>>)
    return
  }
}

module attributes {stable_mosaic.version = 14 : i64} {
  func.func @_gru_body(%arg0: i32, %arg1: memref<5x1024x128xf32, #tpu.memory_space<vmem>>, %arg2: memref<1024x128xf32, #tpu.memory_space<vmem>>, %arg3: memref<128x384xbf16, #tpu.memory_space<vmem>>, %arg4: memref<128x384xbf16, #tpu.memory_space<vmem>>, %arg5: memref<1x256xf32, #tpu.memory_space<vmem>>, %arg6: memref<1x128xf32, #tpu.memory_space<vmem>>, %arg7: memref<1x128xf32, #tpu.memory_space<vmem>>, %arg8: memref<1024x128xf32, #tpu.memory_space<vmem>>, %arg9: memref<1024x128xf32, #tpu.memory_space<vmem>>) attributes {dimension_semantics = [#tpu.dimension_semantics<arbitrary>], iteration_bounds = array<i64: 5>, scalar_prefetch = 0 : i64, scratch_operands = 1 : i64, tpu.core_type = #tpu.core_type<tc>, window_params = [{transform_indices = @transform_0, window_bounds = array<i64: 5, 1024, 128>}, {pipeline_mode = #tpu.pipeline_mode<synchronous>, transform_indices = @transform_1, window_bounds = array<i64: 1024, 128>}, {pipeline_mode = #tpu.pipeline_mode<synchronous>, transform_indices = @transform_2, window_bounds = array<i64: 128, 384>}, {pipeline_mode = #tpu.pipeline_mode<synchronous>, transform_indices = @transform_3, window_bounds = array<i64: 128, 384>}, {pipeline_mode = #tpu.pipeline_mode<synchronous>, transform_indices = @transform_4, window_bounds = array<i64: 1, 256>}, {pipeline_mode = #tpu.pipeline_mode<synchronous>, transform_indices = @transform_5, window_bounds = array<i64: 1, 128>}, {pipeline_mode = #tpu.pipeline_mode<synchronous>, transform_indices = @transform_6, window_bounds = array<i64: 1, 128>}, {pipeline_mode = #tpu.pipeline_mode<synchronous>, transform_indices = @transform_7, window_bounds = array<i64: 1024, 128>}]} {
    %eq3A = arith.constant 0 : i32
    %eq3A_0 = arith.cmpi eq, %arg0, %eq3A : i32
    %convert_element_type3A = arith.extui %eq3A_0 : i1 to i32
    %cond3A = arith.constant 0 : i32
    %cond3A_1 = arith.cmpi ne, %convert_element_type3A, %cond3A : i32
    scf.if %cond3A_1 {
      %get3A_263 = arith.constant 0 : index
      %get3A_264 = arith.constant 0 : index
      %get3A_265 = vector.load %arg2[%get3A_263, %get3A_264] : memref<1024x128xf32, #tpu.memory_space<vmem>>, vector<1024x128xf32>
      %swap3A_266 = arith.constant 0 : index
      %swap3A_267 = arith.constant 0 : index
      %swap3A_268 = vector.load %arg9[%swap3A_266, %swap3A_267] : memref<1024x128xf32, #tpu.memory_space<vmem>>, vector<1024x128xf32>
      tpu.vector_store %arg9[%swap3A_266, %swap3A_267], %get3A_265 {strides = array<i32>} : memref<1024x128xf32, #tpu.memory_space<vmem>>, vector<1024x128xf32>,
    } else {
    }
    %get3A = arith.constant 0 : index
    %get3A_2 = arith.constant 0 : index
    %get3A_3 = vector.load %arg9[%get3A, %get3A_2] : memref<1024x128xf32, #tpu.memory_space<vmem>>, vector<1024x128xf32>
    %get3A_4 = arith.constant 0 : index
    %get3A_5 = arith.constant 0 : index
    %get3A_6 = arith.constant 0 : index
    %get3A_7 = vector.load %arg1[%get3A_4, %get3A_5, %get3A_6] : memref<5x1024x128xf32, #tpu.memory_space<vmem>>, vector<1x1024x128xf32>
    %get3A_8 = vector.shape_cast %get3A_7 : vector<1x1024x128xf32> to vector<1024x128xf32>
    %convert_element_type3A_9 = arith.truncf %get3A_8 : vector<1024x128xf32> to vector<1024x128xbf16>
    %get3A_10 = arith.constant 0 : index
    %get3A_11 = arith.constant 0 : index
    %get3A_12 = vector.load %arg3[%get3A_10, %get3A_11] : memref<128x384xbf16, #tpu.memory_space<vmem>>, vector<128x384xbf16>
    %dot_general3A = arith.constant dense<0.000000e+00> : vector<1024x384xf32>
    %dot_general3A_13 = tpu.matmul %convert_element_type3A_9, %get3A_12, %dot_general3A {dimension_numbers = #tpu.dot_dimension_numbers<[1], [0], [0], [1], [0, 0, 1, 1], [], []>, transpose_lhs_hint = false} : vector<1024x128xbf16>, vector<128x384xbf16>, vector<1024x384xf32> -> vector<1024x384xf32>
    %convert_element_type3A_14 = arith.truncf %get3A_3 : vector<1024x128xf32> to vector<1024x128xbf16>
    %get3A_15 = arith.constant 0 : index
    %get3A_16 = arith.constant 0 : index
    %get3A_17 = vector.load %arg4[%get3A_15, %get3A_16] : memref<128x384xbf16, #tpu.memory_space<vmem>>, vector<128x384xbf16>
    %dot_general3A_18 = arith.constant dense<0.000000e+00> : vector<1024x384xf32>
    %dot_general3A_19 = tpu.matmul %convert_element_type3A_14, %get3A_17, %dot_general3A_18 {dimension_numbers = #tpu.dot_dimension_numbers<[1], [0], [0], [1], [0, 0, 1, 1], [], []>, transpose_lhs_hint = false} : vector<1024x128xbf16>, vector<128x384xbf16>, vector<1024x384xf32> -> vector<1024x384xf32>
    %slice3A = vector.extract_strided_slice %dot_general3A_13 {offsets = [0, 0], sizes = [1024, 256], strides = [1, 1]} : vector<1024x384xf32> to vector<1024x256xf32>
    %slice3A_20 = vector.extract_strided_slice %dot_general3A_19 {offsets = [0, 0], sizes = [1024, 256], strides = [1, 1]} : vector<1024x384xf32> to vector<1024x256xf32>
    %add3A = arith.addf %slice3A, %slice3A_20 : vector<1024x256xf32>
    %get3A_21 = arith.constant 0 : index
    %get3A_22 = arith.constant 0 : index
    %get3A_23 = vector.load %arg5[%get3A_21, %get3A_22] : memref<1x256xf32, #tpu.memory_space<vmem>>, vector<1x256xf32>
    %add3A_24 = vector.broadcast %get3A_23 : vector<1x256xf32> to vector<1024x256xf32>
    %add3A_25 = arith.addf %add3A, %add3A_24 : vector<1024x256xf32>
    %slice3A_26 = vector.extract_strided_slice %add3A_25 {offsets = [0, 0], sizes = [1024, 128], strides = [1, 1]} : vector<1024x256xf32> to vector<1024x128xf32>
    %tanh3A = math.tanh %slice3A_26 : vector<1024x128xf32>
    %slice3A_27 = vector.extract_strided_slice %add3A_25 {offsets = [0, 128], sizes = [1024, 128], strides = [1, 1]} : vector<1024x256xf32> to vector<1024x128xf32>
    %tanh3A_28 = math.tanh %slice3A_27 : vector<1024x128xf32>
    %slice3A_29 = vector.extract_strided_slice %dot_general3A_19 {offsets = [0, 256], sizes = [1024, 128], strides = [1, 1]} : vector<1024x384xf32> to vector<1024x128xf32>
    %get3A_30 = arith.constant 0 : index
    %get3A_31 = arith.constant 0 : index
    %get3A_32 = vector.load %arg7[%get3A_30, %get3A_31] : memref<1x128xf32, #tpu.memory_space<vmem>>, vector<1x128xf32>
    %add3A_33 = vector.broadcast %get3A_32 : vector<1x128xf32> to vector<1024x128xf32>
    %add3A_34 = arith.addf %slice3A_29, %add3A_33 : vector<1024x128xf32>
    %slice3A_35 = vector.extract_strided_slice %dot_general3A_13 {offsets = [0, 256], sizes = [1024, 128], strides = [1, 1]} : vector<1024x384xf32> to vector<1024x128xf32>
    %get3A_36 = arith.constant 0 : index
    %get3A_37 = arith.constant 0 : index
    %get3A_38 = vector.load %arg6[%get3A_36, %get3A_37] : memref<1x128xf32, #tpu.memory_space<vmem>>, vector<1x128xf32>
    %add3A_39 = vector.broadcast %get3A_38 : vector<1x128xf32> to vector<1024x128xf32>
    %add3A_40 = arith.addf %slice3A_35, %add3A_39 : vector<1024x128xf32>
    %add3A_41 = arith.addf %add3A_40, %add3A_34 : vector<1024x128xf32>
    %mul3A = arith.mulf %tanh3A, %add3A_34 : vector<1024x128xf32>
    %add3A_42 = arith.addf %add3A_41, %mul3A : vector<1024x128xf32>
    %tanh3A_43 = math.tanh %add3A_42 : vector<1024x128xf32>
    %sub3A = arith.subf %get3A_3, %tanh3A_43 : vector<1024x128xf32>
    %mul3A_44 = arith.constant 5.000000e-01 : f32
    %mul3A_45 = vector.broadcast %mul3A_44 : f32 to vector<1024x128xf32>
    %mul3A_46 = arith.mulf %mul3A_45, %sub3A : vector<1024x128xf32>
    %add3A_47 = arith.addf %tanh3A_43, %mul3A_46 : vector<1024x128xf32>
    %mul3A_48 = arith.mulf %tanh3A_28, %mul3A_46 : vector<1024x128xf32>
    %add3A_49 = arith.addf %add3A_47, %mul3A_48 : vector<1024x128xf32>
    %get3A_50 = arith.constant 1 : index
    %get3A_51 = arith.constant 0 : index
    %get3A_52 = arith.constant 0 : index
    %get3A_53 = vector.load %arg1[%get3A_50, %get3A_51, %get3A_52] : memref<5x1024x128xf32, #tpu.memory_space<vmem>>, vector<1x1024x128xf32>
    %get3A_54 = vector.shape_cast %get3A_53 : vector<1x1024x128xf32> to vector<1024x128xf32>
    %convert_element_type3A_55 = arith.truncf %get3A_54 : vector<1024x128xf32> to vector<1024x128xbf16>
    %get3A_56 = arith.constant 0 : index
    %get3A_57 = arith.constant 0 : index
    %get3A_58 = vector.load %arg3[%get3A_56, %get3A_57] : memref<128x384xbf16, #tpu.memory_space<vmem>>, vector<128x384xbf16>
    %dot_general3A_59 = arith.constant dense<0.000000e+00> : vector<1024x384xf32>
    %dot_general3A_60 = tpu.matmul %convert_element_type3A_55, %get3A_58, %dot_general3A_59 {dimension_numbers = #tpu.dot_dimension_numbers<[1], [0], [0], [1], [0, 0, 1, 1], [], []>, transpose_lhs_hint = false} : vector<1024x128xbf16>, vector<128x384xbf16>, vector<1024x384xf32> -> vector<1024x384xf32>
    %convert_element_type3A_61 = arith.truncf %add3A_49 : vector<1024x128xf32> to vector<1024x128xbf16>
    %get3A_62 = arith.constant 0 : index
    %get3A_63 = arith.constant 0 : index
    %get3A_64 = vector.load %arg4[%get3A_62, %get3A_63] : memref<128x384xbf16, #tpu.memory_space<vmem>>, vector<128x384xbf16>
    %dot_general3A_65 = arith.constant dense<0.000000e+00> : vector<1024x384xf32>
    %dot_general3A_66 = tpu.matmul %convert_element_type3A_61, %get3A_64, %dot_general3A_65 {dimension_numbers = #tpu.dot_dimension_numbers<[1], [0], [0], [1], [0, 0, 1, 1], [], []>, transpose_lhs_hint = false} : vector<1024x128xbf16>, vector<128x384xbf16>, vector<1024x384xf32> -> vector<1024x384xf32>
    %slice3A_67 = vector.extract_strided_slice %dot_general3A_60 {offsets = [0, 0], sizes = [1024, 256], strides = [1, 1]} : vector<1024x384xf32> to vector<1024x256xf32>
    %slice3A_68 = vector.extract_strided_slice %dot_general3A_66 {offsets = [0, 0], sizes = [1024, 256], strides = [1, 1]} : vector<1024x384xf32> to vector<1024x256xf32>
    %add3A_69 = arith.addf %slice3A_67, %slice3A_68 : vector<1024x256xf32>
    %get3A_70 = arith.constant 0 : index
    %get3A_71 = arith.constant 0 : index
    %get3A_72 = vector.load %arg5[%get3A_70, %get3A_71] : memref<1x256xf32, #tpu.memory_space<vmem>>, vector<1x256xf32>
    %add3A_73 = vector.broadcast %get3A_72 : vector<1x256xf32> to vector<1024x256xf32>
    %add3A_74 = arith.addf %add3A_69, %add3A_73 : vector<1024x256xf32>
    %slice3A_75 = vector.extract_strided_slice %add3A_74 {offsets = [0, 0], sizes = [1024, 128], strides = [1, 1]} : vector<1024x256xf32> to vector<1024x128xf32>
    %tanh3A_76 = math.tanh %slice3A_75 : vector<1024x128xf32>
    %slice3A_77 = vector.extract_strided_slice %add3A_74 {offsets = [0, 128], sizes = [1024, 128], strides = [1, 1]} : vector<1024x256xf32> to vector<1024x128xf32>
    %tanh3A_78 = math.tanh %slice3A_77 : vector<1024x128xf32>
    %slice3A_79 = vector.extract_strided_slice %dot_general3A_66 {offsets = [0, 256], sizes = [1024, 128], strides = [1, 1]} : vector<1024x384xf32> to vector<1024x128xf32>
    %get3A_80 = arith.constant 0 : index
    %get3A_81 = arith.constant 0 : index
    %get3A_82 = vector.load %arg7[%get3A_80, %get3A_81] : memref<1x128xf32, #tpu.memory_space<vmem>>, vector<1x128xf32>
    %add3A_83 = vector.broadcast %get3A_82 : vector<1x128xf32> to vector<1024x128xf32>
    %add3A_84 = arith.addf %slice3A_79, %add3A_83 : vector<1024x128xf32>
    %slice3A_85 = vector.extract_strided_slice %dot_general3A_60 {offsets = [0, 256], sizes = [1024, 128], strides = [1, 1]} : vector<1024x384xf32> to vector<1024x128xf32>
    %get3A_86 = arith.constant 0 : index
    %get3A_87 = arith.constant 0 : index
    %get3A_88 = vector.load %arg6[%get3A_86, %get3A_87] : memref<1x128xf32, #tpu.memory_space<vmem>>, vector<1x128xf32>
    %add3A_89 = vector.broadcast %get3A_88 : vector<1x128xf32> to vector<1024x128xf32>
    %add3A_90 = arith.addf %slice3A_85, %add3A_89 : vector<1024x128xf32>
    %add3A_91 = arith.addf %add3A_90, %add3A_84 : vector<1024x128xf32>
    %mul3A_92 = arith.mulf %tanh3A_76, %add3A_84 : vector<1024x128xf32>
    %add3A_93 = arith.addf %add3A_91, %mul3A_92 : vector<1024x128xf32>
    %tanh3A_94 = math.tanh %add3A_93 : vector<1024x128xf32>
    %sub3A_95 = arith.subf %add3A_49, %tanh3A_94 : vector<1024x128xf32>
    %mul3A_96 = arith.constant 5.000000e-01 : f32
    %mul3A_97 = vector.broadcast %mul3A_96 : f32 to vector<1024x128xf32>
    %mul3A_98 = arith.mulf %mul3A_97, %sub3A_95 : vector<1024x128xf32>
    %add3A_99 = arith.addf %tanh3A_94, %mul3A_98 : vector<1024x128xf32>
    %mul3A_100 = arith.mulf %tanh3A_78, %mul3A_98 : vector<1024x128xf32>
    %add3A_101 = arith.addf %add3A_99, %mul3A_100 : vector<1024x128xf32>
    %get3A_102 = arith.constant 2 : index
    %get3A_103 = arith.constant 0 : index
    %get3A_104 = arith.constant 0 : index
    %get3A_105 = vector.load %arg1[%get3A_102, %get3A_103, %get3A_104] : memref<5x1024x128xf32, #tpu.memory_space<vmem>>, vector<1x1024x128xf32>
    %get3A_106 = vector.shape_cast %get3A_105 : vector<1x1024x128xf32> to vector<1024x128xf32>
    %convert_element_type3A_107 = arith.truncf %get3A_106 : vector<1024x128xf32> to vector<1024x128xbf16>
    %get3A_108 = arith.constant 0 : index
    %get3A_109 = arith.constant 0 : index
    %get3A_110 = vector.load %arg3[%get3A_108, %get3A_109] : memref<128x384xbf16, #tpu.memory_space<vmem>>, vector<128x384xbf16>
    %dot_general3A_111 = arith.constant dense<0.000000e+00> : vector<1024x384xf32>
    %dot_general3A_112 = tpu.matmul %convert_element_type3A_107, %get3A_110, %dot_general3A_111 {dimension_numbers = #tpu.dot_dimension_numbers<[1], [0], [0], [1], [0, 0, 1, 1], [], []>, transpose_lhs_hint = false} : vector<1024x128xbf16>, vector<128x384xbf16>, vector<1024x384xf32> -> vector<1024x384xf32>
    %convert_element_type3A_113 = arith.truncf %add3A_101 : vector<1024x128xf32> to vector<1024x128xbf16>
    %get3A_114 = arith.constant 0 : index
    %get3A_115 = arith.constant 0 : index
    %get3A_116 = vector.load %arg4[%get3A_114, %get3A_115] : memref<128x384xbf16, #tpu.memory_space<vmem>>, vector<128x384xbf16>
    %dot_general3A_117 = arith.constant dense<0.000000e+00> : vector<1024x384xf32>
    %dot_general3A_118 = tpu.matmul %convert_element_type3A_113, %get3A_116, %dot_general3A_117 {dimension_numbers = #tpu.dot_dimension_numbers<[1], [0], [0], [1], [0, 0, 1, 1], [], []>, transpose_lhs_hint = false} : vector<1024x128xbf16>, vector<128x384xbf16>, vector<1024x384xf32> -> vector<1024x384xf32>
    %slice3A_119 = vector.extract_strided_slice %dot_general3A_112 {offsets = [0, 0], sizes = [1024, 256], strides = [1, 1]} : vector<1024x384xf32> to vector<1024x256xf32>
    %slice3A_120 = vector.extract_strided_slice %dot_general3A_118 {offsets = [0, 0], sizes = [1024, 256], strides = [1, 1]} : vector<1024x384xf32> to vector<1024x256xf32>
    %add3A_121 = arith.addf %slice3A_119, %slice3A_120 : vector<1024x256xf32>
    %get3A_122 = arith.constant 0 : index
    %get3A_123 = arith.constant 0 : index
    %get3A_124 = vector.load %arg5[%get3A_122, %get3A_123] : memref<1x256xf32, #tpu.memory_space<vmem>>, vector<1x256xf32>
    %add3A_125 = vector.broadcast %get3A_124 : vector<1x256xf32> to vector<1024x256xf32>
    %add3A_126 = arith.addf %add3A_121, %add3A_125 : vector<1024x256xf32>
    %slice3A_127 = vector.extract_strided_slice %add3A_126 {offsets = [0, 0], sizes = [1024, 128], strides = [1, 1]} : vector<1024x256xf32> to vector<1024x128xf32>
    %tanh3A_128 = math.tanh %slice3A_127 : vector<1024x128xf32>
    %slice3A_129 = vector.extract_strided_slice %add3A_126 {offsets = [0, 128], sizes = [1024, 128], strides = [1, 1]} : vector<1024x256xf32> to vector<1024x128xf32>
    %tanh3A_130 = math.tanh %slice3A_129 : vector<1024x128xf32>
    %slice3A_131 = vector.extract_strided_slice %dot_general3A_118 {offsets = [0, 256], sizes = [1024, 128], strides = [1, 1]} : vector<1024x384xf32> to vector<1024x128xf32>
    %get3A_132 = arith.constant 0 : index
    %get3A_133 = arith.constant 0 : index
    %get3A_134 = vector.load %arg7[%get3A_132, %get3A_133] : memref<1x128xf32, #tpu.memory_space<vmem>>, vector<1x128xf32>
    %add3A_135 = vector.broadcast %get3A_134 : vector<1x128xf32> to vector<1024x128xf32>
    %add3A_136 = arith.addf %slice3A_131, %add3A_135 : vector<1024x128xf32>
    %slice3A_137 = vector.extract_strided_slice %dot_general3A_112 {offsets = [0, 256], sizes = [1024, 128], strides = [1, 1]} : vector<1024x384xf32> to vector<1024x128xf32>
    %get3A_138 = arith.constant 0 : index
    %get3A_139 = arith.constant 0 : index
    %get3A_140 = vector.load %arg6[%get3A_138, %get3A_139] : memref<1x128xf32, #tpu.memory_space<vmem>>, vector<1x128xf32>
    %add3A_141 = vector.broadcast %get3A_140 : vector<1x128xf32> to vector<1024x128xf32>
    %add3A_142 = arith.addf %slice3A_137, %add3A_141 : vector<1024x128xf32>
    %add3A_143 = arith.addf %add3A_142, %add3A_136 : vector<1024x128xf32>
    %mul3A_144 = arith.mulf %tanh3A_128, %add3A_136 : vector<1024x128xf32>
    %add3A_145 = arith.addf %add3A_143, %mul3A_144 : vector<1024x128xf32>
    %tanh3A_146 = math.tanh %add3A_145 : vector<1024x128xf32>
    %sub3A_147 = arith.subf %add3A_101, %tanh3A_146 : vector<1024x128xf32>
    %mul3A_148 = arith.constant 5.000000e-01 : f32
    %mul3A_149 = vector.broadcast %mul3A_148 : f32 to vector<1024x128xf32>
    %mul3A_150 = arith.mulf %mul3A_149, %sub3A_147 : vector<1024x128xf32>
    %add3A_151 = arith.addf %tanh3A_146, %mul3A_150 : vector<1024x128xf32>
    %mul3A_152 = arith.mulf %tanh3A_130, %mul3A_150 : vector<1024x128xf32>
    %add3A_153 = arith.addf %add3A_151, %mul3A_152 : vector<1024x128xf32>
    %get3A_154 = arith.constant 3 : index
    %get3A_155 = arith.constant 0 : index
    %get3A_156 = arith.constant 0 : index
    %get3A_157 = vector.load %arg1[%get3A_154, %get3A_155, %get3A_156] : memref<5x1024x128xf32, #tpu.memory_space<vmem>>, vector<1x1024x128xf32>
    %get3A_158 = vector.shape_cast %get3A_157 : vector<1x1024x128xf32> to vector<1024x128xf32>
    %convert_element_type3A_159 = arith.truncf %get3A_158 : vector<1024x128xf32> to vector<1024x128xbf16>
    %get3A_160 = arith.constant 0 : index
    %get3A_161 = arith.constant 0 : index
    %get3A_162 = vector.load %arg3[%get3A_160, %get3A_161] : memref<128x384xbf16, #tpu.memory_space<vmem>>, vector<128x384xbf16>
    %dot_general3A_163 = arith.constant dense<0.000000e+00> : vector<1024x384xf32>
    %dot_general3A_164 = tpu.matmul %convert_element_type3A_159, %get3A_162, %dot_general3A_163 {dimension_numbers = #tpu.dot_dimension_numbers<[1], [0], [0], [1], [0, 0, 1, 1], [], []>, transpose_lhs_hint = false} : vector<1024x128xbf16>, vector<128x384xbf16>, vector<1024x384xf32> -> vector<1024x384xf32>
    %convert_element_type3A_165 = arith.truncf %add3A_153 : vector<1024x128xf32> to vector<1024x128xbf16>
    %get3A_166 = arith.constant 0 : index
    %get3A_167 = arith.constant 0 : index
    %get3A_168 = vector.load %arg4[%get3A_166, %get3A_167] : memref<128x384xbf16, #tpu.memory_space<vmem>>, vector<128x384xbf16>
    %dot_general3A_169 = arith.constant dense<0.000000e+00> : vector<1024x384xf32>
    %dot_general3A_170 = tpu.matmul %convert_element_type3A_165, %get3A_168, %dot_general3A_169 {dimension_numbers = #tpu.dot_dimension_numbers<[1], [0], [0], [1], [0, 0, 1, 1], [], []>, transpose_lhs_hint = false} : vector<1024x128xbf16>, vector<128x384xbf16>, vector<1024x384xf32> -> vector<1024x384xf32>
    %slice3A_171 = vector.extract_strided_slice %dot_general3A_164 {offsets = [0, 0], sizes = [1024, 256], strides = [1, 1]} : vector<1024x384xf32> to vector<1024x256xf32>
    %slice3A_172 = vector.extract_strided_slice %dot_general3A_170 {offsets = [0, 0], sizes = [1024, 256], strides = [1, 1]} : vector<1024x384xf32> to vector<1024x256xf32>
    %add3A_173 = arith.addf %slice3A_171, %slice3A_172 : vector<1024x256xf32>
    %get3A_174 = arith.constant 0 : index
    %get3A_175 = arith.constant 0 : index
    %get3A_176 = vector.load %arg5[%get3A_174, %get3A_175] : memref<1x256xf32, #tpu.memory_space<vmem>>, vector<1x256xf32>
    %add3A_177 = vector.broadcast %get3A_176 : vector<1x256xf32> to vector<1024x256xf32>
    %add3A_178 = arith.addf %add3A_173, %add3A_177 : vector<1024x256xf32>
    %slice3A_179 = vector.extract_strided_slice %add3A_178 {offsets = [0, 0], sizes = [1024, 128], strides = [1, 1]} : vector<1024x256xf32> to vector<1024x128xf32>
    %tanh3A_180 = math.tanh %slice3A_179 : vector<1024x128xf32>
    %slice3A_181 = vector.extract_strided_slice %add3A_178 {offsets = [0, 128], sizes = [1024, 128], strides = [1, 1]} : vector<1024x256xf32> to vector<1024x128xf32>
    %tanh3A_182 = math.tanh %slice3A_181 : vector<1024x128xf32>
    %slice3A_183 = vector.extract_strided_slice %dot_general3A_170 {offsets = [0, 256], sizes = [1024, 128], strides = [1, 1]} : vector<1024x384xf32> to vector<1024x128xf32>
    %get3A_184 = arith.constant 0 : index
    %get3A_185 = arith.constant 0 : index
    %get3A_186 = vector.load %arg7[%get3A_184, %get3A_185] : memref<1x128xf32, #tpu.memory_space<vmem>>, vector<1x128xf32>
    %add3A_187 = vector.broadcast %get3A_186 : vector<1x128xf32> to vector<1024x128xf32>
    %add3A_188 = arith.addf %slice3A_183, %add3A_187 : vector<1024x128xf32>
    %slice3A_189 = vector.extract_strided_slice %dot_general3A_164 {offsets = [0, 256], sizes = [1024, 128], strides = [1, 1]} : vector<1024x384xf32> to vector<1024x128xf32>
    %get3A_190 = arith.constant 0 : index
    %get3A_191 = arith.constant 0 : index
    %get3A_192 = vector.load %arg6[%get3A_190, %get3A_191] : memref<1x128xf32, #tpu.memory_space<vmem>>, vector<1x128xf32>
    %add3A_193 = vector.broadcast %get3A_192 : vector<1x128xf32> to vector<1024x128xf32>
    %add3A_194 = arith.addf %slice3A_189, %add3A_193 : vector<1024x128xf32>
    %add3A_195 = arith.addf %add3A_194, %add3A_188 : vector<1024x128xf32>
    %mul3A_196 = arith.mulf %tanh3A_180, %add3A_188 : vector<1024x128xf32>
    %add3A_197 = arith.addf %add3A_195, %mul3A_196 : vector<1024x128xf32>
    %tanh3A_198 = math.tanh %add3A_197 : vector<1024x128xf32>
    %sub3A_199 = arith.subf %add3A_153, %tanh3A_198 : vector<1024x128xf32>
    %mul3A_200 = arith.constant 5.000000e-01 : f32
    %mul3A_201 = vector.broadcast %mul3A_200 : f32 to vector<1024x128xf32>
    %mul3A_202 = arith.mulf %mul3A_201, %sub3A_199 : vector<1024x128xf32>
    %add3A_203 = arith.addf %tanh3A_198, %mul3A_202 : vector<1024x128xf32>
    %mul3A_204 = arith.mulf %tanh3A_182, %mul3A_202 : vector<1024x128xf32>
    %add3A_205 = arith.addf %add3A_203, %mul3A_204 : vector<1024x128xf32>
    %get3A_206 = arith.constant 4 : index
    %get3A_207 = arith.constant 0 : index
    %get3A_208 = arith.constant 0 : index
    %get3A_209 = vector.load %arg1[%get3A_206, %get3A_207, %get3A_208] : memref<5x1024x128xf32, #tpu.memory_space<vmem>>, vector<1x1024x128xf32>
    %get3A_210 = vector.shape_cast %get3A_209 : vector<1x1024x128xf32> to vector<1024x128xf32>
    %convert_element_type3A_211 = arith.truncf %get3A_210 : vector<1024x128xf32> to vector<1024x128xbf16>
    %get3A_212 = arith.constant 0 : index
    %get3A_213 = arith.constant 0 : index
    %get3A_214 = vector.load %arg3[%get3A_212, %get3A_213] : memref<128x384xbf16, #tpu.memory_space<vmem>>, vector<128x384xbf16>
    %dot_general3A_215 = arith.constant dense<0.000000e+00> : vector<1024x384xf32>
    %dot_general3A_216 = tpu.matmul %convert_element_type3A_211, %get3A_214, %dot_general3A_215 {dimension_numbers = #tpu.dot_dimension_numbers<[1], [0], [0], [1], [0, 0, 1, 1], [], []>, transpose_lhs_hint = false} : vector<1024x128xbf16>, vector<128x384xbf16>, vector<1024x384xf32> -> vector<1024x384xf32>
    %convert_element_type3A_217 = arith.truncf %add3A_205 : vector<1024x128xf32> to vector<1024x128xbf16>
    %get3A_218 = arith.constant 0 : index
    %get3A_219 = arith.constant 0 : index
    %get3A_220 = vector.load %arg4[%get3A_218, %get3A_219] : memref<128x384xbf16, #tpu.memory_space<vmem>>, vector<128x384xbf16>
    %dot_general3A_221 = arith.constant dense<0.000000e+00> : vector<1024x384xf32>
    %dot_general3A_222 = tpu.matmul %convert_element_type3A_217, %get3A_220, %dot_general3A_221 {dimension_numbers = #tpu.dot_dimension_numbers<[1], [0], [0], [1], [0, 0, 1, 1], [], []>, transpose_lhs_hint = false} : vector<1024x128xbf16>, vector<128x384xbf16>, vector<1024x384xf32> -> vector<1024x384xf32>
    %slice3A_223 = vector.extract_strided_slice %dot_general3A_216 {offsets = [0, 0], sizes = [1024, 256], strides = [1, 1]} : vector<1024x384xf32> to vector<1024x256xf32>
    %slice3A_224 = vector.extract_strided_slice %dot_general3A_222 {offsets = [0, 0], sizes = [1024, 256], strides = [1, 1]} : vector<1024x384xf32> to vector<1024x256xf32>
    %add3A_225 = arith.addf %slice3A_223, %slice3A_224 : vector<1024x256xf32>
    %get3A_226 = arith.constant 0 : index
    %get3A_227 = arith.constant 0 : index
    %get3A_228 = vector.load %arg5[%get3A_226, %get3A_227] : memref<1x256xf32, #tpu.memory_space<vmem>>, vector<1x256xf32>
    %add3A_229 = vector.broadcast %get3A_228 : vector<1x256xf32> to vector<1024x256xf32>
    %add3A_230 = arith.addf %add3A_225, %add3A_229 : vector<1024x256xf32>
    %slice3A_231 = vector.extract_strided_slice %add3A_230 {offsets = [0, 0], sizes = [1024, 128], strides = [1, 1]} : vector<1024x256xf32> to vector<1024x128xf32>
    %tanh3A_232 = math.tanh %slice3A_231 : vector<1024x128xf32>
    %slice3A_233 = vector.extract_strided_slice %add3A_230 {offsets = [0, 128], sizes = [1024, 128], strides = [1, 1]} : vector<1024x256xf32> to vector<1024x128xf32>
    %tanh3A_234 = math.tanh %slice3A_233 : vector<1024x128xf32>
    %slice3A_235 = vector.extract_strided_slice %dot_general3A_222 {offsets = [0, 256], sizes = [1024, 128], strides = [1, 1]} : vector<1024x384xf32> to vector<1024x128xf32>
    %get3A_236 = arith.constant 0 : index
    %get3A_237 = arith.constant 0 : index
    %get3A_238 = vector.load %arg7[%get3A_236, %get3A_237] : memref<1x128xf32, #tpu.memory_space<vmem>>, vector<1x128xf32>
    %add3A_239 = vector.broadcast %get3A_238 : vector<1x128xf32> to vector<1024x128xf32>
    %add3A_240 = arith.addf %slice3A_235, %add3A_239 : vector<1024x128xf32>
    %slice3A_241 = vector.extract_strided_slice %dot_general3A_216 {offsets = [0, 256], sizes = [1024, 128], strides = [1, 1]} : vector<1024x384xf32> to vector<1024x128xf32>
    %get3A_242 = arith.constant 0 : index
    %get3A_243 = arith.constant 0 : index
    %get3A_244 = vector.load %arg6[%get3A_242, %get3A_243] : memref<1x128xf32, #tpu.memory_space<vmem>>, vector<1x128xf32>
    %add3A_245 = vector.broadcast %get3A_244 : vector<1x128xf32> to vector<1024x128xf32>
    %add3A_246 = arith.addf %slice3A_241, %add3A_245 : vector<1024x128xf32>
    %add3A_247 = arith.addf %add3A_246, %add3A_240 : vector<1024x128xf32>
    %mul3A_248 = arith.mulf %tanh3A_232, %add3A_240 : vector<1024x128xf32>
    %add3A_249 = arith.addf %add3A_247, %mul3A_248 : vector<1024x128xf32>
    %tanh3A_250 = math.tanh %add3A_249 : vector<1024x128xf32>
    %sub3A_251 = arith.subf %add3A_205, %tanh3A_250 : vector<1024x128xf32>
    %mul3A_252 = arith.constant 5.000000e-01 : f32
    %mul3A_253 = vector.broadcast %mul3A_252 : f32 to vector<1024x128xf32>
    %mul3A_254 = arith.mulf %mul3A_253, %sub3A_251 : vector<1024x128xf32>
    %add3A_255 = arith.addf %tanh3A_250, %mul3A_254 : vector<1024x128xf32>
    %mul3A_256 = arith.mulf %tanh3A_234, %mul3A_254 : vector<1024x128xf32>
    %add3A_257 = arith.addf %add3A_255, %mul3A_256 : vector<1024x128xf32>
    %swap3A = arith.constant 0 : index
    %swap3A_258 = arith.constant 0 : index
    %swap3A_259 = vector.load %arg9[%swap3A, %swap3A_258] : memref<1024x128xf32, #tpu.memory_space<vmem>>, vector<1024x128xf32>
    tpu.vector_store %arg9[%swap3A, %swap3A_258], %add3A_257 {strides = array<i32>} : memref<1024x128xf32, #tpu.memory_space<vmem>>, vector<1024x128xf32>,
    %swap3A_260 = arith.constant 0 : index
    %swap3A_261 = arith.constant 0 : index
    %swap3A_262 = vector.load %arg8[%swap3A_260, %swap3A_261] : memref<1024x128xf32, #tpu.memory_space<vmem>>, vector<1024x128xf32>
    tpu.vector_store %arg8[%swap3A_260, %swap3A_261], %add3A_257 {strides = array<i32>} : memref<1024x128xf32, #tpu.memory_space<vmem>>, vector<1024x128xf32>,
    return
  }
  func.func @transform_0(%arg0: i32) -> (i32, i32, i32) {
    %c0_i32 = arith.constant 0 : i32
    %c0_i32_0 = arith.constant 0 : i32
    %c0_i32_1 = arith.constant 0 : i32
    return %arg0, %c0_i32, %c0_i32_0 : i32, i32, i32
  }
  func.func @transform_1(%arg0: i32) -> (i32, i32) {
    %c0_i32 = arith.constant 0 : i32
    %c0_i32_0 = arith.constant 0 : i32
    %c0_i32_1 = arith.constant 0 : i32
    return %c0_i32, %c0_i32_0 : i32, i32
  }
  func.func @transform_2(%arg0: i32) -> (i32, i32) {
    %c0_i32 = arith.constant 0 : i32
    %c0_i32_0 = arith.constant 0 : i32
    %c0_i32_1 = arith.constant 0 : i32
    return %c0_i32, %c0_i32_0 : i32, i32
  }
  func.func @transform_3(%arg0: i32) -> (i32, i32) {
    %c0_i32 = arith.constant 0 : i32
    %c0_i32_0 = arith.constant 0 : i32
    %c0_i32_1 = arith.constant 0 : i32
    return %c0_i32, %c0_i32_0 : i32, i32
  }
  func.func @transform_4(%arg0: i32) -> (i32, i32) {
    %c0_i32 = arith.constant 0 : i32
    %c0_i32_0 = arith.constant 0 : i32
    %c0_i32_1 = arith.constant 0 : i32
    return %c0_i32, %c0_i32_0 : i32, i32
  }
  func.func @transform_5(%arg0: i32) -> (i32, i32) {
    %c0_i32 = arith.constant 0 : i32
    %c0_i32_0 = arith.constant 0 : i32
    %c0_i32_1 = arith.constant 0 : i32
    return %c0_i32, %c0_i32_0 : i32, i32
  }
  func.func @transform_6(%arg0: i32) -> (i32, i32) {
    %c0_i32 = arith.constant 0 : i32
    %c0_i32_0 = arith.constant 0 : i32
    %c0_i32_1 = arith.constant 0 : i32
    return %c0_i32, %c0_i32_0 : i32, i32
  }
  func.func @transform_7(%arg0: i32) -> (i32, i32) {
    %c0_i32 = arith.constant 0 : i32
    %c0_i32_0 = arith.constant 0 : i32
    %c0_i32_1 = arith.constant 0 : i32
    return %c0_i32, %c0_i32_0 : i32, i32
  }
}

module attributes {stable_mosaic.version = 14 : i64} {
  func.func @_gru_body(%arg0: i32, %arg1: memref<5x1024x128xf32, #tpu.memory_space<vmem>>, %arg2: memref<1024x128xf32, #tpu.memory_space<vmem>>, %arg3: memref<128x384xbf16, #tpu.memory_space<vmem>>, %arg4: memref<128x384xbf16, #tpu.memory_space<vmem>>, %arg5: memref<1x256xf32, #tpu.memory_space<vmem>>, %arg6: memref<1x128xf32, #tpu.memory_space<vmem>>, %arg7: memref<1x128xf32, #tpu.memory_space<vmem>>, %arg8: memref<1024x128xf32, #tpu.memory_space<vmem>>, %arg9: memref<1024x128xf32, #tpu.memory_space<vmem>>) attributes {dimension_semantics = [#tpu.dimension_semantics<arbitrary>], iteration_bounds = array<i64: 5>, scalar_prefetch = 0 : i64, scratch_operands = 1 : i64, tpu.core_type = #tpu.core_type<tc>, window_params = [{transform_indices = @transform_0, window_bounds = array<i64: 5, 1024, 128>}, {pipeline_mode = #tpu.pipeline_mode<synchronous>, transform_indices = @transform_1, window_bounds = array<i64: 1024, 128>}, {pipeline_mode = #tpu.pipeline_mode<synchronous>, transform_indices = @transform_2, window_bounds = array<i64: 128, 384>}, {pipeline_mode = #tpu.pipeline_mode<synchronous>, transform_indices = @transform_3, window_bounds = array<i64: 128, 384>}, {pipeline_mode = #tpu.pipeline_mode<synchronous>, transform_indices = @transform_4, window_bounds = array<i64: 1, 256>}, {pipeline_mode = #tpu.pipeline_mode<synchronous>, transform_indices = @transform_5, window_bounds = array<i64: 1, 128>}, {pipeline_mode = #tpu.pipeline_mode<synchronous>, transform_indices = @transform_6, window_bounds = array<i64: 1, 128>}, {pipeline_mode = #tpu.pipeline_mode<synchronous>, transform_indices = @transform_7, window_bounds = array<i64: 1024, 128>}]} {
    %eq3A = arith.constant 0 : i32
    %eq3A_0 = arith.cmpi eq, %arg0, %eq3A : i32
    %convert_element_type3A = arith.extui %eq3A_0 : i1 to i32
    %cond3A = arith.constant 0 : i32
    %cond3A_1 = arith.cmpi ne, %convert_element_type3A, %cond3A : i32
    scf.if %cond3A_1 {
      %get3A_263 = arith.constant 0 : index
      %get3A_264 = arith.constant 0 : index
      %get3A_265 = vector.load %arg2[%get3A_263, %get3A_264] : memref<1024x128xf32, #tpu.memory_space<vmem>>, vector<1024x128xf32>
      %swap3A_266 = arith.constant 0 : index
      %swap3A_267 = arith.constant 0 : index
      %swap3A_268 = vector.load %arg9[%swap3A_266, %swap3A_267] : memref<1024x128xf32, #tpu.memory_space<vmem>>, vector<1024x128xf32>
      tpu.vector_store %arg9[%swap3A_266, %swap3A_267], %get3A_265 {strides = array<i32>} : memref<1024x128xf32, #tpu.memory_space<vmem>>, vector<1024x128xf32>,
    } else {
    }
    %get3A = arith.constant 0 : index
    %get3A_2 = arith.constant 0 : index
    %get3A_3 = vector.load %arg9[%get3A, %get3A_2] : memref<1024x128xf32, #tpu.memory_space<vmem>>, vector<1024x128xf32>
    %get3A_4 = arith.constant 0 : index
    %get3A_5 = arith.constant 0 : index
    %get3A_6 = arith.constant 0 : index
    %get3A_7 = vector.load %arg1[%get3A_4, %get3A_5, %get3A_6] : memref<5x1024x128xf32, #tpu.memory_space<vmem>>, vector<1x1024x128xf32>
    %get3A_8 = vector.shape_cast %get3A_7 : vector<1x1024x128xf32> to vector<1024x128xf32>
    %convert_element_type3A_9 = arith.truncf %get3A_8 : vector<1024x128xf32> to vector<1024x128xbf16>
    %get3A_10 = arith.constant 0 : index
    %get3A_11 = arith.constant 0 : index
    %get3A_12 = vector.load %arg3[%get3A_10, %get3A_11] : memref<128x384xbf16, #tpu.memory_space<vmem>>, vector<128x384xbf16>
    %dot_general3A = arith.constant dense<0.000000e+00> : vector<1024x384xf32>
    %dot_general3A_13 = tpu.matmul %convert_element_type3A_9, %get3A_12, %dot_general3A {dimension_numbers = #tpu.dot_dimension_numbers<[1], [0], [0], [1], [0, 0, 1, 1], [], []>, transpose_lhs_hint = false} : vector<1024x128xbf16>, vector<128x384xbf16>, vector<1024x384xf32> -> vector<1024x384xf32>
    %convert_element_type3A_14 = arith.truncf %get3A_3 : vector<1024x128xf32> to vector<1024x128xbf16>
    %get3A_15 = arith.constant 0 : index
    %get3A_16 = arith.constant 0 : index
    %get3A_17 = vector.load %arg4[%get3A_15, %get3A_16] : memref<128x384xbf16, #tpu.memory_space<vmem>>, vector<128x384xbf16>
    %dot_general3A_18 = arith.constant dense<0.000000e+00> : vector<1024x384xf32>
    %dot_general3A_19 = tpu.matmul %convert_element_type3A_14, %get3A_17, %dot_general3A_18 {dimension_numbers = #tpu.dot_dimension_numbers<[1], [0], [0], [1], [0, 0, 1, 1], [], []>, transpose_lhs_hint = false} : vector<1024x128xbf16>, vector<128x384xbf16>, vector<1024x384xf32> -> vector<1024x384xf32>
    %slice3A = vector.extract_strided_slice %dot_general3A_13 {offsets = [0, 0], sizes = [1024, 256], strides = [1, 1]} : vector<1024x384xf32> to vector<1024x256xf32>
    %slice3A_20 = vector.extract_strided_slice %dot_general3A_19 {offsets = [0, 0], sizes = [1024, 256], strides = [1, 1]} : vector<1024x384xf32> to vector<1024x256xf32>
    %add3A = arith.addf %slice3A, %slice3A_20 : vector<1024x256xf32>
    %get3A_21 = arith.constant 0 : index
    %get3A_22 = arith.constant 0 : index
    %get3A_23 = vector.load %arg5[%get3A_21, %get3A_22] : memref<1x256xf32, #tpu.memory_space<vmem>>, vector<1x256xf32>
    %add3A_24 = vector.broadcast %get3A_23 : vector<1x256xf32> to vector<1024x256xf32>
    %add3A_25 = arith.addf %add3A, %add3A_24 : vector<1024x256xf32>
    %slice3A_26 = vector.extract_strided_slice %add3A_25 {offsets = [0, 0], sizes = [1024, 128], strides = [1, 1]} : vector<1024x256xf32> to vector<1024x128xf32>
    %tanh3A = math.tanh %slice3A_26 : vector<1024x128xf32>
    %slice3A_27 = vector.extract_strided_slice %add3A_25 {offsets = [0, 128], sizes = [1024, 128], strides = [1, 1]} : vector<1024x256xf32> to vector<1024x128xf32>
    %tanh3A_28 = math.tanh %slice3A_27 : vector<1024x128xf32>
    %slice3A_29 = vector.extract_strided_slice %dot_general3A_19 {offsets = [0, 256], sizes = [1024, 128], strides = [1, 1]} : vector<1024x384xf32> to vector<1024x128xf32>
    %get3A_30 = arith.constant 0 : index
    %get3A_31 = arith.constant 0 : index
    %get3A_32 = vector.load %arg7[%get3A_30, %get3A_31] : memref<1x128xf32, #tpu.memory_space<vmem>>, vector<1x128xf32>
    %add3A_33 = vector.broadcast %get3A_32 : vector<1x128xf32> to vector<1024x128xf32>
    %add3A_34 = arith.addf %slice3A_29, %add3A_33 : vector<1024x128xf32>
    %slice3A_35 = vector.extract_strided_slice %dot_general3A_13 {offsets = [0, 256], sizes = [1024, 128], strides = [1, 1]} : vector<1024x384xf32> to vector<1024x128xf32>
    %get3A_36 = arith.constant 0 : index
    %get3A_37 = arith.constant 0 : index
    %get3A_38 = vector.load %arg6[%get3A_36, %get3A_37] : memref<1x128xf32, #tpu.memory_space<vmem>>, vector<1x128xf32>
    %add3A_39 = vector.broadcast %get3A_38 : vector<1x128xf32> to vector<1024x128xf32>
    %add3A_40 = arith.addf %slice3A_35, %add3A_39 : vector<1024x128xf32>
    %add3A_41 = arith.addf %add3A_40, %add3A_34 : vector<1024x128xf32>
    %mul3A = arith.mulf %tanh3A, %add3A_34 : vector<1024x128xf32>
    %add3A_42 = arith.addf %add3A_41, %mul3A : vector<1024x128xf32>
    %tanh3A_43 = math.tanh %add3A_42 : vector<1024x128xf32>
    %sub3A = arith.subf %get3A_3, %tanh3A_43 : vector<1024x128xf32>
    %mul3A_44 = arith.constant 5.000000e-01 : f32
    %mul3A_45 = vector.broadcast %mul3A_44 : f32 to vector<1024x128xf32>
    %mul3A_46 = arith.mulf %mul3A_45, %sub3A : vector<1024x128xf32>
    %add3A_47 = arith.addf %tanh3A_43, %mul3A_46 : vector<1024x128xf32>
    %mul3A_48 = arith.mulf %tanh3A_28, %mul3A_46 : vector<1024x128xf32>
    %add3A_49 = arith.addf %add3A_47, %mul3A_48 : vector<1024x128xf32>
    %get3A_50 = arith.constant 1 : index
    %get3A_51 = arith.constant 0 : index
    %get3A_52 = arith.constant 0 : index
    %get3A_53 = vector.load %arg1[%get3A_50, %get3A_51, %get3A_52] : memref<5x1024x128xf32, #tpu.memory_space<vmem>>, vector<1x1024x128xf32>
    %get3A_54 = vector.shape_cast %get3A_53 : vector<1x1024x128xf32> to vector<1024x128xf32>
    %convert_element_type3A_55 = arith.truncf %get3A_54 : vector<1024x128xf32> to vector<1024x128xbf16>
    %get3A_56 = arith.constant 0 : index
    %get3A_57 = arith.constant 0 : index
    %get3A_58 = vector.load %arg3[%get3A_56, %get3A_57] : memref<128x384xbf16, #tpu.memory_space<vmem>>, vector<128x384xbf16>
    %dot_general3A_59 = arith.constant dense<0.000000e+00> : vector<1024x384xf32>
    %dot_general3A_60 = tpu.matmul %convert_element_type3A_55, %get3A_58, %dot_general3A_59 {dimension_numbers = #tpu.dot_dimension_numbers<[1], [0], [0], [1], [0, 0, 1, 1], [], []>, transpose_lhs_hint = false} : vector<1024x128xbf16>, vector<128x384xbf16>, vector<1024x384xf32> -> vector<1024x384xf32>
    %convert_element_type3A_61 = arith.truncf %add3A_49 : vector<1024x128xf32> to vector<1024x128xbf16>
    %get3A_62 = arith.constant 0 : index
    %get3A_63 = arith.constant 0 : index
    %get3A_64 = vector.load %arg4[%get3A_62, %get3A_63] : memref<128x384xbf16, #tpu.memory_space<vmem>>, vector<128x384xbf16>
    %dot_general3A_65 = arith.constant dense<0.000000e+00> : vector<1024x384xf32>
    %dot_general3A_66 = tpu.matmul %convert_element_type3A_61, %get3A_64, %dot_general3A_65 {dimension_numbers = #tpu.dot_dimension_numbers<[1], [0], [0], [1], [0, 0, 1, 1], [], []>, transpose_lhs_hint = false} : vector<1024x128xbf16>, vector<128x384xbf16>, vector<1024x384xf32> -> vector<1024x384xf32>
    %slice3A_67 = vector.extract_strided_slice %dot_general3A_60 {offsets = [0, 0], sizes = [1024, 256], strides = [1, 1]} : vector<1024x384xf32> to vector<1024x256xf32>
    %slice3A_68 = vector.extract_strided_slice %dot_general3A_66 {offsets = [0, 0], sizes = [1024, 256], strides = [1, 1]} : vector<1024x384xf32> to vector<1024x256xf32>
    %add3A_69 = arith.addf %slice3A_67, %slice3A_68 : vector<1024x256xf32>
    %get3A_70 = arith.constant 0 : index
    %get3A_71 = arith.constant 0 : index
    %get3A_72 = vector.load %arg5[%get3A_70, %get3A_71] : memref<1x256xf32, #tpu.memory_space<vmem>>, vector<1x256xf32>
    %add3A_73 = vector.broadcast %get3A_72 : vector<1x256xf32> to vector<1024x256xf32>
    %add3A_74 = arith.addf %add3A_69, %add3A_73 : vector<1024x256xf32>
    %slice3A_75 = vector.extract_strided_slice %add3A_74 {offsets = [0, 0], sizes = [1024, 128], strides = [1, 1]} : vector<1024x256xf32> to vector<1024x128xf32>
    %tanh3A_76 = math.tanh %slice3A_75 : vector<1024x128xf32>
    %slice3A_77 = vector.extract_strided_slice %add3A_74 {offsets = [0, 128], sizes = [1024, 128], strides = [1, 1]} : vector<1024x256xf32> to vector<1024x128xf32>
    %tanh3A_78 = math.tanh %slice3A_77 : vector<1024x128xf32>
    %slice3A_79 = vector.extract_strided_slice %dot_general3A_66 {offsets = [0, 256], sizes = [1024, 128], strides = [1, 1]} : vector<1024x384xf32> to vector<1024x128xf32>
    %get3A_80 = arith.constant 0 : index
    %get3A_81 = arith.constant 0 : index
    %get3A_82 = vector.load %arg7[%get3A_80, %get3A_81] : memref<1x128xf32, #tpu.memory_space<vmem>>, vector<1x128xf32>
    %add3A_83 = vector.broadcast %get3A_82 : vector<1x128xf32> to vector<1024x128xf32>
    %add3A_84 = arith.addf %slice3A_79, %add3A_83 : vector<1024x128xf32>
    %slice3A_85 = vector.extract_strided_slice %dot_general3A_60 {offsets = [0, 256], sizes = [1024, 128], strides = [1, 1]} : vector<1024x384xf32> to vector<1024x128xf32>
    %get3A_86 = arith.constant 0 : index
    %get3A_87 = arith.constant 0 : index
    %get3A_88 = vector.load %arg6[%get3A_86, %get3A_87] : memref<1x128xf32, #tpu.memory_space<vmem>>, vector<1x128xf32>
    %add3A_89 = vector.broadcast %get3A_88 : vector<1x128xf32> to vector<1024x128xf32>
    %add3A_90 = arith.addf %slice3A_85, %add3A_89 : vector<1024x128xf32>
    %add3A_91 = arith.addf %add3A_90, %add3A_84 : vector<1024x128xf32>
    %mul3A_92 = arith.mulf %tanh3A_76, %add3A_84 : vector<1024x128xf32>
    %add3A_93 = arith.addf %add3A_91, %mul3A_92 : vector<1024x128xf32>
    %tanh3A_94 = math.tanh %add3A_93 : vector<1024x128xf32>
    %sub3A_95 = arith.subf %add3A_49, %tanh3A_94 : vector<1024x128xf32>
    %mul3A_96 = arith.constant 5.000000e-01 : f32
    %mul3A_97 = vector.broadcast %mul3A_96 : f32 to vector<1024x128xf32>
    %mul3A_98 = arith.mulf %mul3A_97, %sub3A_95 : vector<1024x128xf32>
    %add3A_99 = arith.addf %tanh3A_94, %mul3A_98 : vector<1024x128xf32>
    %mul3A_100 = arith.mulf %tanh3A_78, %mul3A_98 : vector<1024x128xf32>
    %add3A_101 = arith.addf %add3A_99, %mul3A_100 : vector<1024x128xf32>
    %get3A_102 = arith.constant 2 : index
    %get3A_103 = arith.constant 0 : index
    %get3A_104 = arith.constant 0 : index
    %get3A_105 = vector.load %arg1[%get3A_102, %get3A_103, %get3A_104] : memref<5x1024x128xf32, #tpu.memory_space<vmem>>, vector<1x1024x128xf32>
    %get3A_106 = vector.shape_cast %get3A_105 : vector<1x1024x128xf32> to vector<1024x128xf32>
    %convert_element_type3A_107 = arith.truncf %get3A_106 : vector<1024x128xf32> to vector<1024x128xbf16>
    %get3A_108 = arith.constant 0 : index
    %get3A_109 = arith.constant 0 : index
    %get3A_110 = vector.load %arg3[%get3A_108, %get3A_109] : memref<128x384xbf16, #tpu.memory_space<vmem>>, vector<128x384xbf16>
    %dot_general3A_111 = arith.constant dense<0.000000e+00> : vector<1024x384xf32>
    %dot_general3A_112 = tpu.matmul %convert_element_type3A_107, %get3A_110, %dot_general3A_111 {dimension_numbers = #tpu.dot_dimension_numbers<[1], [0], [0], [1], [0, 0, 1, 1], [], []>, transpose_lhs_hint = false} : vector<1024x128xbf16>, vector<128x384xbf16>, vector<1024x384xf32> -> vector<1024x384xf32>
    %convert_element_type3A_113 = arith.truncf %add3A_101 : vector<1024x128xf32> to vector<1024x128xbf16>
    %get3A_114 = arith.constant 0 : index
    %get3A_115 = arith.constant 0 : index
    %get3A_116 = vector.load %arg4[%get3A_114, %get3A_115] : memref<128x384xbf16, #tpu.memory_space<vmem>>, vector<128x384xbf16>
    %dot_general3A_117 = arith.constant dense<0.000000e+00> : vector<1024x384xf32>
    %dot_general3A_118 = tpu.matmul %convert_element_type3A_113, %get3A_116, %dot_general3A_117 {dimension_numbers = #tpu.dot_dimension_numbers<[1], [0], [0], [1], [0, 0, 1, 1], [], []>, transpose_lhs_hint = false} : vector<1024x128xbf16>, vector<128x384xbf16>, vector<1024x384xf32> -> vector<1024x384xf32>
    %slice3A_119 = vector.extract_strided_slice %dot_general3A_112 {offsets = [0, 0], sizes = [1024, 256], strides = [1, 1]} : vector<1024x384xf32> to vector<1024x256xf32>
    %slice3A_120 = vector.extract_strided_slice %dot_general3A_118 {offsets = [0, 0], sizes = [1024, 256], strides = [1, 1]} : vector<1024x384xf32> to vector<1024x256xf32>
    %add3A_121 = arith.addf %slice3A_119, %slice3A_120 : vector<1024x256xf32>
    %get3A_122 = arith.constant 0 : index
    %get3A_123 = arith.constant 0 : index
    %get3A_124 = vector.load %arg5[%get3A_122, %get3A_123] : memref<1x256xf32, #tpu.memory_space<vmem>>, vector<1x256xf32>
    %add3A_125 = vector.broadcast %get3A_124 : vector<1x256xf32> to vector<1024x256xf32>
    %add3A_126 = arith.addf %add3A_121, %add3A_125 : vector<1024x256xf32>
    %slice3A_127 = vector.extract_strided_slice %add3A_126 {offsets = [0, 0], sizes = [1024, 128], strides = [1, 1]} : vector<1024x256xf32> to vector<1024x128xf32>
    %tanh3A_128 = math.tanh %slice3A_127 : vector<1024x128xf32>
    %slice3A_129 = vector.extract_strided_slice %add3A_126 {offsets = [0, 128], sizes = [1024, 128], strides = [1, 1]} : vector<1024x256xf32> to vector<1024x128xf32>
    %tanh3A_130 = math.tanh %slice3A_129 : vector<1024x128xf32>
    %slice3A_131 = vector.extract_strided_slice %dot_general3A_118 {offsets = [0, 256], sizes = [1024, 128], strides = [1, 1]} : vector<1024x384xf32> to vector<1024x128xf32>
    %get3A_132 = arith.constant 0 : index
    %get3A_133 = arith.constant 0 : index
    %get3A_134 = vector.load %arg7[%get3A_132, %get3A_133] : memref<1x128xf32, #tpu.memory_space<vmem>>, vector<1x128xf32>
    %add3A_135 = vector.broadcast %get3A_134 : vector<1x128xf32> to vector<1024x128xf32>
    %add3A_136 = arith.addf %slice3A_131, %add3A_135 : vector<1024x128xf32>
    %slice3A_137 = vector.extract_strided_slice %dot_general3A_112 {offsets = [0, 256], sizes = [1024, 128], strides = [1, 1]} : vector<1024x384xf32> to vector<1024x128xf32>
    %get3A_138 = arith.constant 0 : index
    %get3A_139 = arith.constant 0 : index
    %get3A_140 = vector.load %arg6[%get3A_138, %get3A_139] : memref<1x128xf32, #tpu.memory_space<vmem>>, vector<1x128xf32>
    %add3A_141 = vector.broadcast %get3A_140 : vector<1x128xf32> to vector<1024x128xf32>
    %add3A_142 = arith.addf %slice3A_137, %add3A_141 : vector<1024x128xf32>
    %add3A_143 = arith.addf %add3A_142, %add3A_136 : vector<1024x128xf32>
    %mul3A_144 = arith.mulf %tanh3A_128, %add3A_136 : vector<1024x128xf32>
    %add3A_145 = arith.addf %add3A_143, %mul3A_144 : vector<1024x128xf32>
    %tanh3A_146 = math.tanh %add3A_145 : vector<1024x128xf32>
    %sub3A_147 = arith.subf %add3A_101, %tanh3A_146 : vector<1024x128xf32>
    %mul3A_148 = arith.constant 5.000000e-01 : f32
    %mul3A_149 = vector.broadcast %mul3A_148 : f32 to vector<1024x128xf32>
    %mul3A_150 = arith.mulf %mul3A_149, %sub3A_147 : vector<1024x128xf32>
    %add3A_151 = arith.addf %tanh3A_146, %mul3A_150 : vector<1024x128xf32>
    %mul3A_152 = arith.mulf %tanh3A_130, %mul3A_150 : vector<1024x128xf32>
    %add3A_153 = arith.addf %add3A_151, %mul3A_152 : vector<1024x128xf32>
    %get3A_154 = arith.constant 3 : index
    %get3A_155 = arith.constant 0 : index
    %get3A_156 = arith.constant 0 : index
    %get3A_157 = vector.load %arg1[%get3A_154, %get3A_155, %get3A_156] : memref<5x1024x128xf32, #tpu.memory_space<vmem>>, vector<1x1024x128xf32>
    %get3A_158 = vector.shape_cast %get3A_157 : vector<1x1024x128xf32> to vector<1024x128xf32>
    %convert_element_type3A_159 = arith.truncf %get3A_158 : vector<1024x128xf32> to vector<1024x128xbf16>
    %get3A_160 = arith.constant 0 : index
    %get3A_161 = arith.constant 0 : index
    %get3A_162 = vector.load %arg3[%get3A_160, %get3A_161] : memref<128x384xbf16, #tpu.memory_space<vmem>>, vector<128x384xbf16>
    %dot_general3A_163 = arith.constant dense<0.000000e+00> : vector<1024x384xf32>
    %dot_general3A_164 = tpu.matmul %convert_element_type3A_159, %get3A_162, %dot_general3A_163 {dimension_numbers = #tpu.dot_dimension_numbers<[1], [0], [0], [1], [0, 0, 1, 1], [], []>, transpose_lhs_hint = false} : vector<1024x128xbf16>, vector<128x384xbf16>, vector<1024x384xf32> -> vector<1024x384xf32>
    %convert_element_type3A_165 = arith.truncf %add3A_153 : vector<1024x128xf32> to vector<1024x128xbf16>
    %get3A_166 = arith.constant 0 : index
    %get3A_167 = arith.constant 0 : index
    %get3A_168 = vector.load %arg4[%get3A_166, %get3A_167] : memref<128x384xbf16, #tpu.memory_space<vmem>>, vector<128x384xbf16>
    %dot_general3A_169 = arith.constant dense<0.000000e+00> : vector<1024x384xf32>
    %dot_general3A_170 = tpu.matmul %convert_element_type3A_165, %get3A_168, %dot_general3A_169 {dimension_numbers = #tpu.dot_dimension_numbers<[1], [0], [0], [1], [0, 0, 1, 1], [], []>, transpose_lhs_hint = false} : vector<1024x128xbf16>, vector<128x384xbf16>, vector<1024x384xf32> -> vector<1024x384xf32>
    %slice3A_171 = vector.extract_strided_slice %dot_general3A_164 {offsets = [0, 0], sizes = [1024, 256], strides = [1, 1]} : vector<1024x384xf32> to vector<1024x256xf32>
    %slice3A_172 = vector.extract_strided_slice %dot_general3A_170 {offsets = [0, 0], sizes = [1024, 256], strides = [1, 1]} : vector<1024x384xf32> to vector<1024x256xf32>
    %add3A_173 = arith.addf %slice3A_171, %slice3A_172 : vector<1024x256xf32>
    %get3A_174 = arith.constant 0 : index
    %get3A_175 = arith.constant 0 : index
    %get3A_176 = vector.load %arg5[%get3A_174, %get3A_175] : memref<1x256xf32, #tpu.memory_space<vmem>>, vector<1x256xf32>
    %add3A_177 = vector.broadcast %get3A_176 : vector<1x256xf32> to vector<1024x256xf32>
    %add3A_178 = arith.addf %add3A_173, %add3A_177 : vector<1024x256xf32>
    %slice3A_179 = vector.extract_strided_slice %add3A_178 {offsets = [0, 0], sizes = [1024, 128], strides = [1, 1]} : vector<1024x256xf32> to vector<1024x128xf32>
    %tanh3A_180 = math.tanh %slice3A_179 : vector<1024x128xf32>
    %slice3A_181 = vector.extract_strided_slice %add3A_178 {offsets = [0, 128], sizes = [1024, 128], strides = [1, 1]} : vector<1024x256xf32> to vector<1024x128xf32>
    %tanh3A_182 = math.tanh %slice3A_181 : vector<1024x128xf32>
    %slice3A_183 = vector.extract_strided_slice %dot_general3A_170 {offsets = [0, 256], sizes = [1024, 128], strides = [1, 1]} : vector<1024x384xf32> to vector<1024x128xf32>
    %get3A_184 = arith.constant 0 : index
    %get3A_185 = arith.constant 0 : index
    %get3A_186 = vector.load %arg7[%get3A_184, %get3A_185] : memref<1x128xf32, #tpu.memory_space<vmem>>, vector<1x128xf32>
    %add3A_187 = vector.broadcast %get3A_186 : vector<1x128xf32> to vector<1024x128xf32>
    %add3A_188 = arith.addf %slice3A_183, %add3A_187 : vector<1024x128xf32>
    %slice3A_189 = vector.extract_strided_slice %dot_general3A_164 {offsets = [0, 256], sizes = [1024, 128], strides = [1, 1]} : vector<1024x384xf32> to vector<1024x128xf32>
    %get3A_190 = arith.constant 0 : index
    %get3A_191 = arith.constant 0 : index
    %get3A_192 = vector.load %arg6[%get3A_190, %get3A_191] : memref<1x128xf32, #tpu.memory_space<vmem>>, vector<1x128xf32>
    %add3A_193 = vector.broadcast %get3A_192 : vector<1x128xf32> to vector<1024x128xf32>
    %add3A_194 = arith.addf %slice3A_189, %add3A_193 : vector<1024x128xf32>
    %add3A_195 = arith.addf %add3A_194, %add3A_188 : vector<1024x128xf32>
    %mul3A_196 = arith.mulf %tanh3A_180, %add3A_188 : vector<1024x128xf32>
    %add3A_197 = arith.addf %add3A_195, %mul3A_196 : vector<1024x128xf32>
    %tanh3A_198 = math.tanh %add3A_197 : vector<1024x128xf32>
    %sub3A_199 = arith.subf %add3A_153, %tanh3A_198 : vector<1024x128xf32>
    %mul3A_200 = arith.constant 5.000000e-01 : f32
    %mul3A_201 = vector.broadcast %mul3A_200 : f32 to vector<1024x128xf32>
    %mul3A_202 = arith.mulf %mul3A_201, %sub3A_199 : vector<1024x128xf32>
    %add3A_203 = arith.addf %tanh3A_198, %mul3A_202 : vector<1024x128xf32>
    %mul3A_204 = arith.mulf %tanh3A_182, %mul3A_202 : vector<1024x128xf32>
    %add3A_205 = arith.addf %add3A_203, %mul3A_204 : vector<1024x128xf32>
    %get3A_206 = arith.constant 4 : index
    %get3A_207 = arith.constant 0 : index
    %get3A_208 = arith.constant 0 : index
    %get3A_209 = vector.load %arg1[%get3A_206, %get3A_207, %get3A_208] : memref<5x1024x128xf32, #tpu.memory_space<vmem>>, vector<1x1024x128xf32>
    %get3A_210 = vector.shape_cast %get3A_209 : vector<1x1024x128xf32> to vector<1024x128xf32>
    %convert_element_type3A_211 = arith.truncf %get3A_210 : vector<1024x128xf32> to vector<1024x128xbf16>
    %get3A_212 = arith.constant 0 : index
    %get3A_213 = arith.constant 0 : index
    %get3A_214 = vector.load %arg3[%get3A_212, %get3A_213] : memref<128x384xbf16, #tpu.memory_space<vmem>>, vector<128x384xbf16>
    %dot_general3A_215 = arith.constant dense<0.000000e+00> : vector<1024x384xf32>
    %dot_general3A_216 = tpu.matmul %convert_element_type3A_211, %get3A_214, %dot_general3A_215 {dimension_numbers = #tpu.dot_dimension_numbers<[1], [0], [0], [1], [0, 0, 1, 1], [], []>, transpose_lhs_hint = false} : vector<1024x128xbf16>, vector<128x384xbf16>, vector<1024x384xf32> -> vector<1024x384xf32>
    %convert_element_type3A_217 = arith.truncf %add3A_205 : vector<1024x128xf32> to vector<1024x128xbf16>
    %get3A_218 = arith.constant 0 : index
    %get3A_219 = arith.constant 0 : index
    %get3A_220 = vector.load %arg4[%get3A_218, %get3A_219] : memref<128x384xbf16, #tpu.memory_space<vmem>>, vector<128x384xbf16>
    %dot_general3A_221 = arith.constant dense<0.000000e+00> : vector<1024x384xf32>
    %dot_general3A_222 = tpu.matmul %convert_element_type3A_217, %get3A_220, %dot_general3A_221 {dimension_numbers = #tpu.dot_dimension_numbers<[1], [0], [0], [1], [0, 0, 1, 1], [], []>, transpose_lhs_hint = false} : vector<1024x128xbf16>, vector<128x384xbf16>, vector<1024x384xf32> -> vector<1024x384xf32>
    %slice3A_223 = vector.extract_strided_slice %dot_general3A_216 {offsets = [0, 0], sizes = [1024, 256], strides = [1, 1]} : vector<1024x384xf32> to vector<1024x256xf32>
    %slice3A_224 = vector.extract_strided_slice %dot_general3A_222 {offsets = [0, 0], sizes = [1024, 256], strides = [1, 1]} : vector<1024x384xf32> to vector<1024x256xf32>
    %add3A_225 = arith.addf %slice3A_223, %slice3A_224 : vector<1024x256xf32>
    %get3A_226 = arith.constant 0 : index
    %get3A_227 = arith.constant 0 : index
    %get3A_228 = vector.load %arg5[%get3A_226, %get3A_227] : memref<1x256xf32, #tpu.memory_space<vmem>>, vector<1x256xf32>
    %add3A_229 = vector.broadcast %get3A_228 : vector<1x256xf32> to vector<1024x256xf32>
    %add3A_230 = arith.addf %add3A_225, %add3A_229 : vector<1024x256xf32>
    %slice3A_231 = vector.extract_strided_slice %add3A_230 {offsets = [0, 0], sizes = [1024, 128], strides = [1, 1]} : vector<1024x256xf32> to vector<1024x128xf32>
    %tanh3A_232 = math.tanh %slice3A_231 : vector<1024x128xf32>
    %slice3A_233 = vector.extract_strided_slice %add3A_230 {offsets = [0, 128], sizes = [1024, 128], strides = [1, 1]} : vector<1024x256xf32> to vector<1024x128xf32>
    %tanh3A_234 = math.tanh %slice3A_233 : vector<1024x128xf32>
    %slice3A_235 = vector.extract_strided_slice %dot_general3A_222 {offsets = [0, 256], sizes = [1024, 128], strides = [1, 1]} : vector<1024x384xf32> to vector<1024x128xf32>
    %get3A_236 = arith.constant 0 : index
    %get3A_237 = arith.constant 0 : index
    %get3A_238 = vector.load %arg7[%get3A_236, %get3A_237] : memref<1x128xf32, #tpu.memory_space<vmem>>, vector<1x128xf32>
    %add3A_239 = vector.broadcast %get3A_238 : vector<1x128xf32> to vector<1024x128xf32>
    %add3A_240 = arith.addf %slice3A_235, %add3A_239 : vector<1024x128xf32>
    %slice3A_241 = vector.extract_strided_slice %dot_general3A_216 {offsets = [0, 256], sizes = [1024, 128], strides = [1, 1]} : vector<1024x384xf32> to vector<1024x128xf32>
    %get3A_242 = arith.constant 0 : index
    %get3A_243 = arith.constant 0 : index
    %get3A_244 = vector.load %arg6[%get3A_242, %get3A_243] : memref<1x128xf32, #tpu.memory_space<vmem>>, vector<1x128xf32>
    %add3A_245 = vector.broadcast %get3A_244 : vector<1x128xf32> to vector<1024x128xf32>
    %add3A_246 = arith.addf %slice3A_241, %add3A_245 : vector<1024x128xf32>
    %add3A_247 = arith.addf %add3A_246, %add3A_240 : vector<1024x128xf32>
    %mul3A_248 = arith.mulf %tanh3A_232, %add3A_240 : vector<1024x128xf32>
    %add3A_249 = arith.addf %add3A_247, %mul3A_248 : vector<1024x128xf32>
    %tanh3A_250 = math.tanh %add3A_249 : vector<1024x128xf32>
    %sub3A_251 = arith.subf %add3A_205, %tanh3A_250 : vector<1024x128xf32>
    %mul3A_252 = arith.constant 5.000000e-01 : f32
    %mul3A_253 = vector.broadcast %mul3A_252 : f32 to vector<1024x128xf32>
    %mul3A_254 = arith.mulf %mul3A_253, %sub3A_251 : vector<1024x128xf32>
    %add3A_255 = arith.addf %tanh3A_250, %mul3A_254 : vector<1024x128xf32>
    %mul3A_256 = arith.mulf %tanh3A_234, %mul3A_254 : vector<1024x128xf32>
    %add3A_257 = arith.addf %add3A_255, %mul3A_256 : vector<1024x128xf32>
    %swap3A = arith.constant 0 : index
    %swap3A_258 = arith.constant 0 : index
    %swap3A_259 = vector.load %arg9[%swap3A, %swap3A_258] : memref<1024x128xf32, #tpu.memory_space<vmem>>, vector<1024x128xf32>
    tpu.vector_store %arg9[%swap3A, %swap3A_258], %add3A_257 {strides = array<i32>} : memref<1024x128xf32, #tpu.memory_space<vmem>>, vector<1024x128xf32>,
    %swap3A_260 = arith.constant 0 : index
    %swap3A_261 = arith.constant 0 : index
    %swap3A_262 = vector.load %arg8[%swap3A_260, %swap3A_261] : memref<1024x128xf32, #tpu.memory_space<vmem>>, vector<1024x128xf32>
    tpu.vector_store %arg8[%swap3A_260, %swap3A_261], %add3A_257 {strides = array<i32>} : memref<1024x128xf32, #tpu.memory_space<vmem>>, vector<1024x128xf32>,
    return
  }
  func.func @transform_0(%arg0: i32) -> (i32, i32, i32) {
    %c0_i32 = arith.constant 0 : i32
    %c0_i32_0 = arith.constant 0 : i32
    %c0_i32_1 = arith.constant 0 : i32
    return %arg0, %c0_i32, %c0_i32_0 : i32, i32, i32
  }
  func.func @transform_1(%arg0: i32) -> (i32, i32) {
    %c0_i32 = arith.constant 0 : i32
    %c0_i32_0 = arith.constant 0 : i32
    %c0_i32_1 = arith.constant 0 : i32
    return %c0_i32, %c0_i32_0 : i32, i32
  }
  func.func @transform_2(%arg0: i32) -> (i32, i32) {
    %c0_i32 = arith.constant 0 : i32
    %c0_i32_0 = arith.constant 0 : i32
    %c0_i32_1 = arith.constant 0 : i32
    return %c0_i32, %c0_i32_0 : i32, i32
  }
  func.func @transform_3(%arg0: i32) -> (i32, i32) {
    %c0_i32 = arith.constant 0 : i32
    %c0_i32_0 = arith.constant 0 : i32
    %c0_i32_1 = arith.constant 0 : i32
    return %c0_i32, %c0_i32_0 : i32, i32
  }
  func.func @transform_4(%arg0: i32) -> (i32, i32) {
    %c0_i32 = arith.constant 0 : i32
    %c0_i32_0 = arith.constant 0 : i32
    %c0_i32_1 = arith.constant 0 : i32
    return %c0_i32, %c0_i32_0 : i32, i32
  }
  func.func @transform_5(%arg0: i32) -> (i32, i32) {
    %c0_i32 = arith.constant 0 : i32
    %c0_i32_0 = arith.constant 0 : i32
    %c0_i32_1 = arith.constant 0 : i32
    return %c0_i32, %c0_i32_0 : i32, i32
  }
  func.func @transform_6(%arg0: i32) -> (i32, i32) {
    %c0_i32 = arith.constant 0 : i32
    %c0_i32_0 = arith.constant 0 : i32
    %c0_i32_1 = arith.constant 0 : i32
    return %c0_i32, %c0_i32_0 : i32, i32
  }
  func.func @transform_7(%arg0: i32) -> (i32, i32) {
    %c0_i32 = arith.constant 0 : i32
    %c0_i32_0 = arith.constant 0 : i32
    %c0_i32_1 = arith.constant 0 : i32
    return %c0_i32, %c0_i32_0 : i32, i32
  }
}

</mosaic_0001>

<sc_bundles>
// kernel: kernel.6.cloned.1.call-start
scs
__scs_entry_jumppad:
0x0: {  	(pc) =	sbr.rel $0x88, $3  }
0x1: {  	(tag) =	ssettag $0x0;
	lr =	simm.s32 $0x1  }
0x2: {  	[smem:$0x3F9B] =	sst lr;
	_ =	strace $0xD0000000  }
0x3: {  	_ = 	snop  }
0x4: {  	_ = 	snop  }
0x5: {  	_ = 	snop  }
0x6: {  	_ = 	snop  }
0x7: {  	_ = 	snop  }
__scs_overlays_trampoline_lowered:
0x8: {  	[smem:$0x3FAA] =	sst s0  }
0x9: {  	[smem:$0x3FAB] =	sst s1  }
0xa: {  	[smem:$0x3FAC] =	sst s2  }
0xb: {  	[smem:$0x3FAD] =	sst s3  }
0xc: {  	[smem:$0x3FAE] =	sst s4  }
0xd: {  	[smem:$0x3FAF] =	sst s5  }
0xe: {  	[smem:$0x3FB0] =	sst s6  }
0xf: {  	[smem:$0x3FB1] =	sst s7  }
0x10: {  	[smem:$0x3FB2] =	sst s8  }
0x11: {  	[smem:$0x3FB3] =	sst s9;
	s0 =	simm.s32 @!p0 $0x0  }
0x12: {  	s1 =	sld [smem:$0x3F99];
	s0 =	simm.s32 @p0 $0x1  }
0x13: {  	[smem:$0x3FB4] =	sst s0;
	s0 =	simm.s32 @!p1 $0x0  }
0x14: {  	s2 =	sld [smem:$0x3F98];
	s0 =	simm.s32 @p1 $0x1  }
0x15: {  	[smem:$0x3FB5] =	sst s0;
	s0 =	simm.s32 @!p2 $0x0  }
0x16: {  	s3 =	sld [smem:$0x3FDB];
	s0 =	simm.s32 @p2 $0x1  }
0x17: {  	s4 =	simm.s32 $0x1BF5;
	[smem:$0x3FB7] =	sst s0  }
0x18: {  	s0 =	sld [smem:$0x3F9A];
	_ =	swait.ge [sflag:s4], $0x0  }
0x19: {  	s7 =	sld [smem:$0x3F9B]  }
0x1a: {  	s8 =	sadd.s32 $0xFFFFE003, lr  }
0x1b: {  	s9 =	sadd.s32 $0xFFFFFEF7, lr;
	s5 =	simm.s32 $0xFFFFFFFF;
	p2 =	slt.u32 s8, $0xFFFFF086  }
0x1c: {  	p1 =	slt.u32 s9, $0xF7A;
	s5 =	simm.s32 @!p2 $0x0  }
0x1d: {  	s5 =	simm.s32 @p1 $0x1;
	p0 =	seq.s32 s7, s2  }
0x1e: {  	s7 =	smul.u32 @!p0 $0xF7A, s2;
	p2 =	seq.s32 @!p0 s5, $0x0  }
0x1f: {  	s9 =	smul.u32 $0xF7A, s1;
	s8 =	simm.s32 @!p0 $0x1BF5;
	p2 =	por !p2, p0  }
0x20: {  	[sflag:s8] =	ssyncset.s32 @!p0 $0xFFFFF086;
	s6 =	sadd.s32 @!p0 s3, s7;
	s7 =	simm.s32 @!p0 $0x108  }
0x21: {  	s3 =	sadd.s32 s3, s9;
	s6 =	sadd.s32 @!p0 $0x88, s6;
	s7 =	simm.s32 @p2 $0x1082  }
0x22: {  	[simem:s7], [sflag:s8] =	dma.local @!p0 [hbm:s6], $0xF7A  }
0x23: {  	s9 =	sor.u32 $0xD0000000, s2;
	s6 =	simm.s32 $0x108;
	_ =	swait.ge @!p0 [sflag:s8], $0x0  }
0x24: {  	s3 =	sadd.s32 $0x88, s3;
	s6 =	simm.s32 @!p1 $0x1082;
	[sflag:s4] =	ssyncset.s32 $0xFFFFF086  }
0x25: {  	[simem:s6], [sflag:s4] =	dma.local [hbm:s3], $0xF7A  }
0x26: {  	[smem:$0x3F9B] =	sst s1;
	(tag) =	ssettag s2;
	_ =	strace s9  }
0x27: {  	s1 =	sld [smem:$0x3FAB]  }
0x28: {  	s2 =	sld [smem:$0x3FAC]  }
0x29: {  	s4 =	sld [smem:$0x3FAE]  }
0x2a: {  	p0 =	seq.s32 s5, $0x0;
	s5 =	sld [smem:$0x3FAF]  }
0x2b: {  	s6 =	sld [smem:$0x3FB0]  }
0x2c: {  	s7 =	sld [smem:$0x3FB1]  }
0x2d: {  	s3 =	simm.s32 $0x108;
	s8 =	sld [smem:$0x3FB2]  }
0x2e: {  	s3 =	simm.s32 @!p0 $0x1082;
	s9 =	sld [smem:$0x3FB3]  }
0x2f: {  	lr =	sadd.s32 s0, s3;
	s0 =	sld [smem:$0x3FAA]  }
0x30: {  	s3 =	sld [smem:$0x3FAD]  }
0x31: {  	[smem:$0x3FB6] =	sst s10  }
0x32: {  	s10 =	sld [smem:$0x3FB4];
	_ =	sdelay $0x3  }
0x33: {  	p0 =	seq.s32 s10, $0x1;
	s10 =	sld [smem:$0x3FB6];
	_ =	sdelay $0x3  }
0x34: {  	[smem:$0x3FB6] =	sst s10  }
0x35: {  	s10 =	sld [smem:$0x3FB5];
	_ =	sdelay $0x3  }
0x36: {  	p1 =	seq.s32 s10, $0x1;
	s10 =	sld [smem:$0x3FB6];
	_ =	sdelay $0x3  }
0x37: {  	[smem:$0x3FB6] =	sst s10  }
0x38: {  	s10 =	sld [smem:$0x3FB7]  }
0x39: {  	_ = 	snop;
	(pc) =	sbr.ind lr, $3  }
0x3a: {  	_ = 	snop  }
0x3b: {  	_ = 	snop  }
0x3c: {  	p2 =	seq.s32 s10, $0x1;
	s10 =	sld [smem:$0x3FB6]  }
0x3d: {  	_ =	shalt  }
0x3e: {  	_ =	shalt  }
0x3f: {  	_ =	shalt  }
0x40: {  	_ =	shalt  }
0x41: {  	_ =	shalt  }
0x42: {  	_ =	shalt  }
0x43: {  	_ =	shalt  }
0x44: {  	_ =	shalt  }
0x45: {  	_ =	shalt  }
0x46: {  	_ =	shalt  }
0x47: {  	_ =	shalt  }
0x48: {  	_ =	shalt  }
0x49: {  	_ =	shalt  }
0x4a: {  	_ =	shalt  }
0x4b: {  	_ =	shalt  }
0x4c: {  	_ =	shalt  }
0x4d: {  	_ =	shalt  }
0x4e: {  	_ =	shalt  }
0x4f: {  	_ =	shalt  }
0x50: {  	_ =	shalt  }
0x51: {  	_ =	shalt  }
0x52: {  	_ =	shalt  }
0x53: {  	_ =	shalt  }
0x54: {  	_ =	shalt  }
0x55: {  	_ =	shalt  }
0x56: {  	_ =	shalt  }
0x57: {  	_ =	shalt  }
0x58: {  	_ =	shalt  }
0x59: {  	_ =	shalt  }
0x5a: {  	_ =	shalt  }
0x5b: {  	_ =	shalt  }
0x5c: {  	_ =	shalt  }
0x5d: {  	_ =	shalt  }
0x5e: {  	_ =	shalt  }
0x5f: {  	_ =	shalt  }
0x60: {  	_ =	shalt  }
0x61: {  	_ =	shalt  }
0x62: {  	_ =	shalt  }
0x63: {  	_ =	shalt  }
0x64: {  	_ =	shalt  }
0x65: {  	_ =	shalt  }
0x66: {  	_ =	shalt  }
0x67: {  	_ =	shalt  }
0x68: {  	_ =	shalt  }
0x69: {  	_ =	shalt  }
0x6a: {  	_ =	shalt  }
0x6b: {  	_ =	shalt  }
0x6c: {  	_ =	shalt  }
0x6d: {  	_ =	shalt  }
0x6e: {  	_ =	shalt  }
0x6f: {  	_ =	shalt  }
0x70: {  	_ =	shalt  }
0x71: {  	_ =	shalt  }
0x72: {  	_ =	shalt  }
0x73: {  	_ =	shalt  }
0x74: {  	_ =	shalt  }
0x75: {  	_ =	shalt  }
0x76: {  	_ =	shalt  }
0x77: {  	_ =	shalt  }
0x78: {  	_ =	shalt  }
0x79: {  	_ =	shalt  }
0x7a: {  	_ =	shalt  }
0x7b: {  	_ =	shalt  }
0x7c: {  	_ =	shalt  }
0x7d: {  	_ =	shalt  }
0x7e: {  	_ =	shalt  }
0x7f: {  	_ =	shalt  }
0x80: {  	_ =	shalt  }
0x81: {  	_ =	shalt  }
0x82: {  	_ =	shalt  }
0x83: {  	_ =	shalt  }
0x84: {  	_ =	shalt  }
0x85: {  	_ =	shalt  }
0x86: {  	_ =	shalt  }
0x87: {  	_ =	shalt  }
.Lfunc_end0:
.L_simem_size_0:
called_computation_lowered:
.L_overlay_start_0:
0x88: {  	s2 =	sld [smem:$0x3FD9]  }
0x89: {  	s3 =	sld [smem:$0x3FFE];
	_ =	sdelay $0x1  }
0x8a: {  	s1 =	srdreg.scid  }
0x8b: {  	s0 =	sand.u32 $0x1, s1  }
0x8c: {  	s17 =	sshll.u32 s0, $0xA;
	s2 =	sadd.s32 s3, s2  }
0x8d: {  	s2 =	sadd.s32 s2, s17  }
0x8e: {  	[smem:$0x3FC2] =	sst s2  }
0x8f: {  	_ = 	snop  }
0x90: {  	s2 =	sld [smem:$0x3FC8];
	(tm) =	ssettm $0x1  }
0x91: {  	s18 =	sld [smem:$0x3FFB];
	_ =	sdelay $0x3  }
0x92: {  	_ =	strace s18  }
0x93: {  	s3 =	sld [smem:$0x3FFC];
	_ =	sdelay $0x3  }
0x94: {  	_ =	strace s3  }
0x95: {  	s3 =	sld [smem:$0x3FFD];
	_ =	sdelay $0x3  }
0x96: {  	_ =	strace s3  }
0x97: {  	_ =	strace $0x8FFFFFFF  }
0x98: {  	s19 =	sld [smem:$0x3FDB];
	_ =	sdelay $0x1  }
0x99: {  	s4 =	simm.s32 $_scs_section_size  }
0x9a: {  	s5 =	simm.s32 $_size__tile_overlayer_lowered;
	s6 =	simm.s32 $_tile_overlayer_lowered  }
0x9b: {  	s22 =	simm.s32 $0x1BFF;
	s21 =	sshll.u32 s6, $0x1;
	s3 =	sadd.s32 s4, s19  }
0x9c: {  	s7 =	simm.s32 $0x0;
	s20 =	sshll.u32 s5, $0x1;
	s5 =	sadd.s32 s21, s3  }
0x9d: {  	[timem:s7], [sflag:s22] =	dma.local [hbm:s5], s20  }
0x9e: {  	_ =	swait.ge [sflag:s22], s20  }
0x9f: {  	s4 =	ssub.s32 $0x0, s20;
	[sflag:s22] =	ssyncset.done $0x0  }
0xa0: {  	[sflag:s22] =	ssyncadd.s32 s4;
	_ =	sdelay $0x1  }
0xa1: {  	s23 =	simm.s32 $0x1B8B  }
0xa2: {  	_ =	swait.ge [sflag:s23], $0x1  }
0xa3: {  	[sflag:s23] =	ssyncset.done $0x0  }
0xa4: {  	s25 =	simm.s32 $0x1B8E;
	s24 =	sld [smem:$0x3FFE];
	[sflag:s23] =	ssyncadd.s32 $0xFFFFFFFF  }
0xa5: {  	s26 =	simm.s32 $execute0_lowered;
	[smem:$0x3FD2] =	sst s25  }
0xa6: {  	s5 =	sshll.u32 s26, $0x1;
	_ =	strace $0x80000046;
	[dreg:$0x1] =	wrdreg $0xFFFFFFFF  }
0xa7: {  	s28 =	simm.s32 $_size_execute0_lowered;
	s3 =	sadd.s32 s3, s5;
	[dreg:$0x0] =	wrdreg $0x0  }
0xa8: {  	s5 =	sshll.u32 s28, $0x1;
	[dreg:$0x2] =	wrdreg s3  }
0xa9: {  	[dreg:$0x3] =	wrdreg s5  }
0xaa: {  	[dreg:$0x4] =	wrdreg $0xC0  }
0xab: {  	_ =	task [dreg:s7], $0x5FFFF  }
0xac: {  	[dreg:$0x1] =	wrdreg $0xFFFFFFFF  }
0xad: {  	[dreg:$0x0] =	wrdreg $0x60  }
0xae: {  	[dreg:$0x2] =	wrdreg s24  }
0xaf: {  	[dreg:$0x3] =	wrdreg s2  }
0xb0: {  	[dreg:$0x4] =	wrdreg $0x9  }
0xb1: {  	_ =	task.clear_ibuf [dreg:s7], $0x5FFFF;
	_ =	strace $0x90000046  }
0xb2: {  	s29 =	simm.s32 $0x9;
	_ =	strace $0x80000048  }
0xb3: {  	_ =	swait.ge [sflag:s29], $0x1  }
0xb4: {  	[sflag:s29] =	ssyncadd.s32 $0xFFFFFFFF  }
0xb5: {  	_ =	strace $0x90000048  }
0xb6: {  	_ =	sfence  }
0xb7: {  	s30 =	sld [smem:$0x0];
	_ =	sdelay $0x2  }
0xb8: {  	s31 =	sshll.u32 s1, $0xD;
	s1 =	sshrl.u32 s1, $0x2  }
0xb9: {  	s3 =	sand.u32 $0x4000, s31;
	s1 =	sadd.s32 s1, s30  }
0xba: {  	s0 =	sor.u32 s3, s0;
	s1 =	sshll.u32 s1, $0x11  }
0xbb: {  	s0 =	sor.u32 s1, s0  }
0xbc: {  	s0 =	sadd.s32 $0x8F2B, s0  }
0xbd: {  	[sflag:s0] =	ssyncadd.remote.s32 $0x1  }
0xbe: {  	_ =	sfence.sel $0xFFFF  }
0xbf: {  	[dreg:$0x0] =	wrdreg $0xFFFFFFFF;
	(pc) =	sbr.abs _section_cstart, $3  }
0xc0: {  	[dreg:$0x1] =	wrdreg $0xFFFFFFFF  }
0xc1: {  	_ =	task.clear_ibuf [dreg:s7], $0x2FFFF;
	_ =	strace $0x9FFFFFFF  }
0xc2: {  	(tm) =	ssettm $0x7FFFFFFF  }
0xc3: {  	_ =	shalt  }
tec
execute0_lowered:
.L_overlay_start_1:
0x0: {  	(tag) =	ssettag $0x1  }
0x1: {  	s1 =	srdreg.scid;
	s0 =	stileid.u32  }
0x2: {  	s1 =	sand.u32 $0x1, s1;
	s3 =	sshll.u32 s0, $0x1  }
0x3: {  	s4 =	rddreg [dreg:$0x0];
	s5 =	sor.u32 s1, s3  }
0x4: {  	s2 =	rddreg [dreg:$0x1];
	s3 =	simm.s32 $0x0;
	s6 =	smul.u32 $0x64, s5  }
0x5: {  	[smem:$0x7FF] =	sst s3;
	s7 =	smul.u32 $0x19000, s5  }
0x6: {  	s5 =	smul.u32 $0x3200, s5;
	_ =	strace $0x80000047;
	s6 =	sadd.s32 s6, s4  }
0x7: {  	s4 =	sadd.s32 $0x2800, s4;
	s7 =	sshrl.u32 s7, $0x3;
	s6 =	sadd.s32 $0x1A00, s6  }
0x8: {  	s5 =	sadd.s32 s4, s5;
	s31 =	sadd.s32 s4, s7;
	[dreg:$0x3] =	wrdreg s6  }
0x9: {  	[dreg:$0x4] =	wrdreg s5;
	s4 =	sadd.s32 $0x500, s31  }
0xa: {  	s23 =	sadd.s32 $0xA00, s31;
	[dreg:$0x5] =	wrdreg s4  }
0xb: {  	[dreg:$0x6] =	wrdreg s23  }
0xc: {  	s24 =	sadd.s32 $0xF00, s31;
	s25 =	rddreg [dreg:$0x3]  }
0xd: {  	s26 =	sadd.s32 $0x1400, s31;
	[dreg:$0x7] =	wrdreg s24  }
0xe: {  	[dreg:$0x8] =	wrdreg s26;
	s4 =	simm.s32 $0x9  }
0xf: {  	[tilespmem:s3], [sflag:$0x9] =	stream.linear.gather [hbm4b:s25+s3], $0x320, $0x38;
	[tilespmem:$0xA380] =	vst v63  }
0x10: {  	_ =	swait.ge [sflag:s4], $0x320  }
0x11: {  	[sflag:s4] =	ssyncset.done $0x0  }
0x12: {  	s5 =	simm.s32 $0x50;
	s6 =	simm.s32 $0x380;
	[sflag:s4] =	ssyncadd.s32 $0xFFFFFCE0  }
0x13: {  	[tilespmem:s6], [sflag:$0x1] =	stream.indirect.gather [hbm4b:s2+s5], $0x80, s3, s5, $0xb8;
	[tilespmem:$0xA380] =	vst v63  }
0x14: {  	s8 =	simm.s32 $0x1;
	s7 =	simm.s32 $0x2B80  }
0x15: {  	[tilespmem:s7], [sflag:$0x2] =	stream.indirect.gather [hbm4b:s2+s5], $0x80, s5, s5, $0xb8;
	[tilespmem:$0xA380] =	vst v63  }
0x16: {  	_ =	swait.ge [sflag:s8], $0x2800  }
0x17: {  	[sflag:s8] =	ssyncset.done $0x0  }
0x18: {  	s9 =	rddreg [dreg:$0x4];
	[sflag:s8] =	ssyncadd.s32 $0xFFFFD800  }
0x19: {  	[hbm4b:s9+s3] =	stream.linear.scatter [tilespmem:s6], [sflag:$0x5], $0x2800, $0x38;
	[tilespmem:$0xA380] =	vst v63  }
0x1a: {  	s10 =	simm.s32 $0x5380;
	s11 =	simm.s32 $0x2;
	s9 =	simm.s32 $0xA0  }
0x1b: {  	[tilespmem:s10], [sflag:$0x3] =	stream.indirect.gather [hbm4b:s2+s5], $0x80, s9, s5, $0xb8;
	[tilespmem:$0xA380] =	vst v63  }
0x1c: {  	_ =	swait.ge [sflag:s11], $0x2800  }
0x1d: {  	[sflag:s11] =	ssyncset.done $0x0  }
0x1e: {  	s12 =	rddreg [dreg:$0x5];
	[sflag:s11] =	ssyncadd.s32 $0xFFFFD800  }
0x1f: {  	[hbm4b:s12+s3] =	stream.linear.scatter [tilespmem:s7], [sflag:$0x6], $0x2800, $0x38;
	[tilespmem:$0xA380] =	vst v63  }
0x20: {  	s13 =	simm.s32 $0x7B80;
	s14 =	simm.s32 $0x3;
	s12 =	simm.s32 $0xF0  }
0x21: {  	[tilespmem:s13], [sflag:$0x4] =	stream.indirect.gather [hbm4b:s2+s5], $0x80, s12, s5, $0xb8;
	[tilespmem:$0xA380] =	vst v63  }
0x22: {  	_ =	swait.ge [sflag:s14], $0x2800  }
0x23: {  	[sflag:s14] =	ssyncset.done $0x0  }
0x24: {  	s15 =	simm.s32 $0x5;
	s16 =	rddreg [dreg:$0x6];
	[sflag:s14] =	ssyncadd.s32 $0xFFFFD800  }
0x25: {  	[hbm4b:s16+s3] =	stream.linear.scatter [tilespmem:s10], [sflag:$0x7], $0x2800, $0x38;
	[tilespmem:$0xA380] =	vst v63  }
0x26: {  	_ =	swait.ge [sflag:s15], $0x2800  }
0x27: {  	[sflag:s15] =	ssyncset.done $0x0  }
0x28: {  	s17 =	simm.s32 $0x4;
	s16 =	simm.s32 $0x140;
	[sflag:s15] =	ssyncadd.s32 $0xFFFFD800  }
0x29: {  	[tilespmem:s6], [sflag:$0x1] =	stream.indirect.gather [hbm4b:s2+s5], $0x80, s16, s5, $0xb8;
	[tilespmem:$0xA380] =	vst v63  }
0x2a: {  	_ =	swait.ge [sflag:s17], $0x2800  }
0x2b: {  	[sflag:s17] =	ssyncset.done $0x0  }
0x2c: {  	s18 =	simm.s32 $0x6;
	s19 =	rddreg [dreg:$0x7];
	[sflag:s17] =	ssyncadd.s32 $0xFFFFD800  }
0x2d: {  	[hbm4b:s19+s3] =	stream.linear.scatter [tilespmem:s13], [sflag:$0x8], $0x2800, $0x38;
	[tilespmem:$0xA380] =	vst v63  }
0x2e: {  	_ =	swait.ge [sflag:s18], $0x2800  }
0x2f: {  	[sflag:s18] =	ssyncset.done $0x0  }
0x30: {  	s19 =	simm.s32 $0x190;
	[sflag:s18] =	ssyncadd.s32 $0xFFFFD800  }
0x31: {  	[tilespmem:s7], [sflag:$0x2] =	stream.indirect.gather [hbm4b:s2+s5], $0x80, s19, s5, $0xb8;
	[tilespmem:$0xA380] =	vst v63  }
0x32: {  	_ =	swait.ge [sflag:s8], $0x2800  }
0x33: {  	[sflag:s8] =	ssyncset.done $0x0  }
0x34: {  	s20 =	simm.s32 $0x7;
	s21 =	rddreg [dreg:$0x8];
	[sflag:s8] =	ssyncadd.s32 $0xFFFFD800  }
0x35: {  	[hbm4b:s21+s3] =	stream.linear.scatter [tilespmem:s6], [sflag:$0x5], $0x2800, $0x38;
	[tilespmem:$0xA380] =	vst v63  }
0x36: {  	_ =	swait.ge [sflag:s20], $0x2800  }
0x37: {  	[sflag:s20] =	ssyncset.done $0x0  }
0x38: {  	s21 =	simm.s32 $0x1E0;
	[sflag:s20] =	ssyncadd.s32 $0xFFFFD800  }
0x39: {  	[tilespmem:s10], [sflag:$0x3] =	stream.indirect.gather [hbm4b:s2+s5], $0x80, s21, s5, $0xb8;
	[tilespmem:$0xA380] =	vst v63  }
0x3a: {  	_ =	swait.ge [sflag:s11], $0x2800  }
0x3b: {  	[sflag:s11] =	ssyncset.done $0x0  }
0x3c: {  	s22 =	sadd.s32 $0x1900, s31;
	s23 =	simm.s32 $0x8;
	[sflag:s11] =	ssyncadd.s32 $0xFFFFD800  }
0x3d: {  	[hbm4b:s22+s3] =	stream.linear.scatter [tilespmem:s7], [sflag:$0x6], $0x2800, $0x38;
	[tilespmem:$0xA380] =	vst v63  }
0x3e: {  	_ =	swait.ge [sflag:s23], $0x2800  }
0x3f: {  	[sflag:s23] =	ssyncset.done $0x0  }
0x40: {  	s24 =	simm.s32 $0x230;
	[sflag:s23] =	ssyncadd.s32 $0xFFFFD800  }
0x41: {  	[tilespmem:s13], [sflag:$0x4] =	stream.indirect.gather [hbm4b:s2+s5], $0x80, s24, s5, $0xb8;
	[tilespmem:$0xA380] =	vst v63  }
0x42: {  	_ =	swait.ge [sflag:s14], $0x2800  }
0x43: {  	[sflag:s14] =	ssyncset.done $0x0  }
0x44: {  	s25 =	sadd.s32 $0x1E00, s31;
	[sflag:s14] =	ssyncadd.s32 $0xFFFFD800  }
0x45: {  	[hbm4b:s25+s3] =	stream.linear.scatter [tilespmem:s10], [sflag:$0x7], $0x2800, $0x38;
	[tilespmem:$0xA380] =	vst v63  }
0x46: {  	_ =	swait.ge [sflag:s15], $0x2800  }
0x47: {  	[sflag:s15] =	ssyncset.done $0x0  }
0x48: {  	s26 =	simm.s32 $0x280;
	[sflag:s15] =	ssyncadd.s32 $0xFFFFD800  }
0x49: {  	[tilespmem:s6], [sflag:$0x1] =	stream.indirect.gather [hbm4b:s2+s5], $0x80, s26, s5, $0xb8;
	[tilespmem:$0xA380] =	vst v63  }
0x4a: {  	_ =	swait.ge [sflag:s17], $0x2800  }
0x4b: {  	[sflag:s17] =	ssyncset.done $0x0  }
0x4c: {  	s28 =	sadd.s32 $0x2300, s31;
	[sflag:s17] =	ssyncadd.s32 $0xFFFFD800  }
0x4d: {  	[hbm4b:s28+s3] =	stream.linear.scatter [tilespmem:s13], [sflag:$0x8], $0x2800, $0x38;
	[tilespmem:$0xA380] =	vst v63  }
0x4e: {  	_ =	swait.ge [sflag:s18], $0x2800  }
0x4f: {  	[sflag:s18] =	ssyncset.done $0x0  }
0x50: {  	s29 =	simm.s32 $0x2D0;
	[sflag:s18] =	ssyncadd.s32 $0xFFFFD800  }
0x51: {  	[tilespmem:s7], [sflag:$0x2] =	stream.indirect.gather [hbm4b:s2+s5], $0x80, s29, s5, $0xb8;
	[tilespmem:$0xA380] =	vst v63  }
0x52: {  	_ =	swait.ge [sflag:s8], $0x2800  }
0x53: {  	[sflag:s8] =	ssyncset.done $0x0  }
0x54: {  	s30 =	sadd.s32 $0x2800, s31;
	[sflag:s8] =	ssyncadd.s32 $0xFFFFD800  }
0x55: {  	[hbm4b:s30+s3] =	stream.linear.scatter [tilespmem:s6], [sflag:$0x5], $0x2800, $0x38;
	[tilespmem:$0xA380] =	vst v63  }
0x56: {  	_ =	swait.ge [sflag:s11], $0x2800  }
0x57: {  	[sflag:s11] =	ssyncset.done $0x0  }
0x58: {  	s31 =	sadd.s32 $0x2D00, s31;
	[sflag:s11] =	ssyncadd.s32 $0xFFFFD800  }
0x59: {  	[hbm4b:s31+s3] =	stream.linear.scatter [tilespmem:s7], [sflag:$0x6], $0x2800, $0x38;
	[tilespmem:$0xA380] =	vst v63  }
0x5a: {  	s1 =	ssub.s32 $0x2, s1;
	_ =	swait.ge [sflag:s20], $0x2800  }
0x5b: {  	s0 =	sshrl.u32 s1, $0x1;
	[sflag:s20] =	ssyncset.done $0x0  }
0x5c: {  	s0 =	ssub.s32 s1, s0;
	[sflag:s20] =	ssyncadd.s32 $0xFFFFD800  }
0x5d: {  	s0 =	smax.u32 s0, $0x1;
	_ =	swait.ge [sflag:s23], $0x2800  }
0x5e: {  	p0 =	sne.s32 s0, $0x1;
	[sflag:s23] =	ssyncset.done $0x0  }
.Ltmp0:
0x5f: {  	[sflag:s23] =	ssyncadd.s32 $0xFFFFD800;
	(pc) =	sbr.rel @!p0 .LBB2_2-.Ltmp0, $4  }
0x60: {  	_ =	swait.ge [sflag:s15], $0x2800  }
0x61: {  	[sflag:s15] =	ssyncset.done $0x0  }
0x62: {  	[sflag:s15] =	ssyncadd.s32 $0xFFFFD800  }
0x63: {  	s1 =	sadd.s32 $0xFFFFFFFF, s0;
	_ =	swait.ge [sflag:s18], $0x2800  }
.LBB2_1:
0x64: {  	[sflag:s18] =	ssyncset.done $0x0  }
0x65: {  	s0 =	rddreg [dreg:$0x3];
	[sflag:s18] =	ssyncadd.s32 $0xFFFFD800  }
0x66: {  	[tilespmem:s3], [sflag:$0x9] =	stream.linear.gather [hbm4b:s0+s3], $0x320, $0x38;
	[tilespmem:$0xA380] =	vst v63  }
0x67: {  	_ =	swait.ge [sflag:s4], $0x320  }
0x68: {  	[sflag:s4] =	ssyncset.done $0x0  }
0x69: {  	[sflag:s4] =	ssyncadd.s32 $0xFFFFFCE0  }
0x6a: {  	[tilespmem:s6], [sflag:$0x1] =	stream.indirect.gather [hbm4b:s2+s5], $0x80, s3, s5, $0xb8;
	[tilespmem:$0xA380] =	vst v63  }
0x6b: {  	_ = 	snop  }
0x6c: {  	[tilespmem:s7], [sflag:$0x2] =	stream.indirect.gather [hbm4b:s2+s5], $0x80, s5, s5, $0xb8;
	[tilespmem:$0xA380] =	vst v63  }
0x6d: {  	_ =	swait.ge [sflag:s8], $0x2800  }
0x6e: {  	[sflag:s8] =	ssyncset.done $0x0  }
0x6f: {  	s0 =	rddreg [dreg:$0x4];
	[sflag:s8] =	ssyncadd.s32 $0xFFFFD800  }
0x70: {  	[hbm4b:s0+s3] =	stream.linear.scatter [tilespmem:s6], [sflag:$0x5], $0x2800, $0x38;
	[tilespmem:$0xA380] =	vst v63  }
0x71: {  	_ = 	snop  }
0x72: {  	[tilespmem:s10], [sflag:$0x3] =	stream.indirect.gather [hbm4b:s2+s5], $0x80, s9, s5, $0xb8;
	[tilespmem:$0xA380] =	vst v63  }
0x73: {  	_ =	swait.ge [sflag:s11], $0x2800  }
0x74: {  	[sflag:s11] =	ssyncset.done $0x0  }
0x75: {  	s0 =	rddreg [dreg:$0x5];
	[sflag:s11] =	ssyncadd.s32 $0xFFFFD800  }
0x76: {  	[hbm4b:s0+s3] =	stream.linear.scatter [tilespmem:s7], [sflag:$0x6], $0x2800, $0x38;
	[tilespmem:$0xA380] =	vst v63  }
0x77: {  	_ = 	snop  }
0x78: {  	[tilespmem:s13], [sflag:$0x4] =	stream.indirect.gather [hbm4b:s2+s5], $0x80, s12, s5, $0xb8;
	[tilespmem:$0xA380] =	vst v63  }
0x79: {  	_ =	swait.ge [sflag:s14], $0x2800  }
0x7a: {  	[sflag:s14] =	ssyncset.done $0x0  }
0x7b: {  	s0 =	rddreg [dreg:$0x6];
	[sflag:s14] =	ssyncadd.s32 $0xFFFFD800  }
0x7c: {  	[hbm4b:s0+s3] =	stream.linear.scatter [tilespmem:s10], [sflag:$0x7], $0x2800, $0x38;
	[tilespmem:$0xA380] =	vst v63  }
0x7d: {  	_ =	swait.ge [sflag:s15], $0x2800  }
0x7e: {  	[sflag:s15] =	ssyncset.done $0x0  }
0x7f: {  	[sflag:s15] =	ssyncadd.s32 $0xFFFFD800  }
0x80: {  	[tilespmem:s6], [sflag:$0x1] =	stream.indirect.gather [hbm4b:s2+s5], $0x80, s16, s5, $0xb8;
	[tilespmem:$0xA380] =	vst v63  }
0x81: {  	_ =	swait.ge [sflag:s17], $0x2800  }
0x82: {  	[sflag:s17] =	ssyncset.done $0x0  }
0x83: {  	s0 =	rddreg [dreg:$0x7];
	[sflag:s17] =	ssyncadd.s32 $0xFFFFD800  }
0x84: {  	[hbm4b:s0+s3] =	stream.linear.scatter [tilespmem:s13], [sflag:$0x8], $0x2800, $0x38;
	[tilespmem:$0xA380] =	vst v63  }
0x85: {  	_ =	swait.ge [sflag:s18], $0x2800  }
0x86: {  	[sflag:s18] =	ssyncset.done $0x0  }
0x87: {  	[sflag:s18] =	ssyncadd.s32 $0xFFFFD800  }
0x88: {  	[tilespmem:s7], [sflag:$0x2] =	stream.indirect.gather [hbm4b:s2+s5], $0x80, s19, s5, $0xb8;
	[tilespmem:$0xA380] =	vst v63  }
0x89: {  	_ =	swait.ge [sflag:s8], $0x2800  }
0x8a: {  	[sflag:s8] =	ssyncset.done $0x0  }
0x8b: {  	s0 =	rddreg [dreg:$0x8];
	[sflag:s8] =	ssyncadd.s32 $0xFFFFD800  }
0x8c: {  	[hbm4b:s0+s3] =	stream.linear.scatter [tilespmem:s6], [sflag:$0x5], $0x2800, $0x38;
	[tilespmem:$0xA380] =	vst v63  }
0x8d: {  	_ =	swait.ge [sflag:s20], $0x2800  }
0x8e: {  	[sflag:s20] =	ssyncset.done $0x0  }
0x8f: {  	[sflag:s20] =	ssyncadd.s32 $0xFFFFD800  }
0x90: {  	[tilespmem:s10], [sflag:$0x3] =	stream.indirect.gather [hbm4b:s2+s5], $0x80, s21, s5, $0xb8;
	[tilespmem:$0xA380] =	vst v63  }
0x91: {  	_ =	swait.ge [sflag:s11], $0x2800  }
0x92: {  	[sflag:s11] =	ssyncset.done $0x0  }
0x93: {  	[sflag:s11] =	ssyncadd.s32 $0xFFFFD800  }
0x94: {  	[hbm4b:s22+s3] =	stream.linear.scatter [tilespmem:s7], [sflag:$0x6], $0x2800, $0x38;
	[tilespmem:$0xA380] =	vst v63  }
0x95: {  	_ =	swait.ge [sflag:s23], $0x2800  }
0x96: {  	[sflag:s23] =	ssyncset.done $0x0  }
0x97: {  	[sflag:s23] =	ssyncadd.s32 $0xFFFFD800  }
0x98: {  	[tilespmem:s13], [sflag:$0x4] =	stream.indirect.gather [hbm4b:s2+s5], $0x80, s24, s5, $0xb8;
	[tilespmem:$0xA380] =	vst v63  }
0x99: {  	_ =	swait.ge [sflag:s14], $0x2800  }
0x9a: {  	[sflag:s14] =	ssyncset.done $0x0  }
0x9b: {  	[sflag:s14] =	ssyncadd.s32 $0xFFFFD800  }
0x9c: {  	[hbm4b:s25+s3] =	stream.linear.scatter [tilespmem:s10], [sflag:$0x7], $0x2800, $0x38;
	[tilespmem:$0xA380] =	vst v63  }
0x9d: {  	_ =	swait.ge [sflag:s15], $0x2800  }
0x9e: {  	[sflag:s15] =	ssyncset.done $0x0  }
0x9f: {  	[sflag:s15] =	ssyncadd.s32 $0xFFFFD800  }
0xa0: {  	[tilespmem:s6], [sflag:$0x1] =	stream.indirect.gather [hbm4b:s2+s5], $0x80, s26, s5, $0xb8;
	[tilespmem:$0xA380] =	vst v63  }
0xa1: {  	_ =	swait.ge [sflag:s17], $0x2800  }
0xa2: {  	[sflag:s17] =	ssyncset.done $0x0  }
0xa3: {  	[sflag:s17] =	ssyncadd.s32 $0xFFFFD800  }
0xa4: {  	[hbm4b:s28+s3] =	stream.linear.scatter [tilespmem:s13], [sflag:$0x8], $0x2800, $0x38;
	[tilespmem:$0xA380] =	vst v63  }
0xa5: {  	_ =	swait.ge [sflag:s18], $0x2800  }
0xa6: {  	[sflag:s18] =	ssyncset.done $0x0  }
0xa7: {  	[sflag:s18] =	ssyncadd.s32 $0xFFFFD800  }
0xa8: {  	[tilespmem:s7], [sflag:$0x2] =	stream.indirect.gather [hbm4b:s2+s5], $0x80, s29, s5, $0xb8;
	[tilespmem:$0xA380] =	vst v63  }
0xa9: {  	_ =	swait.ge [sflag:s8], $0x2800  }
0xaa: {  	[sflag:s8] =	ssyncset.done $0x0  }
0xab: {  	[sflag:s8] =	ssyncadd.s32 $0xFFFFD800  }
0xac: {  	[hbm4b:s30+s3] =	stream.linear.scatter [tilespmem:s6], [sflag:$0x5], $0x2800, $0x38;
	[tilespmem:$0xA380] =	vst v63  }
0xad: {  	_ =	swait.ge [sflag:s11], $0x2800  }
0xae: {  	[sflag:s11] =	ssyncset.done $0x0  }
0xaf: {  	[sflag:s11] =	ssyncadd.s32 $0xFFFFD800  }
0xb0: {  	[hbm4b:s31+s3] =	stream.linear.scatter [tilespmem:s7], [sflag:$0x6], $0x2800, $0x38;
	[tilespmem:$0xA380] =	vst v63  }
0xb1: {  	_ =	swait.ge [sflag:s20], $0x2800  }
0xb2: {  	[sflag:s20] =	ssyncset.done $0x0  }
0xb3: {  	[sflag:s20] =	ssyncadd.s32 $0xFFFFD800  }
0xb4: {  	_ =	swait.ge [sflag:s23], $0x2800  }
0xb5: {  	p0 =	sne.s32 s1, $0x1;
	[sflag:s23] =	ssyncset.done $0x0  }
.Ltmp1:
0xb6: {  	[sflag:s23] =	ssyncadd.s32 $0xFFFFD800;
	(pc) =	sbr.rel @p0 .LBB2_1-.Ltmp1, $4  }
0xb7: {  	_ =	swait.ge [sflag:s15], $0x2800  }
0xb8: {  	[sflag:s15] =	ssyncset.done $0x0  }
0xb9: {  	[sflag:s15] =	ssyncadd.s32 $0xFFFFD800  }
0xba: {  	s1 =	sadd.s32 $0xFFFFFFFF, s1;
	_ =	swait.ge [sflag:s18], $0x2800  }
.LBB2_2:
0xbb: {  	[sflag:s18] =	ssyncset.done $0x0  }
0xbc: {  	[sflag:s18] =	ssyncadd.s32 $0xFFFFD800  }
0xbd: {  	_ =	sfence.sel $0x180000  }
0xbe: {  	[bflag:$0x0] =	sbarrier.arrive $0xFFFF  }
0xbf: {  	_ =	strace $0x90000047  }
0xc0: {  	s0 =	stileid.u32;
	[bflag:$0x2] =	sbarrier.arrive $0xFFFF  }
0xc1: {  	p0 =	sne.s32 s0, $0x0;
	s0 =	rddreg [dreg:$0x2]  }
0xc2: {  	s0 =	sadd.s32 @!p0 $0x100000, s0  }
0xc3: {  	[sflag:s0] =	ssyncadd.tile.s32 @!p0 $0x1;
	_ =	shalt  }
.Lfunc_end2:
_tile_overlayer_lowered:
.L_overlay_start_2:
0xc4: {  	(tag) =	ssettag $0x2  }
0xc5: {  	s0 =	rddreg [dreg:$0x0];
	s2 =	stileid.u32  }
0xc6: {  	s1 =	rddreg [dreg:$0x1];
	p0 =	sne.s32 s2, $0x0  }
0xc7: {  	s3 =	rddreg [dreg:$0x2];
	[bflag:$0x3] =	sbarrier.arrive $0xFFFF;
	s2 =	simm.s32 @!p0 $0x1C09  }
0xc8: {  	[timem:s3], [sflag:s2] =	dma.local @!p0 [hbm:s0], s1  }
0xc9: {  	s0 =	simm.s32 @!p0 $0x9  }
0xca: {  	_ =	swait.ge @!p0 [sflag:s0], s1  }
0xcb: {  	s1 =	ssub.s32 @!p0 $0x0, s1;
	[sflag:s0] =	ssyncset.done @!p0 $0x0  }
0xcc: {  	[sflag:s0] =	ssyncadd.s32 @!p0 s1  }
0xcd: {  	[bflag:$0x3] =	sbarrier.arrive $0xFFFF  }
0xce: {  	_ =	shalt  }

// kernel: kernel.9.cloned.1.call-start
scs
__scs_entry_jumppad:
0x0: {  	(pc) =	sbr.rel $0x88, $3  }
0x1: {  	(tag) =	ssettag $0x0;
	lr =	simm.s32 $0x1  }
0x2: {  	[smem:$0x3F9B] =	sst lr;
	_ =	strace $0xD0000000  }
0x3: {  	_ = 	snop  }
0x4: {  	_ = 	snop  }
0x5: {  	_ = 	snop  }
0x6: {  	_ = 	snop  }
0x7: {  	_ = 	snop  }
__scs_overlays_trampoline_lowered:
0x8: {  	[smem:$0x3FAA] =	sst s0  }
0x9: {  	[smem:$0x3FAB] =	sst s1  }
0xa: {  	[smem:$0x3FAC] =	sst s2  }
0xb: {  	[smem:$0x3FAD] =	sst s3  }
0xc: {  	[smem:$0x3FAE] =	sst s4  }
0xd: {  	[smem:$0x3FAF] =	sst s5  }
0xe: {  	[smem:$0x3FB0] =	sst s6  }
0xf: {  	[smem:$0x3FB1] =	sst s7  }
0x10: {  	[smem:$0x3FB2] =	sst s8  }
0x11: {  	[smem:$0x3FB3] =	sst s9;
	s0 =	simm.s32 @!p0 $0x0  }
0x12: {  	s1 =	sld [smem:$0x3F99];
	s0 =	simm.s32 @p0 $0x1  }
0x13: {  	[smem:$0x3FB4] =	sst s0;
	s0 =	simm.s32 @!p1 $0x0  }
0x14: {  	s2 =	sld [smem:$0x3F98];
	s0 =	simm.s32 @p1 $0x1  }
0x15: {  	[smem:$0x3FB5] =	sst s0;
	s0 =	simm.s32 @!p2 $0x0  }
0x16: {  	s3 =	sld [smem:$0x3FDB];
	s0 =	simm.s32 @p2 $0x1  }
0x17: {  	s4 =	simm.s32 $0x1BF5;
	[smem:$0x3FB7] =	sst s0  }
0x18: {  	s0 =	sld [smem:$0x3F9A];
	_ =	swait.ge [sflag:s4], $0x0  }
0x19: {  	s7 =	sld [smem:$0x3F9B]  }
0x1a: {  	s8 =	sadd.s32 $0xFFFFE003, lr  }
0x1b: {  	s9 =	sadd.s32 $0xFFFFFEF7, lr;
	s5 =	simm.s32 $0xFFFFFFFF;
	p2 =	slt.u32 s8, $0xFFFFF086  }
0x1c: {  	p1 =	slt.u32 s9, $0xF7A;
	s5 =	simm.s32 @!p2 $0x0  }
0x1d: {  	s5 =	simm.s32 @p1 $0x1;
	p0 =	seq.s32 s7, s2  }
0x1e: {  	s7 =	smul.u32 @!p0 $0xF7A, s2;
	p2 =	seq.s32 @!p0 s5, $0x0  }
0x1f: {  	s9 =	smul.u32 $0xF7A, s1;
	s8 =	simm.s32 @!p0 $0x1BF5;
	p2 =	por !p2, p0  }
0x20: {  	[sflag:s8] =	ssyncset.s32 @!p0 $0xFFFFF086;
	s6 =	sadd.s32 @!p0 s3, s7;
	s7 =	simm.s32 @!p0 $0x108  }
0x21: {  	s3 =	sadd.s32 s3, s9;
	s6 =	sadd.s32 @!p0 $0x88, s6;
	s7 =	simm.s32 @p2 $0x1082  }
0x22: {  	[simem:s7], [sflag:s8] =	dma.local @!p0 [hbm:s6], $0xF7A  }
0x23: {  	s9 =	sor.u32 $0xD0000000, s2;
	s6 =	simm.s32 $0x108;
	_ =	swait.ge @!p0 [sflag:s8], $0x0  }
0x24: {  	s3 =	sadd.s32 $0x88, s3;
	s6 =	simm.s32 @!p1 $0x1082;
	[sflag:s4] =	ssyncset.s32 $0xFFFFF086  }
0x25: {  	[simem:s6], [sflag:s4] =	dma.local [hbm:s3], $0xF7A  }
0x26: {  	[smem:$0x3F9B] =	sst s1;
	(tag) =	ssettag s2;
	_ =	strace s9  }
0x27: {  	s1 =	sld [smem:$0x3FAB]  }
0x28: {  	s2 =	sld [smem:$0x3FAC]  }
0x29: {  	s4 =	sld [smem:$0x3FAE]  }
0x2a: {  	p0 =	seq.s32 s5, $0x0;
	s5 =	sld [smem:$0x3FAF]  }
0x2b: {  	s6 =	sld [smem:$0x3FB0]  }
0x2c: {  	s7 =	sld [smem:$0x3FB1]  }
0x2d: {  	s3 =	simm.s32 $0x108;
	s8 =	sld [smem:$0x3FB2]  }
0x2e: {  	s3 =	simm.s32 @!p0 $0x1082;
	s9 =	sld [smem:$0x3FB3]  }
0x2f: {  	lr =	sadd.s32 s0, s3;
	s0 =	sld [smem:$0x3FAA]  }
0x30: {  	s3 =	sld [smem:$0x3FAD]  }
0x31: {  	[smem:$0x3FB6] =	sst s10  }
0x32: {  	s10 =	sld [smem:$0x3FB4];
	_ =	sdelay $0x3  }
0x33: {  	p0 =	seq.s32 s10, $0x1;
	s10 =	sld [smem:$0x3FB6];
	_ =	sdelay $0x3  }
0x34: {  	[smem:$0x3FB6] =	sst s10  }
0x35: {  	s10 =	sld [smem:$0x3FB5];
	_ =	sdelay $0x3  }
0x36: {  	p1 =	seq.s32 s10, $0x1;
	s10 =	sld [smem:$0x3FB6];
	_ =	sdelay $0x3  }
0x37: {  	[smem:$0x3FB6] =	sst s10  }
0x38: {  	s10 =	sld [smem:$0x3FB7]  }
0x39: {  	_ = 	snop;
	(pc) =	sbr.ind lr, $3  }
0x3a: {  	_ = 	snop  }
0x3b: {  	_ = 	snop  }
0x3c: {  	p2 =	seq.s32 s10, $0x1;
	s10 =	sld [smem:$0x3FB6]  }
0x3d: {  	_ =	shalt  }
0x3e: {  	_ =	shalt  }
0x3f: {  	_ =	shalt  }
0x40: {  	_ =	shalt  }
0x41: {  	_ =	shalt  }
0x42: {  	_ =	shalt  }
0x43: {  	_ =	shalt  }
0x44: {  	_ =	shalt  }
0x45: {  	_ =	shalt  }
0x46: {  	_ =	shalt  }
0x47: {  	_ =	shalt  }
0x48: {  	_ =	shalt  }
0x49: {  	_ =	shalt  }
0x4a: {  	_ =	shalt  }
0x4b: {  	_ =	shalt  }
0x4c: {  	_ =	shalt  }
0x4d: {  	_ =	shalt  }
0x4e: {  	_ =	shalt  }
0x4f: {  	_ =	shalt  }
0x50: {  	_ =	shalt  }
0x51: {  	_ =	shalt  }
0x52: {  	_ =	shalt  }
0x53: {  	_ =	shalt  }
0x54: {  	_ =	shalt  }
0x55: {  	_ =	shalt  }
0x56: {  	_ =	shalt  }
0x57: {  	_ =	shalt  }
0x58: {  	_ =	shalt  }
0x59: {  	_ =	shalt  }
0x5a: {  	_ =	shalt  }
0x5b: {  	_ =	shalt  }
0x5c: {  	_ =	shalt  }
0x5d: {  	_ =	shalt  }
0x5e: {  	_ =	shalt  }
0x5f: {  	_ =	shalt  }
0x60: {  	_ =	shalt  }
0x61: {  	_ =	shalt  }
0x62: {  	_ =	shalt  }
0x63: {  	_ =	shalt  }
0x64: {  	_ =	shalt  }
0x65: {  	_ =	shalt  }
0x66: {  	_ =	shalt  }
0x67: {  	_ =	shalt  }
0x68: {  	_ =	shalt  }
0x69: {  	_ =	shalt  }
0x6a: {  	_ =	shalt  }
0x6b: {  	_ =	shalt  }
0x6c: {  	_ =	shalt  }
0x6d: {  	_ =	shalt  }
0x6e: {  	_ =	shalt  }
0x6f: {  	_ =	shalt  }
0x70: {  	_ =	shalt  }
0x71: {  	_ =	shalt  }
0x72: {  	_ =	shalt  }
0x73: {  	_ =	shalt  }
0x74: {  	_ =	shalt  }
0x75: {  	_ =	shalt  }
0x76: {  	_ =	shalt  }
0x77: {  	_ =	shalt  }
0x78: {  	_ =	shalt  }
0x79: {  	_ =	shalt  }
0x7a: {  	_ =	shalt  }
0x7b: {  	_ =	shalt  }
0x7c: {  	_ =	shalt  }
0x7d: {  	_ =	shalt  }
0x7e: {  	_ =	shalt  }
0x7f: {  	_ =	shalt  }
0x80: {  	_ =	shalt  }
0x81: {  	_ =	shalt  }
0x82: {  	_ =	shalt  }
0x83: {  	_ =	shalt  }
0x84: {  	_ =	shalt  }
0x85: {  	_ =	shalt  }
0x86: {  	_ =	shalt  }
0x87: {  	_ =	shalt  }
.Lfunc_end0:
.L_simem_size_0:
called_computation.1_lowered:
.L_overlay_start_0:
0x88: {  	s2 =	sld [smem:$0x3FD9]  }
0x89: {  	s3 =	sld [smem:$0x3FFE];
	_ =	sdelay $0x1  }
0x8a: {  	s1 =	srdreg.scid  }
0x8b: {  	s0 =	sand.u32 $0x1, s1  }
0x8c: {  	s17 =	sshll.u32 s0, $0xA;
	s2 =	sadd.s32 s3, s2  }
0x8d: {  	s2 =	sadd.s32 s2, s17  }
0x8e: {  	[smem:$0x3FC2] =	sst s2  }
0x8f: {  	_ = 	snop  }
0x90: {  	s18 =	sld [smem:$0x3FC8]  }
0x91: {  	s4 =	sld [smem:$0x3FD0];
	(tm) =	ssettm $0x1  }
0x92: {  	s19 =	sld [smem:$0x3FFB];
	_ =	sdelay $0x3  }
0x93: {  	_ =	strace s19  }
0x94: {  	s2 =	sld [smem:$0x3FFC];
	_ =	sdelay $0x3  }
0x95: {  	_ =	strace s2  }
0x96: {  	s2 =	sld [smem:$0x3FFD];
	_ =	sdelay $0x3  }
0x97: {  	_ =	strace s2  }
0x98: {  	_ =	strace $0x8FFFFFFF  }
0x99: {  	s20 =	sld [smem:$0x3FDB];
	_ =	sdelay $0x1  }
0x9a: {  	s5 =	simm.s32 $_scs_section_size  }
0x9b: {  	s6 =	simm.s32 $_size__tile_overlayer_lowered;
	s7 =	simm.s32 $_tile_overlayer_lowered  }
0x9c: {  	s8 =	simm.s32 $0x1BFF;
	s21 =	sshll.u32 s7, $0x1;
	s5 =	sadd.s32 s5, s20  }
0x9d: {  	s22 =	simm.s32 $0x0;
	s6 =	sshll.u32 s6, $0x1;
	s7 =	sadd.s32 s21, s5  }
0x9e: {  	[timem:s22], [sflag:s8] =	dma.local [hbm:s7], s6  }
0x9f: {  	_ =	swait.ge [sflag:s8], s6  }
0xa0: {  	s6 =	ssub.s32 $0x0, s6;
	[sflag:s8] =	ssyncset.done $0x0  }
0xa1: {  	[sflag:s8] =	ssyncadd.s32 s6;
	_ =	sdelay $0x1  }
0xa2: {  	s23 =	simm.s32 $0x1B8B  }
0xa3: {  	_ =	swait.ge [sflag:s23], $0x1  }
0xa4: {  	[sflag:s23] =	ssyncset.done $0x0  }
0xa5: {  	[sflag:s23] =	ssyncadd.s32 $0xFFFFFFFF  }
0xa6: {  	s6 =	sld [smem:$0x0]  }
0xa7: {  	s7 =	sand.u32 $0xFFFFFFFE, s1  }
0xa8: {  	p0 =	sne.s32 s1, s7  }
0xa9: {  	s7 =	sshll.u32 @p0 s7, $0xE  }
0xaa: {  	s7 =	sadd.s32 @p0 $0x11B8D, s7;
	s8 =	sshll.u32 @p0 s6, $0x11  }
0xab: {  	s7 =	sor.u32 @p0 s8, s7  }
0xac: {  	[sflag:s7] =	ssyncadd.remote.s32 @p0 $0x1;
	_ =	sdelay $0x1  }
0xad: {  	s7 =	simm.s32 @p0 $0x1B8D  }
0xae: {  	_ =	swait.eq @p0 [sflag:s7], $0x1  }
0xaf: {  	[sflag:s7] =	ssyncadd.s32 @p0 $0xFFFFFFFF  }
0xb0: {  	s8 =	sshll.u32 @!p0 s1, $0xE  }
0xb1: {  	s8 =	sor.u32 @!p0 $0x4000, s8;
	s7 =	simm.s32 @!p0 $0x1B8D  }
0xb2: {  	s6 =	sshll.u32 @!p0 s6, $0x11;
	s8 =	sadd.s32 @!p0 $0x11B8D, s8;
	_ =	swait.eq @!p0 [sflag:s7], $0x1  }
0xb3: {  	s6 =	sor.u32 @!p0 s6, s8;
	[sflag:s7] =	ssyncadd.s32 @!p0 $0xFFFFFFFF  }
0xb4: {  	s25 =	simm.s32 $0x1B8E;
	s24 =	sld [smem:$0x3FFE];
	[sflag:s6] =	ssyncadd.remote.s32 @!p0 $0x1  }
0xb5: {  	s26 =	simm.s32 $execute0_lowered;
	[smem:$0x3FD2] =	sst s25  }
0xb6: {  	s7 =	sshll.u32 s26, $0x1;
	_ =	strace $0x80000049;
	[dreg:$0x1] =	wrdreg $0xFFFFFFFF  }
0xb7: {  	s28 =	simm.s32 $_size_execute0_lowered;
	s5 =	sadd.s32 s5, s7;
	[dreg:$0x0] =	wrdreg $0x0  }
0xb8: {  	s7 =	sshll.u32 s28, $0x1;
	[dreg:$0x2] =	wrdreg s5  }
0xb9: {  	[dreg:$0x3] =	wrdreg s7  }
0xba: {  	[dreg:$0x4] =	wrdreg $0xC0  }
0xbb: {  	_ =	task [dreg:s22], $0x5FFFF  }
0xbc: {  	[dreg:$0x1] =	wrdreg $0xFFFFFFFF  }
0xbd: {  	[dreg:$0x0] =	wrdreg $0x60  }
0xbe: {  	[dreg:$0x2] =	wrdreg s4  }
0xbf: {  	[dreg:$0x3] =	wrdreg s18  }
0xc0: {  	[dreg:$0x4] =	wrdreg s24  }
0xc1: {  	[dreg:$0x5] =	wrdreg $0xA  }
0xc2: {  	_ =	task.clear_ibuf [dreg:s22], $0x6FFFF;
	_ =	strace $0x90000049  }
0xc3: {  	s29 =	simm.s32 $0xA;
	_ =	strace $0x8000004B  }
0xc4: {  	_ =	swait.ge [sflag:s29], $0x1  }
0xc5: {  	[sflag:s29] =	ssyncadd.s32 $0xFFFFFFFF  }
0xc6: {  	_ =	strace $0x9000004B  }
0xc7: {  	_ =	sfence  }
0xc8: {  	s30 =	sld [smem:$0x0];
	_ =	sdelay $0x2  }
0xc9: {  	s31 =	sshll.u32 s1, $0xD;
	s1 =	sshrl.u32 s1, $0x2  }
0xca: {  	s4 =	sand.u32 $0x4000, s31;
	s1 =	sadd.s32 s1, s30  }
0xcb: {  	s0 =	sor.u32 s4, s0;
	s1 =	sshll.u32 s1, $0x11  }
0xcc: {  	s0 =	sor.u32 s1, s0  }
0xcd: {  	s0 =	sadd.s32 $0x8F2B, s0  }
0xce: {  	[sflag:s0] =	ssyncadd.remote.s32 $0x1  }
0xcf: {  	_ =	sfence.sel $0xFFFF  }
0xd0: {  	[dreg:$0x0] =	wrdreg $0xFFFFFFFF;
	(pc) =	sbr.abs _section_cstart, $3  }
0xd1: {  	[dreg:$0x1] =	wrdreg $0xFFFFFFFF  }
0xd2: {  	_ =	task.clear_ibuf [dreg:s22], $0x2FFFF;
	_ =	strace $0x9FFFFFFF  }
0xd3: {  	(tm) =	ssettm $0x7FFFFFFF  }
tec
execute0_lowered:
.L_overlay_start_1:
0x0: {  	(tag) =	ssettag $0x1  }
0x1: {  	s1 =	srdreg.scid;
	s0 =	stileid.u32  }
0x2: {  	s1 =	sand.u32 $0x1, s1;
	s3 =	sshll.u32 s0, $0x1  }
0x3: {  	s4 =	rddreg [dreg:$0x0];
	s6 =	sor.u32 s1, s3  }
0x4: {  	s2 =	rddreg [dreg:$0x1];
	s7 =	smul.u32 $0x64, s6  }
0x5: {  	s5 =	rddreg [dreg:$0x2];
	s3 =	simm.s32 $0x0;
	s8 =	smul.u32 $0x19000, s6  }
0x6: {  	[smem:$0x7FF] =	sst s3;
	s6 =	smul.u32 $0x3200, s6  }
0x7: {  	s5 =	sadd.s32 $0x66800, s5;
	_ =	strace $0x8000004A;
	s4 =	sadd.s32 s4, s7  }
0x8: {  	s20 =	sshrl.u32 s8, $0x3;
	s21 =	sadd.s32 s5, s6;
	[dreg:$0x4] =	wrdreg s4  }
0x9: {  	s31 =	sadd.s32 s5, s20;
	[dreg:$0x5] =	wrdreg s21  }
0xa: {  	s22 =	sadd.s32 $0x500, s31;
	s25 =	rddreg [dreg:$0x4]  }
0xb: {  	s23 =	sadd.s32 $0xA00, s31;
	[dreg:$0x6] =	wrdreg s22  }
0xc: {  	s24 =	sadd.s32 $0xF00, s31;
	[dreg:$0x7] =	wrdreg s23  }
0xd: {  	s26 =	sadd.s32 $0x1400, s31;
	[dreg:$0x8] =	wrdreg s24  }
0xe: {  	s4 =	simm.s32 $0x9;
	[dreg:$0x9] =	wrdreg s26  }
0xf: {  	[tilespmem:s3], [sflag:$0x9] =	stream.linear.gather [hbm4b:s25+s3], $0x320, $0x38;
	[tilespmem:$0xA380] =	vst v63  }
0x10: {  	_ =	swait.ge [sflag:s4], $0x320  }
0x11: {  	[sflag:s4] =	ssyncset.done $0x0  }
0x12: {  	s6 =	simm.s32 $0x380;
	s5 =	simm.s32 $0x50;
	[sflag:s4] =	ssyncadd.s32 $0xFFFFFCE0  }
0x13: {  	[tilespmem:s6], [sflag:$0x1] =	stream.indirect.gather [hbm4b:s2+s5], $0x80, s3, s5, $0xb8;
	[tilespmem:$0xA380] =	vst v63  }
0x14: {  	s7 =	simm.s32 $0x2B80;
	s8 =	simm.s32 $0x1  }
0x15: {  	[tilespmem:s7], [sflag:$0x2] =	stream.indirect.gather [hbm4b:s2+s5], $0x80, s5, s5, $0xb8;
	[tilespmem:$0xA380] =	vst v63  }
0x16: {  	_ =	swait.ge [sflag:s8], $0x2800  }
0x17: {  	[sflag:s8] =	ssyncset.done $0x0  }
0x18: {  	s9 =	rddreg [dreg:$0x5];
	[sflag:s8] =	ssyncadd.s32 $0xFFFFD800  }
0x19: {  	[hbm4b:s9+s3] =	stream.linear.scatter [tilespmem:s6], [sflag:$0x5], $0x2800, $0x38;
	[tilespmem:$0xA380] =	vst v63  }
0x1a: {  	s10 =	simm.s32 $0x5380;
	s11 =	simm.s32 $0x2;
	s9 =	simm.s32 $0xA0  }
0x1b: {  	[tilespmem:s10], [sflag:$0x3] =	stream.indirect.gather [hbm4b:s2+s5], $0x80, s9, s5, $0xb8;
	[tilespmem:$0xA380] =	vst v63  }
0x1c: {  	_ =	swait.ge [sflag:s11], $0x2800  }
0x1d: {  	[sflag:s11] =	ssyncset.done $0x0  }
0x1e: {  	s12 =	rddreg [dreg:$0x6];
	[sflag:s11] =	ssyncadd.s32 $0xFFFFD800  }
0x1f: {  	[hbm4b:s12+s3] =	stream.linear.scatter [tilespmem:s7], [sflag:$0x6], $0x2800, $0x38;
	[tilespmem:$0xA380] =	vst v63  }
0x20: {  	s13 =	simm.s32 $0x7B80;
	s14 =	simm.s32 $0x3;
	s12 =	simm.s32 $0xF0  }
0x21: {  	[tilespmem:s13], [sflag:$0x4] =	stream.indirect.gather [hbm4b:s2+s5], $0x80, s12, s5, $0xb8;
	[tilespmem:$0xA380] =	vst v63  }
0x22: {  	_ =	swait.ge [sflag:s14], $0x2800  }
0x23: {  	[sflag:s14] =	ssyncset.done $0x0  }
0x24: {  	s15 =	simm.s32 $0x5;
	s16 =	rddreg [dreg:$0x7];
	[sflag:s14] =	ssyncadd.s32 $0xFFFFD800  }
0x25: {  	[hbm4b:s16+s3] =	stream.linear.scatter [tilespmem:s10], [sflag:$0x7], $0x2800, $0x38;
	[tilespmem:$0xA380] =	vst v63  }
0x26: {  	_ =	swait.ge [sflag:s15], $0x2800  }
0x27: {  	[sflag:s15] =	ssyncset.done $0x0  }
0x28: {  	s17 =	simm.s32 $0x4;
	s16 =	simm.s32 $0x140;
	[sflag:s15] =	ssyncadd.s32 $0xFFFFD800  }
0x29: {  	[tilespmem:s6], [sflag:$0x1] =	stream.indirect.gather [hbm4b:s2+s5], $0x80, s16, s5, $0xb8;
	[tilespmem:$0xA380] =	vst v63  }
0x2a: {  	_ =	swait.ge [sflag:s17], $0x2800  }
0x2b: {  	[sflag:s17] =	ssyncset.done $0x0  }
0x2c: {  	s18 =	simm.s32 $0x6;
	s19 =	rddreg [dreg:$0x8];
	[sflag:s17] =	ssyncadd.s32 $0xFFFFD800  }
0x2d: {  	[hbm4b:s19+s3] =	stream.linear.scatter [tilespmem:s13], [sflag:$0x8], $0x2800, $0x38;
	[tilespmem:$0xA380] =	vst v63  }
0x2e: {  	_ =	swait.ge [sflag:s18], $0x2800  }
0x2f: {  	[sflag:s18] =	ssyncset.done $0x0  }
0x30: {  	s19 =	simm.s32 $0x190;
	[sflag:s18] =	ssyncadd.s32 $0xFFFFD800  }
0x31: {  	[tilespmem:s7], [sflag:$0x2] =	stream.indirect.gather [hbm4b:s2+s5], $0x80, s19, s5, $0xb8;
	[tilespmem:$0xA380] =	vst v63  }
0x32: {  	_ =	swait.ge [sflag:s8], $0x2800  }
0x33: {  	[sflag:s8] =	ssyncset.done $0x0  }
0x34: {  	s20 =	simm.s32 $0x7;
	s21 =	rddreg [dreg:$0x9];
	[sflag:s8] =	ssyncadd.s32 $0xFFFFD800  }
0x35: {  	[hbm4b:s21+s3] =	stream.linear.scatter [tilespmem:s6], [sflag:$0x5], $0x2800, $0x38;
	[tilespmem:$0xA380] =	vst v63  }
0x36: {  	_ =	swait.ge [sflag:s20], $0x2800  }
0x37: {  	[sflag:s20] =	ssyncset.done $0x0  }
0x38: {  	s21 =	simm.s32 $0x1E0;
	[sflag:s20] =	ssyncadd.s32 $0xFFFFD800  }
0x39: {  	[tilespmem:s10], [sflag:$0x3] =	stream.indirect.gather [hbm4b:s2+s5], $0x80, s21, s5, $0xb8;
	[tilespmem:$0xA380] =	vst v63  }
0x3a: {  	_ =	swait.ge [sflag:s11], $0x2800  }
0x3b: {  	[sflag:s11] =	ssyncset.done $0x0  }
0x3c: {  	s22 =	sadd.s32 $0x1900, s31;
	s23 =	simm.s32 $0x8;
	[sflag:s11] =	ssyncadd.s32 $0xFFFFD800  }
0x3d: {  	[hbm4b:s22+s3] =	stream.linear.scatter [tilespmem:s7], [sflag:$0x6], $0x2800, $0x38;
	[tilespmem:$0xA380] =	vst v63  }
0x3e: {  	_ =	swait.ge [sflag:s23], $0x2800  }
0x3f: {  	[sflag:s23] =	ssyncset.done $0x0  }
0x40: {  	s24 =	simm.s32 $0x230;
	[sflag:s23] =	ssyncadd.s32 $0xFFFFD800  }
0x41: {  	[tilespmem:s13], [sflag:$0x4] =	stream.indirect.gather [hbm4b:s2+s5], $0x80, s24, s5, $0xb8;
	[tilespmem:$0xA380] =	vst v63  }
0x42: {  	_ =	swait.ge [sflag:s14], $0x2800  }
0x43: {  	[sflag:s14] =	ssyncset.done $0x0  }
0x44: {  	s25 =	sadd.s32 $0x1E00, s31;
	[sflag:s14] =	ssyncadd.s32 $0xFFFFD800  }
0x45: {  	[hbm4b:s25+s3] =	stream.linear.scatter [tilespmem:s10], [sflag:$0x7], $0x2800, $0x38;
	[tilespmem:$0xA380] =	vst v63  }
0x46: {  	_ =	swait.ge [sflag:s15], $0x2800  }
0x47: {  	[sflag:s15] =	ssyncset.done $0x0  }
0x48: {  	s26 =	simm.s32 $0x280;
	[sflag:s15] =	ssyncadd.s32 $0xFFFFD800  }
0x49: {  	[tilespmem:s6], [sflag:$0x1] =	stream.indirect.gather [hbm4b:s2+s5], $0x80, s26, s5, $0xb8;
	[tilespmem:$0xA380] =	vst v63  }
0x4a: {  	_ =	swait.ge [sflag:s17], $0x2800  }
0x4b: {  	[sflag:s17] =	ssyncset.done $0x0  }
0x4c: {  	s28 =	sadd.s32 $0x2300, s31;
	[sflag:s17] =	ssyncadd.s32 $0xFFFFD800  }
0x4d: {  	[hbm4b:s28+s3] =	stream.linear.scatter [tilespmem:s13], [sflag:$0x8], $0x2800, $0x38;
	[tilespmem:$0xA380] =	vst v63  }
0x4e: {  	_ =	swait.ge [sflag:s18], $0x2800  }
0x4f: {  	[sflag:s18] =	ssyncset.done $0x0  }
0x50: {  	s29 =	simm.s32 $0x2D0;
	[sflag:s18] =	ssyncadd.s32 $0xFFFFD800  }
0x51: {  	[tilespmem:s7], [sflag:$0x2] =	stream.indirect.gather [hbm4b:s2+s5], $0x80, s29, s5, $0xb8;
	[tilespmem:$0xA380] =	vst v63  }
0x52: {  	_ =	swait.ge [sflag:s8], $0x2800  }
0x53: {  	[sflag:s8] =	ssyncset.done $0x0  }
0x54: {  	s30 =	sadd.s32 $0x2800, s31;
	[sflag:s8] =	ssyncadd.s32 $0xFFFFD800  }
0x55: {  	[hbm4b:s30+s3] =	stream.linear.scatter [tilespmem:s6], [sflag:$0x5], $0x2800, $0x38;
	[tilespmem:$0xA380] =	vst v63  }
0x56: {  	_ =	swait.ge [sflag:s11], $0x2800  }
0x57: {  	[sflag:s11] =	ssyncset.done $0x0  }
0x58: {  	s31 =	sadd.s32 $0x2D00, s31;
	[sflag:s11] =	ssyncadd.s32 $0xFFFFD800  }
0x59: {  	[hbm4b:s31+s3] =	stream.linear.scatter [tilespmem:s7], [sflag:$0x6], $0x2800, $0x38;
	[tilespmem:$0xA380] =	vst v63  }
0x5a: {  	s1 =	ssub.s32 $0x2, s1;
	_ =	swait.ge [sflag:s20], $0x2800  }
0x5b: {  	s0 =	sshrl.u32 s1, $0x1;
	[sflag:s20] =	ssyncset.done $0x0  }
0x5c: {  	s0 =	ssub.s32 s1, s0;
	[sflag:s20] =	ssyncadd.s32 $0xFFFFD800  }
0x5d: {  	s0 =	smax.u32 s0, $0x1;
	_ =	swait.ge [sflag:s23], $0x2800  }
0x5e: {  	p0 =	sne.s32 s0, $0x1;
	[sflag:s23] =	ssyncset.done $0x0  }
.Ltmp0:
0x5f: {  	[sflag:s23] =	ssyncadd.s32 $0xFFFFD800;
	(pc) =	sbr.rel @!p0 .LBB2_2-.Ltmp0, $4  }
0x60: {  	_ =	swait.ge [sflag:s15], $0x2800  }
0x61: {  	[sflag:s15] =	ssyncset.done $0x0  }
0x62: {  	[sflag:s15] =	ssyncadd.s32 $0xFFFFD800  }
0x63: {  	s1 =	sadd.s32 $0xFFFFFFFF, s0;
	_ =	swait.ge [sflag:s18], $0x2800  }
.LBB2_1:
0x64: {  	[sflag:s18] =	ssyncset.done $0x0  }
0x65: {  	s0 =	rddreg [dreg:$0x4];
	[sflag:s18] =	ssyncadd.s32 $0xFFFFD800  }
0x66: {  	[tilespmem:s3], [sflag:$0x9] =	stream.linear.gather [hbm4b:s0+s3], $0x320, $0x38;
	[tilespmem:$0xA380] =	vst v63  }
0x67: {  	_ =	swait.ge [sflag:s4], $0x320  }
0x68: {  	[sflag:s4] =	ssyncset.done $0x0  }
0x69: {  	[sflag:s4] =	ssyncadd.s32 $0xFFFFFCE0  }
0x6a: {  	[tilespmem:s6], [sflag:$0x1] =	stream.indirect.gather [hbm4b:s2+s5], $0x80, s3, s5, $0xb8;
	[tilespmem:$0xA380] =	vst v63  }
0x6b: {  	_ = 	snop  }
0x6c: {  	[tilespmem:s7], [sflag:$0x2] =	stream.indirect.gather [hbm4b:s2+s5], $0x80, s5, s5, $0xb8;
	[tilespmem:$0xA380] =	vst v63  }
0x6d: {  	_ =	swait.ge [sflag:s8], $0x2800  }
0x6e: {  	[sflag:s8] =	ssyncset.done $0x0  }
0x6f: {  	s0 =	rddreg [dreg:$0x5];
	[sflag:s8] =	ssyncadd.s32 $0xFFFFD800  }
0x70: {  	[hbm4b:s0+s3] =	stream.linear.scatter [tilespmem:s6], [sflag:$0x5], $0x2800, $0x38;
	[tilespmem:$0xA380] =	vst v63  }
0x71: {  	_ = 	snop  }
0x72: {  	[tilespmem:s10], [sflag:$0x3] =	stream.indirect.gather [hbm4b:s2+s5], $0x80, s9, s5, $0xb8;
	[tilespmem:$0xA380] =	vst v63  }
0x73: {  	_ =	swait.ge [sflag:s11], $0x2800  }
0x74: {  	[sflag:s11] =	ssyncset.done $0x0  }
0x75: {  	s0 =	rddreg [dreg:$0x6];
	[sflag:s11] =	ssyncadd.s32 $0xFFFFD800  }
0x76: {  	[hbm4b:s0+s3] =	stream.linear.scatter [tilespmem:s7], [sflag:$0x6], $0x2800, $0x38;
	[tilespmem:$0xA380] =	vst v63  }
0x77: {  	_ = 	snop  }
0x78: {  	[tilespmem:s13], [sflag:$0x4] =	stream.indirect.gather [hbm4b:s2+s5], $0x80, s12, s5, $0xb8;
	[tilespmem:$0xA380] =	vst v63  }
0x79: {  	_ =	swait.ge [sflag:s14], $0x2800  }
0x7a: {  	[sflag:s14] =	ssyncset.done $0x0  }
0x7b: {  	s0 =	rddreg [dreg:$0x7];
	[sflag:s14] =	ssyncadd.s32 $0xFFFFD800  }
0x7c: {  	[hbm4b:s0+s3] =	stream.linear.scatter [tilespmem:s10], [sflag:$0x7], $0x2800, $0x38;
	[tilespmem:$0xA380] =	vst v63  }
0x7d: {  	_ =	swait.ge [sflag:s15], $0x2800  }
0x7e: {  	[sflag:s15] =	ssyncset.done $0x0  }
0x7f: {  	[sflag:s15] =	ssyncadd.s32 $0xFFFFD800  }
0x80: {  	[tilespmem:s6], [sflag:$0x1] =	stream.indirect.gather [hbm4b:s2+s5], $0x80, s16, s5, $0xb8;
	[tilespmem:$0xA380] =	vst v63  }
0x81: {  	_ =	swait.ge [sflag:s17], $0x2800  }
0x82: {  	[sflag:s17] =	ssyncset.done $0x0  }
0x83: {  	s0 =	rddreg [dreg:$0x8];
	[sflag:s17] =	ssyncadd.s32 $0xFFFFD800  }
0x84: {  	[hbm4b:s0+s3] =	stream.linear.scatter [tilespmem:s13], [sflag:$0x8], $0x2800, $0x38;
	[tilespmem:$0xA380] =	vst v63  }
0x85: {  	_ =	swait.ge [sflag:s18], $0x2800  }
0x86: {  	[sflag:s18] =	ssyncset.done $0x0  }
0x87: {  	[sflag:s18] =	ssyncadd.s32 $0xFFFFD800  }
0x88: {  	[tilespmem:s7], [sflag:$0x2] =	stream.indirect.gather [hbm4b:s2+s5], $0x80, s19, s5, $0xb8;
	[tilespmem:$0xA380] =	vst v63  }
0x89: {  	_ =	swait.ge [sflag:s8], $0x2800  }
0x8a: {  	[sflag:s8] =	ssyncset.done $0x0  }
0x8b: {  	s0 =	rddreg [dreg:$0x9];
	[sflag:s8] =	ssyncadd.s32 $0xFFFFD800  }
0x8c: {  	[hbm4b:s0+s3] =	stream.linear.scatter [tilespmem:s6], [sflag:$0x5], $0x2800, $0x38;
	[tilespmem:$0xA380] =	vst v63  }
0x8d: {  	_ =	swait.ge [sflag:s20], $0x2800  }
0x8e: {  	[sflag:s20] =	ssyncset.done $0x0  }
0x8f: {  	[sflag:s20] =	ssyncadd.s32 $0xFFFFD800  }
0x90: {  	[tilespmem:s10], [sflag:$0x3] =	stream.indirect.gather [hbm4b:s2+s5], $0x80, s21, s5, $0xb8;
	[tilespmem:$0xA380] =	vst v63  }
0x91: {  	_ =	swait.ge [sflag:s11], $0x2800  }
0x92: {  	[sflag:s11] =	ssyncset.done $0x0  }
0x93: {  	[sflag:s11] =	ssyncadd.s32 $0xFFFFD800  }
0x94: {  	[hbm4b:s22+s3] =	stream.linear.scatter [tilespmem:s7], [sflag:$0x6], $0x2800, $0x38;
	[tilespmem:$0xA380] =	vst v63  }
0x95: {  	_ =	swait.ge [sflag:s23], $0x2800  }
0x96: {  	[sflag:s23] =	ssyncset.done $0x0  }
0x97: {  	[sflag:s23] =	ssyncadd.s32 $0xFFFFD800  }
0x98: {  	[tilespmem:s13], [sflag:$0x4] =	stream.indirect.gather [hbm4b:s2+s5], $0x80, s24, s5, $0xb8;
	[tilespmem:$0xA380] =	vst v63  }
0x99: {  	_ =	swait.ge [sflag:s14], $0x2800  }
0x9a: {  	[sflag:s14] =	ssyncset.done $0x0  }
0x9b: {  	[sflag:s14] =	ssyncadd.s32 $0xFFFFD800  }
0x9c: {  	[hbm4b:s25+s3] =	stream.linear.scatter [tilespmem:s10], [sflag:$0x7], $0x2800, $0x38;
	[tilespmem:$0xA380] =	vst v63  }
0x9d: {  	_ =	swait.ge [sflag:s15], $0x2800  }
0x9e: {  	[sflag:s15] =	ssyncset.done $0x0  }
0x9f: {  	[sflag:s15] =	ssyncadd.s32 $0xFFFFD800  }
0xa0: {  	[tilespmem:s6], [sflag:$0x1] =	stream.indirect.gather [hbm4b:s2+s5], $0x80, s26, s5, $0xb8;
	[tilespmem:$0xA380] =	vst v63  }
0xa1: {  	_ =	swait.ge [sflag:s17], $0x2800  }
0xa2: {  	[sflag:s17] =	ssyncset.done $0x0  }
0xa3: {  	[sflag:s17] =	ssyncadd.s32 $0xFFFFD800  }
0xa4: {  	[hbm4b:s28+s3] =	stream.linear.scatter [tilespmem:s13], [sflag:$0x8], $0x2800, $0x38;
	[tilespmem:$0xA380] =	vst v63  }
0xa5: {  	_ =	swait.ge [sflag:s18], $0x2800  }
0xa6: {  	[sflag:s18] =	ssyncset.done $0x0  }
0xa7: {  	[sflag:s18] =	ssyncadd.s32 $0xFFFFD800  }
0xa8: {  	[tilespmem:s7], [sflag:$0x2] =	stream.indirect.gather [hbm4b:s2+s5], $0x80, s29, s5, $0xb8;
	[tilespmem:$0xA380] =	vst v63  }
0xa9: {  	_ =	swait.ge [sflag:s8], $0x2800  }
0xaa: {  	[sflag:s8] =	ssyncset.done $0x0  }
0xab: {  	[sflag:s8] =	ssyncadd.s32 $0xFFFFD800  }
0xac: {  	[hbm4b:s30+s3] =	stream.linear.scatter [tilespmem:s6], [sflag:$0x5], $0x2800, $0x38;
	[tilespmem:$0xA380] =	vst v63  }
0xad: {  	_ =	swait.ge [sflag:s11], $0x2800  }
0xae: {  	[sflag:s11] =	ssyncset.done $0x0  }
0xaf: {  	[sflag:s11] =	ssyncadd.s32 $0xFFFFD800  }
0xb0: {  	[hbm4b:s31+s3] =	stream.linear.scatter [tilespmem:s7], [sflag:$0x6], $0x2800, $0x38;
	[tilespmem:$0xA380] =	vst v63  }
0xb1: {  	_ =	swait.ge [sflag:s20], $0x2800  }
0xb2: {  	[sflag:s20] =	ssyncset.done $0x0  }
0xb3: {  	[sflag:s20] =	ssyncadd.s32 $0xFFFFD800  }
0xb4: {  	_ =	swait.ge [sflag:s23], $0x2800  }
0xb5: {  	p0 =	sne.s32 s1, $0x1;
	[sflag:s23] =	ssyncset.done $0x0  }
.Ltmp1:
0xb6: {  	[sflag:s23] =	ssyncadd.s32 $0xFFFFD800;
	(pc) =	sbr.rel @p0 .LBB2_1-.Ltmp1, $4  }
0xb7: {  	_ =	swait.ge [sflag:s15], $0x2800  }
0xb8: {  	[sflag:s15] =	ssyncset.done $0x0  }
0xb9: {  	[sflag:s15] =	ssyncadd.s32 $0xFFFFD800  }
0xba: {  	s1 =	sadd.s32 $0xFFFFFFFF, s1;
	_ =	swait.ge [sflag:s18], $0x2800  }
.LBB2_2:
0xbb: {  	[sflag:s18] =	ssyncset.done $0x0  }
0xbc: {  	[sflag:s18] =	ssyncadd.s32 $0xFFFFD800  }
0xbd: {  	_ =	sfence.sel $0x180000  }
0xbe: {  	[bflag:$0x0] =	sbarrier.arrive $0xFFFF  }
0xbf: {  	_ =	strace $0x9000004A  }
0xc0: {  	s0 =	stileid.u32;
	[bflag:$0x2] =	sbarrier.arrive $0xFFFF  }
0xc1: {  	p0 =	sne.s32 s0, $0x0;
	s0 =	rddreg [dreg:$0x3]  }
0xc2: {  	s0 =	sadd.s32 @!p0 $0x100000, s0  }
0xc3: {  	[sflag:s0] =	ssyncadd.tile.s32 @!p0 $0x1;
	_ =	shalt  }
.Lfunc_end2:
_tile_overlayer_lowered:
.L_overlay_start_2:
0xc4: {  	(tag) =	ssettag $0x2  }
0xc5: {  	s0 =	rddreg [dreg:$0x0];
	s2 =	stileid.u32  }
0xc6: {  	s1 =	rddreg [dreg:$0x1];
	p0 =	sne.s32 s2, $0x0  }
0xc7: {  	s3 =	rddreg [dreg:$0x2];
	[bflag:$0x3] =	sbarrier.arrive $0xFFFF;
	s2 =	simm.s32 @!p0 $0x1C09  }
0xc8: {  	[timem:s3], [sflag:s2] =	dma.local @!p0 [hbm:s0], s1  }
0xc9: {  	s0 =	simm.s32 @!p0 $0x9  }
0xca: {  	_ =	swait.ge @!p0 [sflag:s0], s1  }
0xcb: {  	s1 =	ssub.s32 @!p0 $0x0, s1;
	[sflag:s0] =	ssyncset.done @!p0 $0x0  }
0xcc: {  	[sflag:s0] =	ssyncadd.s32 @!p0 s1  }
0xcd: {  	[bflag:$0x3] =	sbarrier.arrive $0xFFFF  }
0xce: {  	_ =	shalt  }

</sc_bundles>
